<compile_context>
chip_gen: v7x
topology: tpu7x:2x2x1
jax: 0.10.2.dev20260603
libtpu: 0.0.44.dev20260713+nightly
codegen_flags: <defaults>
</compile_context>

<pallas_src>
import functools

import jax
import jax.numpy as jnp
from jax import lax
from jax.experimental import pallas as pl
from jax.experimental.pallas import tpu as pltpu
from jax.experimental.pallas import tpu_sc as plsc

NUM_ROWS = 1000000
FEAT = 64
BATCH = 4096
SEQ = 200
LANES = 16
NCHUNK = FEAT // LANES
NUM_CORES = 2
NUM_SUBCORES = 16
NUM_WORKERS = NUM_CORES * NUM_SUBCORES
SEQ_PER_W = BATCH // NUM_WORKERS
GCHUNK_A = 128
GCHUNK_B = SEQ - GCHUNK_A


def _rsqrt_newton(x):
    i = lax.bitcast_convert_type(x, jnp.int32)
    i = jnp.int32(0x5F3759DF) - lax.shift_right_logical(i, 1)
    y = lax.bitcast_convert_type(i, jnp.float32)
    for _ in range(3):
        y = y * (1.5 - (0.5 * x) * y * y)
    return y


def _make_sc_kernel():
    mesh = plsc.VectorSubcoreMesh(core_axis_name="c", subcore_axis_name="s")

    @functools.partial(
        pl.kernel,
        mesh=mesh,
        compiler_params=pltpu.CompilerParams(use_tc_tiling_on_sc=False),
        out_type=jax.ShapeDtypeStruct((BATCH, SEQ, FEAT), jnp.float32),
        scratch_types=[
            pltpu.VMEM((SEQ_PER_W * SEQ,), jnp.int32),
            pltpu.VMEM((SEQ, FEAT), jnp.float32),
            pltpu.VMEM((SEQ, FEAT), jnp.float32),
            pltpu.VMEM((SEQ, FEAT), jnp.float32),
            pltpu.VMEM((SEQ, FEAT), jnp.float32),
            pltpu.SemaphoreType.DMA,
            pltpu.SemaphoreType.DMA,
            pltpu.SemaphoreType.DMA,
            pltpu.SemaphoreType.DMA,
            pltpu.SemaphoreType.DMA,
            pltpu.SemaphoreType.DMA,
            pltpu.SemaphoreType.DMA,
            pltpu.SemaphoreType.DMA,
        ],
    )
    def sc_kernel(idx_hbm, table_hbm, out_hbm, idx_v,
                  b0, b1, b2, b3, g0, g1, g2, g3, w0, w1, w2, w3):
        bufs = (b0, b1, b2, b3)
        gsems = (g0, g1, g2, g3)
        wsems = (w0, w1, w2, w3)

        wid = lax.axis_index("s") * NUM_CORES + lax.axis_index("c")
        base = wid * SEQ_PER_W

        pltpu.sync_copy(idx_hbm.at[pl.ds(base * SEQ, SEQ_PER_W * SEQ)], idx_v)

        inv_n = jnp.float32(1.0 / SEQ)
        inv_nm1 = jnp.float32(1.0 / (SEQ - 1))
        zero = jnp.zeros((LANES,), jnp.float32)

        def gstart(s, buf, sem):
            off = s * SEQ
            pltpu.async_copy(
                table_hbm.at[idx_v.at[pl.ds(off, GCHUNK_A)]],
                buf.at[pl.ds(0, GCHUNK_A)],
                sem,
            )
            pltpu.async_copy(
                table_hbm.at[idx_v.at[pl.ds(off + GCHUNK_A, GCHUNK_B)]],
                buf.at[pl.ds(GCHUNK_A, GCHUNK_B)],
                sem,
            )

        def gwait(buf, sem):
            pltpu.make_async_copy(out_hbm.at[0], buf, sem).wait()

        def wstart(s, buf, sem):
            pltpu.async_copy(buf, out_hbm.at[base + s], sem)

        def wwait(buf, sem):
            pltpu.make_async_copy(buf, out_hbm.at[0], sem).wait()

        def compute(buf):
            def p1(r2, carry):
                r = r2 * 2
                out = list(carry)
                for rr in (r, r + 1):
                    for c in range(NCHUNK):
                        v = buf[rr, pl.ds(LANES * c, LANES)]
                        out[2 * c] = out[2 * c] + v
                        out[2 * c + 1] = out[2 * c + 1] + v * v
                return tuple(out)

            acc = lax.fori_loop(0, SEQ // 2, p1, (zero,) * (2 * NCHUNK))

            scale = []
            shift = []
            for c in range(NCHUNK):
                sm = acc[2 * c]
                sq = acc[2 * c + 1]
                mean = sm * inv_n
                var = jnp.maximum((sq - sm * mean) * inv_nm1, 0.0)
                std = var * _rsqrt_newton(var)
                inv = 1.0 / (std + 1e-8)
                scale.append(inv)
                shift.append(-mean * inv)

            def p2(r2, carry):
                r = r2 * 2
                for rr in (r, r + 1):
                    for c in range(NCHUNK):
                        v = buf[rr, pl.ds(LANES * c, LANES)]
                        buf[rr, pl.ds(LANES * c, LANES)] = v * scale[c] + shift[c]
                return carry

            lax.fori_loop(0, SEQ // 2, p2, 0)

        gstart(0, bufs[0], gsems[0])
        gstart(1, bufs[1], gsems[1])
        gstart(2, bufs[2], gsems[2])

        @pl.loop(0, SEQ_PER_W, step=4)
        def _(s):
            for b in range(4):
                pb = (b - 1) % 4
                t = s + b + 3

                @pl.when(t < SEQ_PER_W)
                def _():
                    if b == 0:
                        @pl.when(s > 0)
                        def _():
                            wwait(bufs[pb], wsems[pb])
                    else:
                        wwait(bufs[pb], wsems[pb])
                    gstart(t, bufs[pb], gsems[pb])

                gwait(bufs[b], gsems[b])
                compute(bufs[b])
                wstart(s + b, bufs[b], wsems[b])

        for b in range(4):
            wwait(bufs[b], wsems[b])

    return sc_kernel


_SC_KERNEL = _make_sc_kernel()


@jax.jit
def kernel(index_tensor, features):
    idx = index_tensor.astype(jnp.int32).reshape(-1)
    return _SC_KERNEL(idx, features)

# --- scband reference (transcript-rebuilt; emitter-appended) ---
"""Pipeline reference for scband-feature-encoding-57260503990884 (READ-ONLY COPY).

The authoritative reference and input builder live on the scoring server;
editing this copy changes nothing except your own understanding.
"""

import jax, jax.numpy as jnp
import numpy as np

NUM_ROWS = 1000000
FEAT_DIM = 64
BATCH = 4096
SEQ_LEN = 200

def setup_inputs(seed: int = 0) -> dict:
    key = jax.random.key(seed)
    k1, k2 = jax.random.split(key)
    index_tensor = jax.random.randint(k1, (BATCH, SEQ_LEN), 0, NUM_ROWS, dtype=jnp.int64 if jax.config.jax_enable_x64 else jnp.int32)
    features = jax.random.normal(k2, (NUM_ROWS, FEAT_DIM), dtype=jnp.float32)
    return {"index_tensor": index_tensor, "features": features}

def reference(index_tensor, features):
    # gather: features[index_tensor] -> (batch, seq_len, feat_dim)
    x = jnp.take(features, index_tensor, axis=0)
    if x.shape[1] == 1:
        return x
    # torch .mean(dim=1) / .std(dim=1) (unbiased, ddof=1) normalization per sequence
    mean = jnp.mean(x, axis=1, keepdims=True)
    std = jnp.std(x, axis=1, keepdims=True, ddof=1) + 1e-08
    x_norm = (x - mean) / std
    return x_norm

if __name__ == "__main__":
    import jax
    _d = setup_inputs()
    print(jax.jit(kernel)(*tuple(_d.values())))

</pallas_src>

<mosaic_0001>
#map = affine_map<(d0, d1) -> (0)>
#map1 = affine_map<(d0, d1) -> (0, 0)>
#map2 = affine_map<(d0, d1) -> (0, 0, 0)>
module attributes {stable_mosaic.version = 14 : i64} {
  func.func @sc_kernel(%arg0: i32, %arg1: i32, %arg2: memref<819200xi32, #tpu.memory_space<hbm>>, %arg3: memref<1000000x64xf32, #tpu.memory_space<hbm>>, %arg4: memref<4096x200x64xf32, #tpu.memory_space<hbm>>, %arg5: memref<25600xi32, #tpu.memory_space<vmem>>, %arg6: memref<200x64xf32, #tpu.memory_space<vmem>>, %arg7: memref<200x64xf32, #tpu.memory_space<vmem>>, %arg8: memref<200x64xf32, #tpu.memory_space<vmem>>, %arg9: memref<200x64xf32, #tpu.memory_space<vmem>>, %arg10: memref<!tpu.dma_semaphore, #tpu.memory_space<semaphore_mem>>, %arg11: memref<!tpu.dma_semaphore, #tpu.memory_space<semaphore_mem>>, %arg12: memref<!tpu.dma_semaphore, #tpu.memory_space<semaphore_mem>>, %arg13: memref<!tpu.dma_semaphore, #tpu.memory_space<semaphore_mem>>, %arg14: memref<!tpu.dma_semaphore, #tpu.memory_space<semaphore_mem>>, %arg15: memref<!tpu.dma_semaphore, #tpu.memory_space<semaphore_mem>>, %arg16: memref<!tpu.dma_semaphore, #tpu.memory_space<semaphore_mem>>, %arg17: memref<!tpu.dma_semaphore, #tpu.memory_space<semaphore_mem>>) attributes {dimension_semantics = [#tpu.dimension_semantics<core_parallel>, #tpu.dimension_semantics<subcore_parallel>], iteration_bounds = array<i64: 2, 16>, scalar_prefetch = 0 : i64, scratch_operands = 13 : i64, tpu.core_type = #tpu.core_type<sc_vector_subcore>, window_params = [{transform_indices = #map}, {transform_indices = #map1}, {transform_indices = #map2}]} {
    %mul3A = arith.constant 2 : i32
    %mul3A_0 = arith.muli %arg1, %mul3A : i32
    %add3A = arith.addi %mul3A_0, %arg0 : i32
    %mul3A_1 = arith.constant 128 : i32
    %mul3A_2 = arith.muli %add3A, %mul3A_1 : i32
    %mul3A_3 = arith.constant 200 : i32
    %mul3A_4 = arith.muli %mul3A_2, %mul3A_3 : i32
    "tpu.region"() ({
      %run_scoped3A = tpu.sem_alloc : memref<!tpu.dma_semaphore, #tpu.memory_space<semaphore_mem>>
      %dma_start3A_94 = tpu.memref_slice %arg2[%mul3A_4] : memref<819200xi32, #tpu.memory_space<hbm>> -> memref<25600xi32, #tpu.memory_space<hbm>>
      %dma_start3A_95 = tpu.memref_slice %arg2[%mul3A_4] : memref<819200xi32, #tpu.memory_space<hbm>> -> memref<25600xi32, #tpu.memory_space<hbm>>
      tpu.enqueue_dma source(%dma_start3A_95 : memref<25600xi32, #tpu.memory_space<hbm>>) target(%arg5 : memref<25600xi32, #tpu.memory_space<vmem>>) target_semaphore(%run_scoped3A : memref<!tpu.dma_semaphore, #tpu.memory_space<semaphore_mem>>)
      %dma_wait3A_96 = tpu.memref_slice %arg2[%mul3A_4] : memref<819200xi32, #tpu.memory_space<hbm>> -> memref<25600xi32, #tpu.memory_space<hbm>>
      %dma_wait3A_97 = tpu.memref_slice %arg2[%mul3A_4] : memref<819200xi32, #tpu.memory_space<hbm>> -> memref<25600xi32, #tpu.memory_space<hbm>>
      tpu.wait_dma2 semaphore(%run_scoped3A : memref<!tpu.dma_semaphore, #tpu.memory_space<semaphore_mem>>) src(%dma_wait3A_97 : memref<25600xi32, #tpu.memory_space<hbm>>) dst(%arg5 : memref<25600xi32, #tpu.memory_space<vmem>>)
      tpu.yield
    }) : () -> ()
    %broadcast_in_dim3A = arith.constant 0.000000e+00 : f32
    %broadcast_in_dim3A_5 = vector.broadcast %broadcast_in_dim3A : f32 to vector<16xf32>
    %dma_start3A = arith.constant 0 : i32
    %dma_start3A_6 = arith.constant 0 : i32
    %dma_start3A_7 = tpu.memref_slice %arg6[%dma_start3A, %dma_start3A_6] : memref<200x64xf32, #tpu.memory_space<vmem>> -> memref<128x64xf32, #tpu.memory_space<vmem>>
    %dma_start3A_8 = arith.constant 0 : i32
    %dma_start3A_9 = tpu.memref_slice %arg5[%dma_start3A_8] : memref<25600xi32, #tpu.memory_space<vmem>> -> memref<128xi32, #tpu.memory_space<vmem>>
    %dma_start3A_10 = arith.constant 0 : i32
    %dma_start3A_11 = arith.constant 0 : i32
    %dma_start3A_12 = tpu.memref_slice %arg3[%dma_start3A_10, %dma_start3A_11] : memref<1000000x64xf32, #tpu.memory_space<hbm>> -> memref<1000000x64xf32, #tpu.memory_space<hbm>>
    tpu.enqueue_indirect_dma source(%dma_start3A_12 : memref<1000000x64xf32, #tpu.memory_space<hbm>>) target(%dma_start3A_7 : memref<128x64xf32, #tpu.memory_space<vmem>>) offsets(%dma_start3A_9 : memref<128xi32, #tpu.memory_space<vmem>>) semaphore(%arg10 : memref<!tpu.dma_semaphore, #tpu.memory_space<semaphore_mem>>)
    %dma_start3A_13 = arith.constant 128 : i32
    %dma_start3A_14 = arith.constant 0 : i32
    %dma_start3A_15 = tpu.memref_slice %arg6[%dma_start3A_13, %dma_start3A_14] : memref<200x64xf32, #tpu.memory_space<vmem>> -> memref<72x64xf32, #tpu.memory_space<vmem>>
    %dma_start3A_16 = arith.constant 128 : i32
    %dma_start3A_17 = tpu.memref_slice %arg5[%dma_start3A_16] : memref<25600xi32, #tpu.memory_space<vmem>> -> memref<72xi32, #tpu.memory_space<vmem>>
    %dma_start3A_18 = arith.constant 0 : i32
    %dma_start3A_19 = arith.constant 0 : i32
    %dma_start3A_20 = tpu.memref_slice %arg3[%dma_start3A_18, %dma_start3A_19] : memref<1000000x64xf32, #tpu.memory_space<hbm>> -> memref<1000000x64xf32, #tpu.memory_space<hbm>>
    tpu.enqueue_indirect_dma source(%dma_start3A_20 : memref<1000000x64xf32, #tpu.memory_space<hbm>>) target(%dma_start3A_15 : memref<72x64xf32, #tpu.memory_space<vmem>>) offsets(%dma_start3A_17 : memref<72xi32, #tpu.memory_space<vmem>>) semaphore(%arg10 : memref<!tpu.dma_semaphore, #tpu.memory_space<semaphore_mem>>)
    %dma_start3A_21 = arith.constant 0 : i32
    %dma_start3A_22 = arith.constant 0 : i32
    %dma_start3A_23 = tpu.memref_slice %arg7[%dma_start3A_21, %dma_start3A_22] : memref<200x64xf32, #tpu.memory_space<vmem>> -> memref<128x64xf32, #tpu.memory_space<vmem>>
    %dma_start3A_24 = arith.constant 200 : i32
    %dma_start3A_25 = tpu.memref_slice %arg5[%dma_start3A_24] : memref<25600xi32, #tpu.memory_space<vmem>> -> memref<128xi32, #tpu.memory_space<vmem>>
    %dma_start3A_26 = arith.constant 0 : i32
    %dma_start3A_27 = arith.constant 0 : i32
    %dma_start3A_28 = tpu.memref_slice %arg3[%dma_start3A_26, %dma_start3A_27] : memref<1000000x64xf32, #tpu.memory_space<hbm>> -> memref<1000000x64xf32, #tpu.memory_space<hbm>>
    tpu.enqueue_indirect_dma source(%dma_start3A_28 : memref<1000000x64xf32, #tpu.memory_space<hbm>>) target(%dma_start3A_23 : memref<128x64xf32, #tpu.memory_space<vmem>>) offsets(%dma_start3A_25 : memref<128xi32, #tpu.memory_space<vmem>>) semaphore(%arg11 : memref<!tpu.dma_semaphore, #tpu.memory_space<semaphore_mem>>)
    %dma_start3A_29 = arith.constant 128 : i32
    %dma_start3A_30 = arith.constant 0 : i32
    %dma_start3A_31 = tpu.memref_slice %arg7[%dma_start3A_29, %dma_start3A_30] : memref<200x64xf32, #tpu.memory_space<vmem>> -> memref<72x64xf32, #tpu.memory_space<vmem>>
    %dma_start3A_32 = arith.constant 328 : i32
    %dma_start3A_33 = tpu.memref_slice %arg5[%dma_start3A_32] : memref<25600xi32, #tpu.memory_space<vmem>> -> memref<72xi32, #tpu.memory_space<vmem>>
    %dma_start3A_34 = arith.constant 0 : i32
    %dma_start3A_35 = arith.constant 0 : i32
    %dma_start3A_36 = tpu.memref_slice %arg3[%dma_start3A_34, %dma_start3A_35] : memref<1000000x64xf32, #tpu.memory_space<hbm>> -> memref<1000000x64xf32, #tpu.memory_space<hbm>>
    tpu.enqueue_indirect_dma source(%dma_start3A_36 : memref<1000000x64xf32, #tpu.memory_space<hbm>>) target(%dma_start3A_31 : memref<72x64xf32, #tpu.memory_space<vmem>>) offsets(%dma_start3A_33 : memref<72xi32, #tpu.memory_space<vmem>>) semaphore(%arg11 : memref<!tpu.dma_semaphore, #tpu.memory_space<semaphore_mem>>)
    %dma_start3A_37 = arith.constant 0 : i32
    %dma_start3A_38 = arith.constant 0 : i32
    %dma_start3A_39 = tpu.memref_slice %arg8[%dma_start3A_37, %dma_start3A_38] : memref<200x64xf32, #tpu.memory_space<vmem>> -> memref<128x64xf32, #tpu.memory_space<vmem>>
    %dma_start3A_40 = arith.constant 400 : i32
    %dma_start3A_41 = tpu.memref_slice %arg5[%dma_start3A_40] : memref<25600xi32, #tpu.memory_space<vmem>> -> memref<128xi32, #tpu.memory_space<vmem>>
    %dma_start3A_42 = arith.constant 0 : i32
    %dma_start3A_43 = arith.constant 0 : i32
    %dma_start3A_44 = tpu.memref_slice %arg3[%dma_start3A_42, %dma_start3A_43] : memref<1000000x64xf32, #tpu.memory_space<hbm>> -> memref<1000000x64xf32, #tpu.memory_space<hbm>>
    tpu.enqueue_indirect_dma source(%dma_start3A_44 : memref<1000000x64xf32, #tpu.memory_space<hbm>>) target(%dma_start3A_39 : memref<128x64xf32, #tpu.memory_space<vmem>>) offsets(%dma_start3A_41 : memref<128xi32, #tpu.memory_space<vmem>>) semaphore(%arg12 : memref<!tpu.dma_semaphore, #tpu.memory_space<semaphore_mem>>)
    %dma_start3A_45 = arith.constant 128 : i32
    %dma_start3A_46 = arith.constant 0 : i32
    %dma_start3A_47 = tpu.memref_slice %arg8[%dma_start3A_45, %dma_start3A_46] : memref<200x64xf32, #tpu.memory_space<vmem>> -> memref<72x64xf32, #tpu.memory_space<vmem>>
    %dma_start3A_48 = arith.constant 528 : i32
    %dma_start3A_49 = tpu.memref_slice %arg5[%dma_start3A_48] : memref<25600xi32, #tpu.memory_space<vmem>> -> memref<72xi32, #tpu.memory_space<vmem>>
    %dma_start3A_50 = arith.constant 0 : i32
    %dma_start3A_51 = arith.constant 0 : i32
    %dma_start3A_52 = tpu.memref_slice %arg3[%dma_start3A_50, %dma_start3A_51] : memref<1000000x64xf32, #tpu.memory_space<hbm>> -> memref<1000000x64xf32, #tpu.memory_space<hbm>>
    tpu.enqueue_indirect_dma source(%dma_start3A_52 : memref<1000000x64xf32, #tpu.memory_space<hbm>>) target(%dma_start3A_47 : memref<72x64xf32, #tpu.memory_space<vmem>>) offsets(%dma_start3A_49 : memref<72xi32, #tpu.memory_space<vmem>>) semaphore(%arg12 : memref<!tpu.dma_semaphore, #tpu.memory_space<semaphore_mem>>)
    %scan3A = arith.constant 5.000000e-03 : f32
    %scan3A_53 = arith.constant 0.00502512557 : f32
    %scan3A_54 = arith.constant 0 : i32
    %scan3A_55 = arith.constant 32 : i32
    %scan3A_56 = arith.addi %scan3A_54, %scan3A_55 : i32
    %scan3A_57 = arith.constant 1 : i32
    scf.for %scan3A_94 = %scan3A_54 to %scan3A_56 step %scan3A_57  : i32 {
      %mul3A_95 = arith.constant 4 : i32
      %mul3A_96 = arith.muli %scan3A_94, %mul3A_95 : i32
      %add3A_97 = arith.constant 0 : i32
      %add3A_98 = arith.addi %add3A_97, %mul3A_96 : i32
      %add3A_99 = arith.constant 0 : i32
      %add3A_100 = arith.addi %add3A_98, %add3A_99 : i32
      %add3A_101 = arith.constant 3 : i32
      %add3A_102 = arith.addi %add3A_100, %add3A_101 : i32
      %lt3A = arith.constant 128 : i32
      %lt3A_103 = arith.cmpi slt, %add3A_102, %lt3A : i32
      %convert_element_type3A = arith.extui %lt3A_103 : i1 to i32
      %cond3A = arith.constant 0 : i32
      %cond3A_104 = arith.cmpi ne, %convert_element_type3A, %cond3A : i32
      scf.if %cond3A_104 {
        %gt3A = arith.constant 0 : i32
        %gt3A_1134 = arith.cmpi sgt, %add3A_98, %gt3A : i32
        %convert_element_type3A_1135 = arith.extui %gt3A_1134 : i1 to i32
        %cond3A_1136 = arith.constant 0 : i32
        %cond3A_1137 = arith.cmpi ne, %convert_element_type3A_1135, %cond3A_1136 : i32
        scf.if %cond3A_1137 {
          %dma_wait3A_1156 = arith.constant 0 : i32
          %dma_wait3A_1157 = arith.constant 0 : i32
          %dma_wait3A_1158 = arith.constant 0 : i32
          %dma_wait3A_1159 = tpu.memref_slice %arg4[%dma_wait3A_1156, %dma_wait3A_1157, %dma_wait3A_1158] : memref<4096x200x64xf32, #tpu.memory_space<hbm>> -> memref<1x200x64xf32, #tpu.memory_space<hbm>>
          %dma_wait3A_1160 = tpu.memref_squeeze %dma_wait3A_1159 : memref<1x200x64xf32, #tpu.memory_space<hbm>> -> memref<200x64xf32, #tpu.memory_space<hbm>>
          %dma_wait3A_1161 = arith.constant 0 : i32
          %dma_wait3A_1162 = arith.constant 0 : i32
          %dma_wait3A_1163 = tpu.memref_slice %arg4[%dma_wait3A_1156, %dma_wait3A_1161, %dma_wait3A_1162] : memref<4096x200x64xf32, #tpu.memory_space<hbm>> -> memref<1x200x64xf32, #tpu.memory_space<hbm>>
          %dma_wait3A_1164 = tpu.memref_squeeze %dma_wait3A_1163 : memref<1x200x64xf32, #tpu.memory_space<hbm>> -> memref<200x64xf32, #tpu.memory_space<hbm>>
          tpu.wait_dma2 semaphore(%arg17 : memref<!tpu.dma_semaphore, #tpu.memory_space<semaphore_mem>>) src(%arg9 : memref<200x64xf32, #tpu.memory_space<vmem>>) dst(%dma_wait3A_1164 : memref<200x64xf32, #tpu.memory_space<hbm>>)
        } else {
        }
        %mul3A_1138 = arith.constant 200 : i32
        %mul3A_1139 = arith.muli %add3A_102, %mul3A_1138 : i32
        %dma_start3A_1140 = arith.constant 0 : i32
        %dma_start3A_1141 = arith.constant 0 : i32
        %dma_start3A_1142 = tpu.memref_slice %arg9[%dma_start3A_1140, %dma_start3A_1141] : memref<200x64xf32, #tpu.memory_space<vmem>> -> memref<128x64xf32, #tpu.memory_space<vmem>>
        %dma_start3A_1143 = tpu.memref_slice %arg5[%mul3A_1139] : memref<25600xi32, #tpu.memory_space<vmem>> -> memref<128xi32, #tpu.memory_space<vmem>>
        %dma_start3A_1144 = arith.constant 0 : i32
        %dma_start3A_1145 = arith.constant 0 : i32
        %dma_start3A_1146 = tpu.memref_slice %arg3[%dma_start3A_1144, %dma_start3A_1145] : memref<1000000x64xf32, #tpu.memory_space<hbm>> -> memref<1000000x64xf32, #tpu.memory_space<hbm>>
        tpu.enqueue_indirect_dma source(%dma_start3A_1146 : memref<1000000x64xf32, #tpu.memory_space<hbm>>) target(%dma_start3A_1142 : memref<128x64xf32, #tpu.memory_space<vmem>>) offsets(%dma_start3A_1143 : memref<128xi32, #tpu.memory_space<vmem>>) semaphore(%arg13 : memref<!tpu.dma_semaphore, #tpu.memory_space<semaphore_mem>>)
        %add3A_1147 = arith.constant 128 : i32
        %add3A_1148 = arith.addi %mul3A_1139, %add3A_1147 : i32
        %dma_start3A_1149 = arith.constant 128 : i32
        %dma_start3A_1150 = arith.constant 0 : i32
        %dma_start3A_1151 = tpu.memref_slice %arg9[%dma_start3A_1149, %dma_start3A_1150] : memref<200x64xf32, #tpu.memory_space<vmem>> -> memref<72x64xf32, #tpu.memory_space<vmem>>
        %dma_start3A_1152 = tpu.memref_slice %arg5[%add3A_1148] : memref<25600xi32, #tpu.memory_space<vmem>> -> memref<72xi32, #tpu.memory_space<vmem>>
        %dma_start3A_1153 = arith.constant 0 : i32
        %dma_start3A_1154 = arith.constant 0 : i32
        %dma_start3A_1155 = tpu.memref_slice %arg3[%dma_start3A_1153, %dma_start3A_1154] : memref<1000000x64xf32, #tpu.memory_space<hbm>> -> memref<1000000x64xf32, #tpu.memory_space<hbm>>
        tpu.enqueue_indirect_dma source(%dma_start3A_1155 : memref<1000000x64xf32, #tpu.memory_space<hbm>>) target(%dma_start3A_1151 : memref<72x64xf32, #tpu.memory_space<vmem>>) offsets(%dma_start3A_1152 : memref<72xi32, #tpu.memory_space<vmem>>) semaphore(%arg13 : memref<!tpu.dma_semaphore, #tpu.memory_space<semaphore_mem>>)
      } else {
      }
      %dma_wait3A_105 = arith.constant 0 : i32
      %dma_wait3A_106 = arith.constant 0 : i32
      %dma_wait3A_107 = arith.constant 0 : i32
      %dma_wait3A_108 = tpu.memref_slice %arg4[%dma_wait3A_105, %dma_wait3A_106, %dma_wait3A_107] : memref<4096x200x64xf32, #tpu.memory_space<hbm>> -> memref<1x200x64xf32, #tpu.memory_space<hbm>>
      %dma_wait3A_109 = tpu.memref_squeeze %dma_wait3A_108 : memref<1x200x64xf32, #tpu.memory_space<hbm>> -> memref<200x64xf32, #tpu.memory_space<hbm>>
      %dma_wait3A_110 = arith.constant 0 : i32
      %dma_wait3A_111 = arith.constant 0 : i32
      %dma_wait3A_112 = tpu.memref_slice %arg4[%dma_wait3A_105, %dma_wait3A_110, %dma_wait3A_111] : memref<4096x200x64xf32, #tpu.memory_space<hbm>> -> memref<1x200x64xf32, #tpu.memory_space<hbm>>
      %dma_wait3A_113 = tpu.memref_squeeze %dma_wait3A_112 : memref<1x200x64xf32, #tpu.memory_space<hbm>> -> memref<200x64xf32, #tpu.memory_space<hbm>>
      tpu.wait_dma2 semaphore(%arg10 : memref<!tpu.dma_semaphore, #tpu.memory_space<semaphore_mem>>) src(%dma_wait3A_113 : memref<200x64xf32, #tpu.memory_space<hbm>>) dst(%arg6 : memref<200x64xf32, #tpu.memory_space<vmem>>)
      %scan3A_114 = arith.constant 0 : i32
      %scan3A_115 = arith.constant 100 : i32
      %scan3A_116 = arith.addi %scan3A_114, %scan3A_115 : i32
      %scan3A_117 = arith.constant 1 : i32
      %scan3A_118:8 = scf.for %scan3A_1134 = %scan3A_114 to %scan3A_116 step %scan3A_117 iter_args(%scan3A_1135 = %broadcast_in_dim3A_5, %scan3A_1136 = %broadcast_in_dim3A_5, %scan3A_1137 = %broadcast_in_dim3A_5, %scan3A_1138 = %broadcast_in_dim3A_5, %scan3A_1139 = %broadcast_in_dim3A_5, %scan3A_1140 = %broadcast_in_dim3A_5, %scan3A_1141 = %broadcast_in_dim3A_5, %scan3A_1142 = %broadcast_in_dim3A_5) -> (vector<16xf32>, vector<16xf32>, vector<16xf32>, vector<16xf32>, vector<16xf32>, vector<16xf32>, vector<16xf32>, vector<16xf32>)  : i32 {
        %mul3A_1143 = arith.constant 2 : i32
        %mul3A_1144 = arith.muli %scan3A_1134, %mul3A_1143 : i32
        %add3A_1145 = arith.constant 1 : i32
        %add3A_1146 = arith.addi %mul3A_1144, %add3A_1145 : i32
        %get3A = arith.index_cast %mul3A_1144 : i32 to index
        %get3A_1147 = arith.constant 0 : index
        %get3A_1148 = tpu.vector_load %arg6[%get3A, %get3A_1147] {strides = array<i32>} : memref<200x64xf32, #tpu.memory_space<vmem>>, vector<1x16xf32>,
        %get3A_1149 = vector.shape_cast %get3A_1148 : vector<1x16xf32> to vector<16xf32>
        %add3A_1150 = arith.addf %scan3A_1135, %get3A_1149 : vector<16xf32>
        %mul3A_1151 = arith.mulf %get3A_1149, %get3A_1149 : vector<16xf32>
        %add3A_1152 = arith.addf %scan3A_1136, %mul3A_1151 : vector<16xf32>
        %get3A_1153 = arith.index_cast %mul3A_1144 : i32 to index
        %get3A_1154 = arith.constant 16 : index
        %get3A_1155 = tpu.vector_load %arg6[%get3A_1153, %get3A_1154] {strides = array<i32>} : memref<200x64xf32, #tpu.memory_space<vmem>>, vector<1x16xf32>,
        %get3A_1156 = vector.shape_cast %get3A_1155 : vector<1x16xf32> to vector<16xf32>
        %add3A_1157 = arith.addf %scan3A_1137, %get3A_1156 : vector<16xf32>
        %mul3A_1158 = arith.mulf %get3A_1156, %get3A_1156 : vector<16xf32>
        %add3A_1159 = arith.addf %scan3A_1138, %mul3A_1158 : vector<16xf32>
        %get3A_1160 = arith.index_cast %mul3A_1144 : i32 to index
        %get3A_1161 = arith.constant 32 : index
        %get3A_1162 = tpu.vector_load %arg6[%get3A_1160, %get3A_1161] {strides = array<i32>} : memref<200x64xf32, #tpu.memory_space<vmem>>, vector<1x16xf32>,
        %get3A_1163 = vector.shape_cast %get3A_1162 : vector<1x16xf32> to vector<16xf32>
        %add3A_1164 = arith.addf %scan3A_1139, %get3A_1163 : vector<16xf32>
        %mul3A_1165 = arith.mulf %get3A_1163, %get3A_1163 : vector<16xf32>
        %add3A_1166 = arith.addf %scan3A_1140, %mul3A_1165 : vector<16xf32>
        %get3A_1167 = arith.index_cast %mul3A_1144 : i32 to index
        %get3A_1168 = arith.constant 48 : index
        %get3A_1169 = tpu.vector_load %arg6[%get3A_1167, %get3A_1168] {strides = array<i32>} : memref<200x64xf32, #tpu.memory_space<vmem>>, vector<1x16xf32>,
        %get3A_1170 = vector.shape_cast %get3A_1169 : vector<1x16xf32> to vector<16xf32>
        %add3A_1171 = arith.addf %scan3A_1141, %get3A_1170 : vector<16xf32>
        %mul3A_1172 = arith.mulf %get3A_1170, %get3A_1170 : vector<16xf32>
        %add3A_1173 = arith.addf %scan3A_1142, %mul3A_1172 : vector<16xf32>
        %get3A_1174 = arith.index_cast %add3A_1146 : i32 to index
        %get3A_1175 = arith.constant 0 : index
        %get3A_1176 = tpu.vector_load %arg6[%get3A_1174, %get3A_1175] {strides = array<i32>} : memref<200x64xf32, #tpu.memory_space<vmem>>, vector<1x16xf32>,
        %get3A_1177 = vector.shape_cast %get3A_1176 : vector<1x16xf32> to vector<16xf32>
        %add3A_1178 = arith.addf %add3A_1150, %get3A_1177 : vector<16xf32>
        %mul3A_1179 = arith.mulf %get3A_1177, %get3A_1177 : vector<16xf32>
        %add3A_1180 = arith.addf %add3A_1152, %mul3A_1179 : vector<16xf32>
        %get3A_1181 = arith.index_cast %add3A_1146 : i32 to index
        %get3A_1182 = arith.constant 16 : index
        %get3A_1183 = tpu.vector_load %arg6[%get3A_1181, %get3A_1182] {strides = array<i32>} : memref<200x64xf32, #tpu.memory_space<vmem>>, vector<1x16xf32>,
        %get3A_1184 = vector.shape_cast %get3A_1183 : vector<1x16xf32> to vector<16xf32>
        %add3A_1185 = arith.addf %add3A_1157, %get3A_1184 : vector<16xf32>
        %mul3A_1186 = arith.mulf %get3A_1184, %get3A_1184 : vector<16xf32>
        %add3A_1187 = arith.addf %add3A_1159, %mul3A_1186 : vector<16xf32>
        %get3A_1188 = arith.index_cast %add3A_1146 : i32 to index
        %get3A_1189 = arith.constant 32 : index
        %get3A_1190 = tpu.vector_load %arg6[%get3A_1188, %get3A_1189] {strides = array<i32>} : memref<200x64xf32, #tpu.memory_space<vmem>>, vector<1x16xf32>,
        %get3A_1191 = vector.shape_cast %get3A_1190 : vector<1x16xf32> to vector<16xf32>
        %add3A_1192 = arith.addf %add3A_1164, %get3A_1191 : vector<16xf32>
        %mul3A_1193 = arith.mulf %get3A_1191, %get3A_1191 : vector<16xf32>
        %add3A_1194 = arith.addf %add3A_1166, %mul3A_1193 : vector<16xf32>
        %get3A_1195 = arith.index_cast %add3A_1146 : i32 to index
        %get3A_1196 = arith.constant 48 : index
        %get3A_1197 = tpu.vector_load %arg6[%get3A_1195, %get3A_1196] {strides = array<i32>} : memref<200x64xf32, #tpu.memory_space<vmem>>, vector<1x16xf32>,
        %get3A_1198 = vector.shape_cast %get3A_1197 : vector<1x16xf32> to vector<16xf32>
        %add3A_1199 = arith.addf %add3A_1171, %get3A_1198 : vector<16xf32>
        %mul3A_1200 = arith.mulf %get3A_1198, %get3A_1198 : vector<16xf32>
        %add3A_1201 = arith.addf %add3A_1173, %mul3A_1200 : vector<16xf32>
        scf.yield %add3A_1178, %add3A_1180, %add3A_1185, %add3A_1187, %add3A_1192, %add3A_1194, %add3A_1199, %add3A_1201 : vector<16xf32>, vector<16xf32>, vector<16xf32>, vector<16xf32>, vector<16xf32>, vector<16xf32>, vector<16xf32>, vector<16xf32>
      }
      %scan3A_119 = arith.constant 100 : i32
      %mul3A_120 = vector.broadcast %scan3A : f32 to vector<16xf32>
      %mul3A_121 = arith.mulf %scan3A_118#0, %mul3A_120 : vector<16xf32>
      %mul3A_122 = arith.mulf %scan3A_118#0, %mul3A_121 : vector<16xf32>
      %sub3A = arith.subf %scan3A_118#1, %mul3A_122 : vector<16xf32>
      %mul3A_123 = vector.broadcast %scan3A_53 : f32 to vector<16xf32>
      %mul3A_124 = arith.mulf %sub3A, %mul3A_123 : vector<16xf32>
      %max3A = arith.constant 0.000000e+00 : f32
      %max3A_125 = vector.broadcast %max3A : f32 to vector<16xf32>
      %max3A_126 = arith.maximumf %mul3A_124, %max3A_125 : vector<16xf32>
      %bitcast_convert_type3A = tpu.bitcast %max3A_126 : vector<16xf32> -> vector<16xi32>
      %shift_right_logical3A = arith.constant 1 : i32
      %shift_right_logical3A_127 = vector.broadcast %shift_right_logical3A : i32 to vector<16xi32>
      %shift_right_logical3A_128 = arith.shrui %bitcast_convert_type3A, %shift_right_logical3A_127 : vector<16xi32>
      %sub3A_129 = arith.constant 1597463007 : i32
      %sub3A_130 = vector.broadcast %sub3A_129 : i32 to vector<16xi32>
      %sub3A_131 = arith.subi %sub3A_130, %shift_right_logical3A_128 : vector<16xi32>
      %bitcast_convert_type3A_132 = tpu.bitcast %sub3A_131 : vector<16xi32> -> vector<16xf32>
      %mul3A_133 = arith.constant 5.000000e-01 : f32
      %mul3A_134 = vector.broadcast %mul3A_133 : f32 to vector<16xf32>
      %mul3A_135 = arith.mulf %mul3A_134, %max3A_126 : vector<16xf32>
      %mul3A_136 = arith.mulf %mul3A_135, %bitcast_convert_type3A_132 : vector<16xf32>
      %mul3A_137 = arith.mulf %mul3A_136, %bitcast_convert_type3A_132 : vector<16xf32>
      %sub3A_138 = arith.constant 1.500000e+00 : f32
      %sub3A_139 = vector.broadcast %sub3A_138 : f32 to vector<16xf32>
      %sub3A_140 = arith.subf %sub3A_139, %mul3A_137 : vector<16xf32>
      %mul3A_141 = arith.mulf %bitcast_convert_type3A_132, %sub3A_140 : vector<16xf32>
      %mul3A_142 = arith.constant 5.000000e-01 : f32
      %mul3A_143 = vector.broadcast %mul3A_142 : f32 to vector<16xf32>
      %mul3A_144 = arith.mulf %mul3A_143, %max3A_126 : vector<16xf32>
      %mul3A_145 = arith.mulf %mul3A_144, %mul3A_141 : vector<16xf32>
      %mul3A_146 = arith.mulf %mul3A_145, %mul3A_141 : vector<16xf32>
      %sub3A_147 = arith.constant 1.500000e+00 : f32
      %sub3A_148 = vector.broadcast %sub3A_147 : f32 to vector<16xf32>
      %sub3A_149 = arith.subf %sub3A_148, %mul3A_146 : vector<16xf32>
      %mul3A_150 = arith.mulf %mul3A_141, %sub3A_149 : vector<16xf32>
      %mul3A_151 = arith.constant 5.000000e-01 : f32
      %mul3A_152 = vector.broadcast %mul3A_151 : f32 to vector<16xf32>
      %mul3A_153 = arith.mulf %mul3A_152, %max3A_126 : vector<16xf32>
      %mul3A_154 = arith.mulf %mul3A_153, %mul3A_150 : vector<16xf32>
      %mul3A_155 = arith.mulf %mul3A_154, %mul3A_150 : vector<16xf32>
      %sub3A_156 = arith.constant 1.500000e+00 : f32
      %sub3A_157 = vector.broadcast %sub3A_156 : f32 to vector<16xf32>
      %sub3A_158 = arith.subf %sub3A_157, %mul3A_155 : vector<16xf32>
      %mul3A_159 = arith.mulf %mul3A_150, %sub3A_158 : vector<16xf32>
      %mul3A_160 = arith.mulf %max3A_126, %mul3A_159 : vector<16xf32>
      %add3A_161 = arith.constant 9.99999993E-9 : f32
      %add3A_162 = vector.broadcast %add3A_161 : f32 to vector<16xf32>
      %add3A_163 = arith.addf %mul3A_160, %add3A_162 : vector<16xf32>
      %div3A = arith.constant 1.000000e+00 : f32
      %div3A_164 = vector.broadcast %div3A : f32 to vector<16xf32>
      %div3A_165 = arith.divf %div3A_164, %add3A_163 : vector<16xf32>
      %neg3A = arith.constant 0.000000e+00 : f32
      %neg3A_166 = vector.broadcast %neg3A : f32 to vector<16xf32>
      %neg3A_167 = arith.subf %neg3A_166, %mul3A_121 : vector<16xf32>
      %mul3A_168 = arith.mulf %neg3A_167, %div3A_165 : vector<16xf32>
      %mul3A_169 = vector.broadcast %scan3A : f32 to vector<16xf32>
      %mul3A_170 = arith.mulf %scan3A_118#2, %mul3A_169 : vector<16xf32>
      %mul3A_171 = arith.mulf %scan3A_118#2, %mul3A_170 : vector<16xf32>
      %sub3A_172 = arith.subf %scan3A_118#3, %mul3A_171 : vector<16xf32>
      %mul3A_173 = vector.broadcast %scan3A_53 : f32 to vector<16xf32>
      %mul3A_174 = arith.mulf %sub3A_172, %mul3A_173 : vector<16xf32>
      %max3A_175 = arith.constant 0.000000e+00 : f32
      %max3A_176 = vector.broadcast %max3A_175 : f32 to vector<16xf32>
      %max3A_177 = arith.maximumf %mul3A_174, %max3A_176 : vector<16xf32>
      %bitcast_convert_type3A_178 = tpu.bitcast %max3A_177 : vector<16xf32> -> vector<16xi32>
      %shift_right_logical3A_179 = arith.constant 1 : i32
      %shift_right_logical3A_180 = vector.broadcast %shift_right_logical3A_179 : i32 to vector<16xi32>
      %shift_right_logical3A_181 = arith.shrui %bitcast_convert_type3A_178, %shift_right_logical3A_180 : vector<16xi32>
      %sub3A_182 = arith.constant 1597463007 : i32
      %sub3A_183 = vector.broadcast %sub3A_182 : i32 to vector<16xi32>
      %sub3A_184 = arith.subi %sub3A_183, %shift_right_logical3A_181 : vector<16xi32>
      %bitcast_convert_type3A_185 = tpu.bitcast %sub3A_184 : vector<16xi32> -> vector<16xf32>
      %mul3A_186 = arith.constant 5.000000e-01 : f32
      %mul3A_187 = vector.broadcast %mul3A_186 : f32 to vector<16xf32>
      %mul3A_188 = arith.mulf %mul3A_187, %max3A_177 : vector<16xf32>
      %mul3A_189 = arith.mulf %mul3A_188, %bitcast_convert_type3A_185 : vector<16xf32>
      %mul3A_190 = arith.mulf %mul3A_189, %bitcast_convert_type3A_185 : vector<16xf32>
      %sub3A_191 = arith.constant 1.500000e+00 : f32
      %sub3A_192 = vector.broadcast %sub3A_191 : f32 to vector<16xf32>
      %sub3A_193 = arith.subf %sub3A_192, %mul3A_190 : vector<16xf32>
      %mul3A_194 = arith.mulf %bitcast_convert_type3A_185, %sub3A_193 : vector<16xf32>
      %mul3A_195 = arith.constant 5.000000e-01 : f32
      %mul3A_196 = vector.broadcast %mul3A_195 : f32 to vector<16xf32>
      %mul3A_197 = arith.mulf %mul3A_196, %max3A_177 : vector<16xf32>
      %mul3A_198 = arith.mulf %mul3A_197, %mul3A_194 : vector<16xf32>
      %mul3A_199 = arith.mulf %mul3A_198, %mul3A_194 : vector<16xf32>
      %sub3A_200 = arith.constant 1.500000e+00 : f32
      %sub3A_201 = vector.broadcast %sub3A_200 : f32 to vector<16xf32>
      %sub3A_202 = arith.subf %sub3A_201, %mul3A_199 : vector<16xf32>
      %mul3A_203 = arith.mulf %mul3A_194, %sub3A_202 : vector<16xf32>
      %mul3A_204 = arith.constant 5.000000e-01 : f32
      %mul3A_205 = vector.broadcast %mul3A_204 : f32 to vector<16xf32>
      %mul3A_206 = arith.mulf %mul3A_205, %max3A_177 : vector<16xf32>
      %mul3A_207 = arith.mulf %mul3A_206, %mul3A_203 : vector<16xf32>
      %mul3A_208 = arith.mulf %mul3A_207, %mul3A_203 : vector<16xf32>
      %sub3A_209 = arith.constant 1.500000e+00 : f32
      %sub3A_210 = vector.broadcast %sub3A_209 : f32 to vector<16xf32>
      %sub3A_211 = arith.subf %sub3A_210, %mul3A_208 : vector<16xf32>
      %mul3A_212 = arith.mulf %mul3A_203, %sub3A_211 : vector<16xf32>
      %mul3A_213 = arith.mulf %max3A_177, %mul3A_212 : vector<16xf32>
      %add3A_214 = arith.constant 9.99999993E-9 : f32
      %add3A_215 = vector.broadcast %add3A_214 : f32 to vector<16xf32>
      %add3A_216 = arith.addf %mul3A_213, %add3A_215 : vector<16xf32>
      %div3A_217 = arith.constant 1.000000e+00 : f32
      %div3A_218 = vector.broadcast %div3A_217 : f32 to vector<16xf32>
      %div3A_219 = arith.divf %div3A_218, %add3A_216 : vector<16xf32>
      %neg3A_220 = arith.constant 0.000000e+00 : f32
      %neg3A_221 = vector.broadcast %neg3A_220 : f32 to vector<16xf32>
      %neg3A_222 = arith.subf %neg3A_221, %mul3A_170 : vector<16xf32>
      %mul3A_223 = arith.mulf %neg3A_222, %div3A_219 : vector<16xf32>
      %mul3A_224 = vector.broadcast %scan3A : f32 to vector<16xf32>
      %mul3A_225 = arith.mulf %scan3A_118#4, %mul3A_224 : vector<16xf32>
      %mul3A_226 = arith.mulf %scan3A_118#4, %mul3A_225 : vector<16xf32>
      %sub3A_227 = arith.subf %scan3A_118#5, %mul3A_226 : vector<16xf32>
      %mul3A_228 = vector.broadcast %scan3A_53 : f32 to vector<16xf32>
      %mul3A_229 = arith.mulf %sub3A_227, %mul3A_228 : vector<16xf32>
      %max3A_230 = arith.constant 0.000000e+00 : f32
      %max3A_231 = vector.broadcast %max3A_230 : f32 to vector<16xf32>
      %max3A_232 = arith.maximumf %mul3A_229, %max3A_231 : vector<16xf32>
      %bitcast_convert_type3A_233 = tpu.bitcast %max3A_232 : vector<16xf32> -> vector<16xi32>
      %shift_right_logical3A_234 = arith.constant 1 : i32
      %shift_right_logical3A_235 = vector.broadcast %shift_right_logical3A_234 : i32 to vector<16xi32>
      %shift_right_logical3A_236 = arith.shrui %bitcast_convert_type3A_233, %shift_right_logical3A_235 : vector<16xi32>
      %sub3A_237 = arith.constant 1597463007 : i32
      %sub3A_238 = vector.broadcast %sub3A_237 : i32 to vector<16xi32>
      %sub3A_239 = arith.subi %sub3A_238, %shift_right_logical3A_236 : vector<16xi32>
      %bitcast_convert_type3A_240 = tpu.bitcast %sub3A_239 : vector<16xi32> -> vector<16xf32>
      %mul3A_241 = arith.constant 5.000000e-01 : f32
      %mul3A_242 = vector.broadcast %mul3A_241 : f32 to vector<16xf32>
      %mul3A_243 = arith.mulf %mul3A_242, %max3A_232 : vector<16xf32>
      %mul3A_244 = arith.mulf %mul3A_243, %bitcast_convert_type3A_240 : vector<16xf32>
      %mul3A_245 = arith.mulf %mul3A_244, %bitcast_convert_type3A_240 : vector<16xf32>
      %sub3A_246 = arith.constant 1.500000e+00 : f32
      %sub3A_247 = vector.broadcast %sub3A_246 : f32 to vector<16xf32>
      %sub3A_248 = arith.subf %sub3A_247, %mul3A_245 : vector<16xf32>
      %mul3A_249 = arith.mulf %bitcast_convert_type3A_240, %sub3A_248 : vector<16xf32>
      %mul3A_250 = arith.constant 5.000000e-01 : f32
      %mul3A_251 = vector.broadcast %mul3A_250 : f32 to vector<16xf32>
      %mul3A_252 = arith.mulf %mul3A_251, %max3A_232 : vector<16xf32>
      %mul3A_253 = arith.mulf %mul3A_252, %mul3A_249 : vector<16xf32>
      %mul3A_254 = arith.mulf %mul3A_253, %mul3A_249 : vector<16xf32>
      %sub3A_255 = arith.constant 1.500000e+00 : f32
      %sub3A_256 = vector.broadcast %sub3A_255 : f32 to vector<16xf32>
      %sub3A_257 = arith.subf %sub3A_256, %mul3A_254 : vector<16xf32>
      %mul3A_258 = arith.mulf %mul3A_249, %sub3A_257 : vector<16xf32>
      %mul3A_259 = arith.constant 5.000000e-01 : f32
      %mul3A_260 = vector.broadcast %mul3A_259 : f32 to vector<16xf32>
      %mul3A_261 = arith.mulf %mul3A_260, %max3A_232 : vector<16xf32>
      %mul3A_262 = arith.mulf %mul3A_261, %mul3A_258 : vector<16xf32>
      %mul3A_263 = arith.mulf %mul3A_262, %mul3A_258 : vector<16xf32>
      %sub3A_264 = arith.constant 1.500000e+00 : f32
      %sub3A_265 = vector.broadcast %sub3A_264 : f32 to vector<16xf32>
      %sub3A_266 = arith.subf %sub3A_265, %mul3A_263 : vector<16xf32>
      %mul3A_267 = arith.mulf %mul3A_258, %sub3A_266 : vector<16xf32>
      %mul3A_268 = arith.mulf %max3A_232, %mul3A_267 : vector<16xf32>
      %add3A_269 = arith.constant 9.99999993E-9 : f32
      %add3A_270 = vector.broadcast %add3A_269 : f32 to vector<16xf32>
      %add3A_271 = arith.addf %mul3A_268, %add3A_270 : vector<16xf32>
      %div3A_272 = arith.constant 1.000000e+00 : f32
      %div3A_273 = vector.broadcast %div3A_272 : f32 to vector<16xf32>
      %div3A_274 = arith.divf %div3A_273, %add3A_271 : vector<16xf32>
      %neg3A_275 = arith.constant 0.000000e+00 : f32
      %neg3A_276 = vector.broadcast %neg3A_275 : f32 to vector<16xf32>
      %neg3A_277 = arith.subf %neg3A_276, %mul3A_225 : vector<16xf32>
      %mul3A_278 = arith.mulf %neg3A_277, %div3A_274 : vector<16xf32>
      %mul3A_279 = vector.broadcast %scan3A : f32 to vector<16xf32>
      %mul3A_280 = arith.mulf %scan3A_118#6, %mul3A_279 : vector<16xf32>
      %mul3A_281 = arith.mulf %scan3A_118#6, %mul3A_280 : vector<16xf32>
      %sub3A_282 = arith.subf %scan3A_118#7, %mul3A_281 : vector<16xf32>
      %mul3A_283 = vector.broadcast %scan3A_53 : f32 to vector<16xf32>
      %mul3A_284 = arith.mulf %sub3A_282, %mul3A_283 : vector<16xf32>
      %max3A_285 = arith.constant 0.000000e+00 : f32
      %max3A_286 = vector.broadcast %max3A_285 : f32 to vector<16xf32>
      %max3A_287 = arith.maximumf %mul3A_284, %max3A_286 : vector<16xf32>
      %bitcast_convert_type3A_288 = tpu.bitcast %max3A_287 : vector<16xf32> -> vector<16xi32>
      %shift_right_logical3A_289 = arith.constant 1 : i32
      %shift_right_logical3A_290 = vector.broadcast %shift_right_logical3A_289 : i32 to vector<16xi32>
      %shift_right_logical3A_291 = arith.shrui %bitcast_convert_type3A_288, %shift_right_logical3A_290 : vector<16xi32>
      %sub3A_292 = arith.constant 1597463007 : i32
      %sub3A_293 = vector.broadcast %sub3A_292 : i32 to vector<16xi32>
      %sub3A_294 = arith.subi %sub3A_293, %shift_right_logical3A_291 : vector<16xi32>
      %bitcast_convert_type3A_295 = tpu.bitcast %sub3A_294 : vector<16xi32> -> vector<16xf32>
      %mul3A_296 = arith.constant 5.000000e-01 : f32
      %mul3A_297 = vector.broadcast %mul3A_296 : f32 to vector<16xf32>
      %mul3A_298 = arith.mulf %mul3A_297, %max3A_287 : vector<16xf32>
      %mul3A_299 = arith.mulf %mul3A_298, %bitcast_convert_type3A_295 : vector<16xf32>
      %mul3A_300 = arith.mulf %mul3A_299, %bitcast_convert_type3A_295 : vector<16xf32>
      %sub3A_301 = arith.constant 1.500000e+00 : f32
      %sub3A_302 = vector.broadcast %sub3A_301 : f32 to vector<16xf32>
      %sub3A_303 = arith.subf %sub3A_302, %mul3A_300 : vector<16xf32>
      %mul3A_304 = arith.mulf %bitcast_convert_type3A_295, %sub3A_303 : vector<16xf32>
      %mul3A_305 = arith.constant 5.000000e-01 : f32
      %mul3A_306 = vector.broadcast %mul3A_305 : f32 to vector<16xf32>
      %mul3A_307 = arith.mulf %mul3A_306, %max3A_287 : vector<16xf32>
      %mul3A_308 = arith.mulf %mul3A_307, %mul3A_304 : vector<16xf32>
      %mul3A_309 = arith.mulf %mul3A_308, %mul3A_304 : vector<16xf32>
      %sub3A_310 = arith.constant 1.500000e+00 : f32
      %sub3A_311 = vector.broadcast %sub3A_310 : f32 to vector<16xf32>
      %sub3A_312 = arith.subf %sub3A_311, %mul3A_309 : vector<16xf32>
      %mul3A_313 = arith.mulf %mul3A_304, %sub3A_312 : vector<16xf32>
      %mul3A_314 = arith.constant 5.000000e-01 : f32
      %mul3A_315 = vector.broadcast %mul3A_314 : f32 to vector<16xf32>
      %mul3A_316 = arith.mulf %mul3A_315, %max3A_287 : vector<16xf32>
      %mul3A_317 = arith.mulf %mul3A_316, %mul3A_313 : vector<16xf32>
      %mul3A_318 = arith.mulf %mul3A_317, %mul3A_313 : vector<16xf32>
      %sub3A_319 = arith.constant 1.500000e+00 : f32
      %sub3A_320 = vector.broadcast %sub3A_319 : f32 to vector<16xf32>
      %sub3A_321 = arith.subf %sub3A_320, %mul3A_318 : vector<16xf32>
      %mul3A_322 = arith.mulf %mul3A_313, %sub3A_321 : vector<16xf32>
      %mul3A_323 = arith.mulf %max3A_287, %mul3A_322 : vector<16xf32>
      %add3A_324 = arith.constant 9.99999993E-9 : f32
      %add3A_325 = vector.broadcast %add3A_324 : f32 to vector<16xf32>
      %add3A_326 = arith.addf %mul3A_323, %add3A_325 : vector<16xf32>
      %div3A_327 = arith.constant 1.000000e+00 : f32
      %div3A_328 = vector.broadcast %div3A_327 : f32 to vector<16xf32>
      %div3A_329 = arith.divf %div3A_328, %add3A_326 : vector<16xf32>
      %neg3A_330 = arith.constant 0.000000e+00 : f32
      %neg3A_331 = vector.broadcast %neg3A_330 : f32 to vector<16xf32>
      %neg3A_332 = arith.subf %neg3A_331, %mul3A_280 : vector<16xf32>
      %mul3A_333 = arith.mulf %neg3A_332, %div3A_329 : vector<16xf32>
      %scan3A_334 = arith.constant 0 : i32
      %scan3A_335 = arith.constant 0 : i32
      %scan3A_336 = arith.constant 100 : i32
      %scan3A_337 = arith.addi %scan3A_335, %scan3A_336 : i32
      %scan3A_338 = arith.constant 1 : i32
      scf.for %scan3A_1134 = %scan3A_335 to %scan3A_337 step %scan3A_338  : i32 {
        %mul3A_1135 = arith.constant 2 : i32
        %mul3A_1136 = arith.muli %scan3A_1134, %mul3A_1135 : i32
        %add3A_1137 = arith.constant 1 : i32
        %add3A_1138 = arith.addi %mul3A_1136, %add3A_1137 : i32
        %get3A = arith.index_cast %mul3A_1136 : i32 to index
        %get3A_1139 = arith.constant 0 : index
        %get3A_1140 = tpu.vector_load %arg6[%get3A, %get3A_1139] {strides = array<i32>} : memref<200x64xf32, #tpu.memory_space<vmem>>, vector<1x16xf32>,
        %get3A_1141 = vector.shape_cast %get3A_1140 : vector<1x16xf32> to vector<16xf32>
        %mul3A_1142 = arith.mulf %get3A_1141, %div3A_165 : vector<16xf32>
        %add3A_1143 = arith.addf %mul3A_1142, %mul3A_168 : vector<16xf32>
        %swap3A = arith.index_cast %mul3A_1136 : i32 to index
        %swap3A_1144 = arith.constant 0 : index
        %swap3A_1145 = tpu.vector_load %arg6[%swap3A, %swap3A_1144] {strides = array<i32>} : memref<200x64xf32, #tpu.memory_space<vmem>>, vector<1x16xf32>,
        %swap3A_1146 = vector.shape_cast %swap3A_1145 : vector<1x16xf32> to vector<16xf32>
        %swap3A_1147 = vector.shape_cast %add3A_1143 : vector<16xf32> to vector<1x16xf32>
        tpu.vector_store %arg6[%swap3A, %swap3A_1144], %swap3A_1147 {strides = array<i32>} : memref<200x64xf32, #tpu.memory_space<vmem>>, vector<1x16xf32>,
        %get3A_1148 = arith.index_cast %mul3A_1136 : i32 to index
        %get3A_1149 = arith.constant 16 : index
        %get3A_1150 = tpu.vector_load %arg6[%get3A_1148, %get3A_1149] {strides = array<i32>} : memref<200x64xf32, #tpu.memory_space<vmem>>, vector<1x16xf32>,
        %get3A_1151 = vector.shape_cast %get3A_1150 : vector<1x16xf32> to vector<16xf32>
        %mul3A_1152 = arith.mulf %get3A_1151, %div3A_219 : vector<16xf32>
        %add3A_1153 = arith.addf %mul3A_1152, %mul3A_223 : vector<16xf32>
        %swap3A_1154 = arith.index_cast %mul3A_1136 : i32 to index
        %swap3A_1155 = arith.constant 16 : index
        %swap3A_1156 = tpu.vector_load %arg6[%swap3A_1154, %swap3A_1155] {strides = array<i32>} : memref<200x64xf32, #tpu.memory_space<vmem>>, vector<1x16xf32>,
        %swap3A_1157 = vector.shape_cast %swap3A_1156 : vector<1x16xf32> to vector<16xf32>
        %swap3A_1158 = vector.shape_cast %add3A_1153 : vector<16xf32> to vector<1x16xf32>
        tpu.vector_store %arg6[%swap3A_1154, %swap3A_1155], %swap3A_1158 {strides = array<i32>} : memref<200x64xf32, #tpu.memory_space<vmem>>, vector<1x16xf32>,
        %get3A_1159 = arith.index_cast %mul3A_1136 : i32 to index
        %get3A_1160 = arith.constant 32 : index
        %get3A_1161 = tpu.vector_load %arg6[%get3A_1159, %get3A_1160] {strides = array<i32>} : memref<200x64xf32, #tpu.memory_space<vmem>>, vector<1x16xf32>,
        %get3A_1162 = vector.shape_cast %get3A_1161 : vector<1x16xf32> to vector<16xf32>
        %mul3A_1163 = arith.mulf %get3A_1162, %div3A_274 : vector<16xf32>
        %add3A_1164 = arith.addf %mul3A_1163, %mul3A_278 : vector<16xf32>
        %swap3A_1165 = arith.index_cast %mul3A_1136 : i32 to index
        %swap3A_1166 = arith.constant 32 : index
        %swap3A_1167 = tpu.vector_load %arg6[%swap3A_1165, %swap3A_1166] {strides = array<i32>} : memref<200x64xf32, #tpu.memory_space<vmem>>, vector<1x16xf32>,
        %swap3A_1168 = vector.shape_cast %swap3A_1167 : vector<1x16xf32> to vector<16xf32>
        %swap3A_1169 = vector.shape_cast %add3A_1164 : vector<16xf32> to vector<1x16xf32>
        tpu.vector_store %arg6[%swap3A_1165, %swap3A_1166], %swap3A_1169 {strides = array<i32>} : memref<200x64xf32, #tpu.memory_space<vmem>>, vector<1x16xf32>,
        %get3A_1170 = arith.index_cast %mul3A_1136 : i32 to index
        %get3A_1171 = arith.constant 48 : index
        %get3A_1172 = tpu.vector_load %arg6[%get3A_1170, %get3A_1171] {strides = array<i32>} : memref<200x64xf32, #tpu.memory_space<vmem>>, vector<1x16xf32>,
        %get3A_1173 = vector.shape_cast %get3A_1172 : vector<1x16xf32> to vector<16xf32>
        %mul3A_1174 = arith.mulf %get3A_1173, %div3A_329 : vector<16xf32>
        %add3A_1175 = arith.addf %mul3A_1174, %mul3A_333 : vector<16xf32>
        %swap3A_1176 = arith.index_cast %mul3A_1136 : i32 to index
        %swap3A_1177 = arith.constant 48 : index
        %swap3A_1178 = tpu.vector_load %arg6[%swap3A_1176, %swap3A_1177] {strides = array<i32>} : memref<200x64xf32, #tpu.memory_space<vmem>>, vector<1x16xf32>,
        %swap3A_1179 = vector.shape_cast %swap3A_1178 : vector<1x16xf32> to vector<16xf32>
        %swap3A_1180 = vector.shape_cast %add3A_1175 : vector<16xf32> to vector<1x16xf32>
        tpu.vector_store %arg6[%swap3A_1176, %swap3A_1177], %swap3A_1180 {strides = array<i32>} : memref<200x64xf32, #tpu.memory_space<vmem>>, vector<1x16xf32>,
        %get3A_1181 = arith.index_cast %add3A_1138 : i32 to index
        %get3A_1182 = arith.constant 0 : index
        %get3A_1183 = tpu.vector_load %arg6[%get3A_1181, %get3A_1182] {strides = array<i32>} : memref<200x64xf32, #tpu.memory_space<vmem>>, vector<1x16xf32>,
        %get3A_1184 = vector.shape_cast %get3A_1183 : vector<1x16xf32> to vector<16xf32>
        %mul3A_1185 = arith.mulf %get3A_1184, %div3A_165 : vector<16xf32>
        %add3A_1186 = arith.addf %mul3A_1185, %mul3A_168 : vector<16xf32>
        %swap3A_1187 = arith.index_cast %add3A_1138 : i32 to index
        %swap3A_1188 = arith.constant 0 : index
        %swap3A_1189 = tpu.vector_load %arg6[%swap3A_1187, %swap3A_1188] {strides = array<i32>} : memref<200x64xf32, #tpu.memory_space<vmem>>, vector<1x16xf32>,
        %swap3A_1190 = vector.shape_cast %swap3A_1189 : vector<1x16xf32> to vector<16xf32>
        %swap3A_1191 = vector.shape_cast %add3A_1186 : vector<16xf32> to vector<1x16xf32>
        tpu.vector_store %arg6[%swap3A_1187, %swap3A_1188], %swap3A_1191 {strides = array<i32>} : memref<200x64xf32, #tpu.memory_space<vmem>>, vector<1x16xf32>,
        %get3A_1192 = arith.index_cast %add3A_1138 : i32 to index
        %get3A_1193 = arith.constant 16 : index
        %get3A_1194 = tpu.vector_load %arg6[%get3A_1192, %get3A_1193] {strides = array<i32>} : memref<200x64xf32, #tpu.memory_space<vmem>>, vector<1x16xf32>,
        %get3A_1195 = vector.shape_cast %get3A_1194 : vector<1x16xf32> to vector<16xf32>
        %mul3A_1196 = arith.mulf %get3A_1195, %div3A_219 : vector<16xf32>
        %add3A_1197 = arith.addf %mul3A_1196, %mul3A_223 : vector<16xf32>
        %swap3A_1198 = arith.index_cast %add3A_1138 : i32 to index
        %swap3A_1199 = arith.constant 16 : index
        %swap3A_1200 = tpu.vector_load %arg6[%swap3A_1198, %swap3A_1199] {strides = array<i32>} : memref<200x64xf32, #tpu.memory_space<vmem>>, vector<1x16xf32>,
        %swap3A_1201 = vector.shape_cast %swap3A_1200 : vector<1x16xf32> to vector<16xf32>
        %swap3A_1202 = vector.shape_cast %add3A_1197 : vector<16xf32> to vector<1x16xf32>
        tpu.vector_store %arg6[%swap3A_1198, %swap3A_1199], %swap3A_1202 {strides = array<i32>} : memref<200x64xf32, #tpu.memory_space<vmem>>, vector<1x16xf32>,
        %get3A_1203 = arith.index_cast %add3A_1138 : i32 to index
        %get3A_1204 = arith.constant 32 : index
        %get3A_1205 = tpu.vector_load %arg6[%get3A_1203, %get3A_1204] {strides = array<i32>} : memref<200x64xf32, #tpu.memory_space<vmem>>, vector<1x16xf32>,
        %get3A_1206 = vector.shape_cast %get3A_1205 : vector<1x16xf32> to vector<16xf32>
        %mul3A_1207 = arith.mulf %get3A_1206, %div3A_274 : vector<16xf32>
        %add3A_1208 = arith.addf %mul3A_1207, %mul3A_278 : vector<16xf32>
        %swap3A_1209 = arith.index_cast %add3A_1138 : i32 to index
        %swap3A_1210 = arith.constant 32 : index
        %swap3A_1211 = tpu.vector_load %arg6[%swap3A_1209, %swap3A_1210] {strides = array<i32>} : memref<200x64xf32, #tpu.memory_space<vmem>>, vector<1x16xf32>,
        %swap3A_1212 = vector.shape_cast %swap3A_1211 : vector<1x16xf32> to vector<16xf32>
        %swap3A_1213 = vector.shape_cast %add3A_1208 : vector<16xf32> to vector<1x16xf32>
        tpu.vector_store %arg6[%swap3A_1209, %swap3A_1210], %swap3A_1213 {strides = array<i32>} : memref<200x64xf32, #tpu.memory_space<vmem>>, vector<1x16xf32>,
        %get3A_1214 = arith.index_cast %add3A_1138 : i32 to index
        %get3A_1215 = arith.constant 48 : index
        %get3A_1216 = tpu.vector_load %arg6[%get3A_1214, %get3A_1215] {strides = array<i32>} : memref<200x64xf32, #tpu.memory_space<vmem>>, vector<1x16xf32>,
        %get3A_1217 = vector.shape_cast %get3A_1216 : vector<1x16xf32> to vector<16xf32>
        %mul3A_1218 = arith.mulf %get3A_1217, %div3A_329 : vector<16xf32>
        %add3A_1219 = arith.addf %mul3A_1218, %mul3A_333 : vector<16xf32>
        %swap3A_1220 = arith.index_cast %add3A_1138 : i32 to index
        %swap3A_1221 = arith.constant 48 : index
        %swap3A_1222 = tpu.vector_load %arg6[%swap3A_1220, %swap3A_1221] {strides = array<i32>} : memref<200x64xf32, #tpu.memory_space<vmem>>, vector<1x16xf32>,
        %swap3A_1223 = vector.shape_cast %swap3A_1222 : vector<1x16xf32> to vector<16xf32>
        %swap3A_1224 = vector.shape_cast %add3A_1219 : vector<16xf32> to vector<1x16xf32>
        tpu.vector_store %arg6[%swap3A_1220, %swap3A_1221], %swap3A_1224 {strides = array<i32>} : memref<200x64xf32, #tpu.memory_space<vmem>>, vector<1x16xf32>,
      }
      %scan3A_339 = arith.constant 100 : i32
      %add3A_340 = arith.constant 0 : i32
      %add3A_341 = arith.addi %add3A_98, %add3A_340 : i32
      %add3A_342 = arith.addi %mul3A_2, %add3A_341 : i32
      %dma_start3A_343 = arith.constant 0 : i32
      %dma_start3A_344 = arith.constant 0 : i32
      %dma_start3A_345 = tpu.memref_slice %arg4[%add3A_342, %dma_start3A_343, %dma_start3A_344] : memref<4096x200x64xf32, #tpu.memory_space<hbm>> -> memref<1x200x64xf32, #tpu.memory_space<hbm>>
      %dma_start3A_346 = tpu.memref_squeeze %dma_start3A_345 : memref<1x200x64xf32, #tpu.memory_space<hbm>> -> memref<200x64xf32, #tpu.memory_space<hbm>>
      %dma_start3A_347 = arith.constant 0 : i32
      %dma_start3A_348 = arith.constant 0 : i32
      %dma_start3A_349 = tpu.memref_slice %arg4[%add3A_342, %dma_start3A_347, %dma_start3A_348] : memref<4096x200x64xf32, #tpu.memory_space<hbm>> -> memref<1x200x64xf32, #tpu.memory_space<hbm>>
      %dma_start3A_350 = tpu.memref_squeeze %dma_start3A_349 : memref<1x200x64xf32, #tpu.memory_space<hbm>> -> memref<200x64xf32, #tpu.memory_space<hbm>>
      tpu.enqueue_dma source(%arg6 : memref<200x64xf32, #tpu.memory_space<vmem>>) target(%dma_start3A_350 : memref<200x64xf32, #tpu.memory_space<hbm>>) target_semaphore(%arg14 : memref<!tpu.dma_semaphore, #tpu.memory_space<semaphore_mem>>)
      %add3A_351 = arith.constant 1 : i32
      %add3A_352 = arith.addi %add3A_98, %add3A_351 : i32
      %add3A_353 = arith.constant 3 : i32
      %add3A_354 = arith.addi %add3A_352, %add3A_353 : i32
      %lt3A_355 = arith.constant 128 : i32
      %lt3A_356 = arith.cmpi slt, %add3A_354, %lt3A_355 : i32
      %convert_element_type3A_357 = arith.extui %lt3A_356 : i1 to i32
      %cond3A_358 = arith.constant 0 : i32
      %cond3A_359 = arith.cmpi ne, %convert_element_type3A_357, %cond3A_358 : i32
      scf.if %cond3A_359 {
        %dma_wait3A_1134 = arith.constant 0 : i32
        %dma_wait3A_1135 = arith.constant 0 : i32
        %dma_wait3A_1136 = arith.constant 0 : i32
        %dma_wait3A_1137 = tpu.memref_slice %arg4[%dma_wait3A_1134, %dma_wait3A_1135, %dma_wait3A_1136] : memref<4096x200x64xf32, #tpu.memory_space<hbm>> -> memref<1x200x64xf32, #tpu.memory_space<hbm>>
        %dma_wait3A_1138 = tpu.memref_squeeze %dma_wait3A_1137 : memref<1x200x64xf32, #tpu.memory_space<hbm>> -> memref<200x64xf32, #tpu.memory_space<hbm>>
        %dma_wait3A_1139 = arith.constant 0 : i32
        %dma_wait3A_1140 = arith.constant 0 : i32
        %dma_wait3A_1141 = tpu.memref_slice %arg4[%dma_wait3A_1134, %dma_wait3A_1139, %dma_wait3A_1140] : memref<4096x200x64xf32, #tpu.memory_space<hbm>> -> memref<1x200x64xf32, #tpu.memory_space<hbm>>
        %dma_wait3A_1142 = tpu.memref_squeeze %dma_wait3A_1141 : memref<1x200x64xf32, #tpu.memory_space<hbm>> -> memref<200x64xf32, #tpu.memory_space<hbm>>
        tpu.wait_dma2 semaphore(%arg14 : memref<!tpu.dma_semaphore, #tpu.memory_space<semaphore_mem>>) src(%arg6 : memref<200x64xf32, #tpu.memory_space<vmem>>) dst(%dma_wait3A_1142 : memref<200x64xf32, #tpu.memory_space<hbm>>)
        %mul3A_1143 = arith.constant 200 : i32
        %mul3A_1144 = arith.muli %add3A_354, %mul3A_1143 : i32
        %dma_start3A_1145 = arith.constant 0 : i32
        %dma_start3A_1146 = arith.constant 0 : i32
        %dma_start3A_1147 = tpu.memref_slice %arg6[%dma_start3A_1145, %dma_start3A_1146] : memref<200x64xf32, #tpu.memory_space<vmem>> -> memref<128x64xf32, #tpu.memory_space<vmem>>
        %dma_start3A_1148 = tpu.memref_slice %arg5[%mul3A_1144] : memref<25600xi32, #tpu.memory_space<vmem>> -> memref<128xi32, #tpu.memory_space<vmem>>
        %dma_start3A_1149 = arith.constant 0 : i32
        %dma_start3A_1150 = arith.constant 0 : i32
        %dma_start3A_1151 = tpu.memref_slice %arg3[%dma_start3A_1149, %dma_start3A_1150] : memref<1000000x64xf32, #tpu.memory_space<hbm>> -> memref<1000000x64xf32, #tpu.memory_space<hbm>>
        tpu.enqueue_indirect_dma source(%dma_start3A_1151 : memref<1000000x64xf32, #tpu.memory_space<hbm>>) target(%dma_start3A_1147 : memref<128x64xf32, #tpu.memory_space<vmem>>) offsets(%dma_start3A_1148 : memref<128xi32, #tpu.memory_space<vmem>>) semaphore(%arg10 : memref<!tpu.dma_semaphore, #tpu.memory_space<semaphore_mem>>)
        %add3A_1152 = arith.constant 128 : i32
        %add3A_1153 = arith.addi %mul3A_1144, %add3A_1152 : i32
        %dma_start3A_1154 = arith.constant 128 : i32
        %dma_start3A_1155 = arith.constant 0 : i32
        %dma_start3A_1156 = tpu.memref_slice %arg6[%dma_start3A_1154, %dma_start3A_1155] : memref<200x64xf32, #tpu.memory_space<vmem>> -> memref<72x64xf32, #tpu.memory_space<vmem>>
        %dma_start3A_1157 = tpu.memref_slice %arg5[%add3A_1153] : memref<25600xi32, #tpu.memory_space<vmem>> -> memref<72xi32, #tpu.memory_space<vmem>>
        %dma_start3A_1158 = arith.constant 0 : i32
        %dma_start3A_1159 = arith.constant 0 : i32
        %dma_start3A_1160 = tpu.memref_slice %arg3[%dma_start3A_1158, %dma_start3A_1159] : memref<1000000x64xf32, #tpu.memory_space<hbm>> -> memref<1000000x64xf32, #tpu.memory_space<hbm>>
        tpu.enqueue_indirect_dma source(%dma_start3A_1160 : memref<1000000x64xf32, #tpu.memory_space<hbm>>) target(%dma_start3A_1156 : memref<72x64xf32, #tpu.memory_space<vmem>>) offsets(%dma_start3A_1157 : memref<72xi32, #tpu.memory_space<vmem>>) semaphore(%arg10 : memref<!tpu.dma_semaphore, #tpu.memory_space<semaphore_mem>>)
      } else {
      }
      %dma_wait3A_360 = arith.constant 0 : i32
      %dma_wait3A_361 = arith.constant 0 : i32
      %dma_wait3A_362 = arith.constant 0 : i32
      %dma_wait3A_363 = tpu.memref_slice %arg4[%dma_wait3A_360, %dma_wait3A_361, %dma_wait3A_362] : memref<4096x200x64xf32, #tpu.memory_space<hbm>> -> memref<1x200x64xf32, #tpu.memory_space<hbm>>
      %dma_wait3A_364 = tpu.memref_squeeze %dma_wait3A_363 : memref<1x200x64xf32, #tpu.memory_space<hbm>> -> memref<200x64xf32, #tpu.memory_space<hbm>>
      %dma_wait3A_365 = arith.constant 0 : i32
      %dma_wait3A_366 = arith.constant 0 : i32
      %dma_wait3A_367 = tpu.memref_slice %arg4[%dma_wait3A_360, %dma_wait3A_365, %dma_wait3A_366] : memref<4096x200x64xf32, #tpu.memory_space<hbm>> -> memref<1x200x64xf32, #tpu.memory_space<hbm>>
      %dma_wait3A_368 = tpu.memref_squeeze %dma_wait3A_367 : memref<1x200x64xf32, #tpu.memory_space<hbm>> -> memref<200x64xf32, #tpu.memory_space<hbm>>
      tpu.wait_dma2 semaphore(%arg11 : memref<!tpu.dma_semaphore, #tpu.memory_space<semaphore_mem>>) src(%dma_wait3A_368 : memref<200x64xf32, #tpu.memory_space<hbm>>) dst(%arg7 : memref<200x64xf32, #tpu.memory_space<vmem>>)
      %scan3A_369 = arith.constant 0 : i32
      %scan3A_370 = arith.constant 100 : i32
      %scan3A_371 = arith.addi %scan3A_369, %scan3A_370 : i32
      %scan3A_372 = arith.constant 1 : i32
      %scan3A_373:8 = scf.for %scan3A_1134 = %scan3A_369 to %scan3A_371 step %scan3A_372 iter_args(%scan3A_1135 = %broadcast_in_dim3A_5, %scan3A_1136 = %broadcast_in_dim3A_5, %scan3A_1137 = %broadcast_in_dim3A_5, %scan3A_1138 = %broadcast_in_dim3A_5, %scan3A_1139 = %broadcast_in_dim3A_5, %scan3A_1140 = %broadcast_in_dim3A_5, %scan3A_1141 = %broadcast_in_dim3A_5, %scan3A_1142 = %broadcast_in_dim3A_5) -> (vector<16xf32>, vector<16xf32>, vector<16xf32>, vector<16xf32>, vector<16xf32>, vector<16xf32>, vector<16xf32>, vector<16xf32>)  : i32 {
        %mul3A_1143 = arith.constant 2 : i32
        %mul3A_1144 = arith.muli %scan3A_1134, %mul3A_1143 : i32
        %add3A_1145 = arith.constant 1 : i32
        %add3A_1146 = arith.addi %mul3A_1144, %add3A_1145 : i32
        %get3A = arith.index_cast %mul3A_1144 : i32 to index
        %get3A_1147 = arith.constant 0 : index
        %get3A_1148 = tpu.vector_load %arg7[%get3A, %get3A_1147] {strides = array<i32>} : memref<200x64xf32, #tpu.memory_space<vmem>>, vector<1x16xf32>,
        %get3A_1149 = vector.shape_cast %get3A_1148 : vector<1x16xf32> to vector<16xf32>
        %add3A_1150 = arith.addf %scan3A_1135, %get3A_1149 : vector<16xf32>
        %mul3A_1151 = arith.mulf %get3A_1149, %get3A_1149 : vector<16xf32>
        %add3A_1152 = arith.addf %scan3A_1136, %mul3A_1151 : vector<16xf32>
        %get3A_1153 = arith.index_cast %mul3A_1144 : i32 to index
        %get3A_1154 = arith.constant 16 : index
        %get3A_1155 = tpu.vector_load %arg7[%get3A_1153, %get3A_1154] {strides = array<i32>} : memref<200x64xf32, #tpu.memory_space<vmem>>, vector<1x16xf32>,
        %get3A_1156 = vector.shape_cast %get3A_1155 : vector<1x16xf32> to vector<16xf32>
        %add3A_1157 = arith.addf %scan3A_1137, %get3A_1156 : vector<16xf32>
        %mul3A_1158 = arith.mulf %get3A_1156, %get3A_1156 : vector<16xf32>
        %add3A_1159 = arith.addf %scan3A_1138, %mul3A_1158 : vector<16xf32>
        %get3A_1160 = arith.index_cast %mul3A_1144 : i32 to index
        %get3A_1161 = arith.constant 32 : index
        %get3A_1162 = tpu.vector_load %arg7[%get3A_1160, %get3A_1161] {strides = array<i32>} : memref<200x64xf32, #tpu.memory_space<vmem>>, vector<1x16xf32>,
        %get3A_1163 = vector.shape_cast %get3A_1162 : vector<1x16xf32> to vector<16xf32>
        %add3A_1164 = arith.addf %scan3A_1139, %get3A_1163 : vector<16xf32>
        %mul3A_1165 = arith.mulf %get3A_1163, %get3A_1163 : vector<16xf32>
        %add3A_1166 = arith.addf %scan3A_1140, %mul3A_1165 : vector<16xf32>
        %get3A_1167 = arith.index_cast %mul3A_1144 : i32 to index
        %get3A_1168 = arith.constant 48 : index
        %get3A_1169 = tpu.vector_load %arg7[%get3A_1167, %get3A_1168] {strides = array<i32>} : memref<200x64xf32, #tpu.memory_space<vmem>>, vector<1x16xf32>,
        %get3A_1170 = vector.shape_cast %get3A_1169 : vector<1x16xf32> to vector<16xf32>
        %add3A_1171 = arith.addf %scan3A_1141, %get3A_1170 : vector<16xf32>
        %mul3A_1172 = arith.mulf %get3A_1170, %get3A_1170 : vector<16xf32>
        %add3A_1173 = arith.addf %scan3A_1142, %mul3A_1172 : vector<16xf32>
        %get3A_1174 = arith.index_cast %add3A_1146 : i32 to index
        %get3A_1175 = arith.constant 0 : index
        %get3A_1176 = tpu.vector_load %arg7[%get3A_1174, %get3A_1175] {strides = array<i32>} : memref<200x64xf32, #tpu.memory_space<vmem>>, vector<1x16xf32>,
        %get3A_1177 = vector.shape_cast %get3A_1176 : vector<1x16xf32> to vector<16xf32>
        %add3A_1178 = arith.addf %add3A_1150, %get3A_1177 : vector<16xf32>
        %mul3A_1179 = arith.mulf %get3A_1177, %get3A_1177 : vector<16xf32>
        %add3A_1180 = arith.addf %add3A_1152, %mul3A_1179 : vector<16xf32>
        %get3A_1181 = arith.index_cast %add3A_1146 : i32 to index
        %get3A_1182 = arith.constant 16 : index
        %get3A_1183 = tpu.vector_load %arg7[%get3A_1181, %get3A_1182] {strides = array<i32>} : memref<200x64xf32, #tpu.memory_space<vmem>>, vector<1x16xf32>,
        %get3A_1184 = vector.shape_cast %get3A_1183 : vector<1x16xf32> to vector<16xf32>
        %add3A_1185 = arith.addf %add3A_1157, %get3A_1184 : vector<16xf32>
        %mul3A_1186 = arith.mulf %get3A_1184, %get3A_1184 : vector<16xf32>
        %add3A_1187 = arith.addf %add3A_1159, %mul3A_1186 : vector<16xf32>
        %get3A_1188 = arith.index_cast %add3A_1146 : i32 to index
        %get3A_1189 = arith.constant 32 : index
        %get3A_1190 = tpu.vector_load %arg7[%get3A_1188, %get3A_1189] {strides = array<i32>} : memref<200x64xf32, #tpu.memory_space<vmem>>, vector<1x16xf32>,
        %get3A_1191 = vector.shape_cast %get3A_1190 : vector<1x16xf32> to vector<16xf32>
        %add3A_1192 = arith.addf %add3A_1164, %get3A_1191 : vector<16xf32>
        %mul3A_1193 = arith.mulf %get3A_1191, %get3A_1191 : vector<16xf32>
        %add3A_1194 = arith.addf %add3A_1166, %mul3A_1193 : vector<16xf32>
        %get3A_1195 = arith.index_cast %add3A_1146 : i32 to index
        %get3A_1196 = arith.constant 48 : index
        %get3A_1197 = tpu.vector_load %arg7[%get3A_1195, %get3A_1196] {strides = array<i32>} : memref<200x64xf32, #tpu.memory_space<vmem>>, vector<1x16xf32>,
        %get3A_1198 = vector.shape_cast %get3A_1197 : vector<1x16xf32> to vector<16xf32>
        %add3A_1199 = arith.addf %add3A_1171, %get3A_1198 : vector<16xf32>
        %mul3A_1200 = arith.mulf %get3A_1198, %get3A_1198 : vector<16xf32>
        %add3A_1201 = arith.addf %add3A_1173, %mul3A_1200 : vector<16xf32>
        scf.yield %add3A_1178, %add3A_1180, %add3A_1185, %add3A_1187, %add3A_1192, %add3A_1194, %add3A_1199, %add3A_1201 : vector<16xf32>, vector<16xf32>, vector<16xf32>, vector<16xf32>, vector<16xf32>, vector<16xf32>, vector<16xf32>, vector<16xf32>
      }
      %scan3A_374 = arith.constant 100 : i32
      %mul3A_375 = vector.broadcast %scan3A : f32 to vector<16xf32>
      %mul3A_376 = arith.mulf %scan3A_373#0, %mul3A_375 : vector<16xf32>
      %mul3A_377 = arith.mulf %scan3A_373#0, %mul3A_376 : vector<16xf32>
      %sub3A_378 = arith.subf %scan3A_373#1, %mul3A_377 : vector<16xf32>
      %mul3A_379 = vector.broadcast %scan3A_53 : f32 to vector<16xf32>
      %mul3A_380 = arith.mulf %sub3A_378, %mul3A_379 : vector<16xf32>
      %max3A_381 = arith.constant 0.000000e+00 : f32
      %max3A_382 = vector.broadcast %max3A_381 : f32 to vector<16xf32>
      %max3A_383 = arith.maximumf %mul3A_380, %max3A_382 : vector<16xf32>
      %bitcast_convert_type3A_384 = tpu.bitcast %max3A_383 : vector<16xf32> -> vector<16xi32>
      %shift_right_logical3A_385 = arith.constant 1 : i32
      %shift_right_logical3A_386 = vector.broadcast %shift_right_logical3A_385 : i32 to vector<16xi32>
      %shift_right_logical3A_387 = arith.shrui %bitcast_convert_type3A_384, %shift_right_logical3A_386 : vector<16xi32>
      %sub3A_388 = arith.constant 1597463007 : i32
      %sub3A_389 = vector.broadcast %sub3A_388 : i32 to vector<16xi32>
      %sub3A_390 = arith.subi %sub3A_389, %shift_right_logical3A_387 : vector<16xi32>
      %bitcast_convert_type3A_391 = tpu.bitcast %sub3A_390 : vector<16xi32> -> vector<16xf32>
      %mul3A_392 = arith.constant 5.000000e-01 : f32
      %mul3A_393 = vector.broadcast %mul3A_392 : f32 to vector<16xf32>
      %mul3A_394 = arith.mulf %mul3A_393, %max3A_383 : vector<16xf32>
      %mul3A_395 = arith.mulf %mul3A_394, %bitcast_convert_type3A_391 : vector<16xf32>
      %mul3A_396 = arith.mulf %mul3A_395, %bitcast_convert_type3A_391 : vector<16xf32>
      %sub3A_397 = arith.constant 1.500000e+00 : f32
      %sub3A_398 = vector.broadcast %sub3A_397 : f32 to vector<16xf32>
      %sub3A_399 = arith.subf %sub3A_398, %mul3A_396 : vector<16xf32>
      %mul3A_400 = arith.mulf %bitcast_convert_type3A_391, %sub3A_399 : vector<16xf32>
      %mul3A_401 = arith.constant 5.000000e-01 : f32
      %mul3A_402 = vector.broadcast %mul3A_401 : f32 to vector<16xf32>
      %mul3A_403 = arith.mulf %mul3A_402, %max3A_383 : vector<16xf32>
      %mul3A_404 = arith.mulf %mul3A_403, %mul3A_400 : vector<16xf32>
      %mul3A_405 = arith.mulf %mul3A_404, %mul3A_400 : vector<16xf32>
      %sub3A_406 = arith.constant 1.500000e+00 : f32
      %sub3A_407 = vector.broadcast %sub3A_406 : f32 to vector<16xf32>
      %sub3A_408 = arith.subf %sub3A_407, %mul3A_405 : vector<16xf32>
      %mul3A_409 = arith.mulf %mul3A_400, %sub3A_408 : vector<16xf32>
      %mul3A_410 = arith.constant 5.000000e-01 : f32
      %mul3A_411 = vector.broadcast %mul3A_410 : f32 to vector<16xf32>
      %mul3A_412 = arith.mulf %mul3A_411, %max3A_383 : vector<16xf32>
      %mul3A_413 = arith.mulf %mul3A_412, %mul3A_409 : vector<16xf32>
      %mul3A_414 = arith.mulf %mul3A_413, %mul3A_409 : vector<16xf32>
      %sub3A_415 = arith.constant 1.500000e+00 : f32
      %sub3A_416 = vector.broadcast %sub3A_415 : f32 to vector<16xf32>
      %sub3A_417 = arith.subf %sub3A_416, %mul3A_414 : vector<16xf32>
      %mul3A_418 = arith.mulf %mul3A_409, %sub3A_417 : vector<16xf32>
      %mul3A_419 = arith.mulf %max3A_383, %mul3A_418 : vector<16xf32>
      %add3A_420 = arith.constant 9.99999993E-9 : f32
      %add3A_421 = vector.broadcast %add3A_420 : f32 to vector<16xf32>
      %add3A_422 = arith.addf %mul3A_419, %add3A_421 : vector<16xf32>
      %div3A_423 = arith.constant 1.000000e+00 : f32
      %div3A_424 = vector.broadcast %div3A_423 : f32 to vector<16xf32>
      %div3A_425 = arith.divf %div3A_424, %add3A_422 : vector<16xf32>
      %neg3A_426 = arith.constant 0.000000e+00 : f32
      %neg3A_427 = vector.broadcast %neg3A_426 : f32 to vector<16xf32>
      %neg3A_428 = arith.subf %neg3A_427, %mul3A_376 : vector<16xf32>
      %mul3A_429 = arith.mulf %neg3A_428, %div3A_425 : vector<16xf32>
      %mul3A_430 = vector.broadcast %scan3A : f32 to vector<16xf32>
      %mul3A_431 = arith.mulf %scan3A_373#2, %mul3A_430 : vector<16xf32>
      %mul3A_432 = arith.mulf %scan3A_373#2, %mul3A_431 : vector<16xf32>
      %sub3A_433 = arith.subf %scan3A_373#3, %mul3A_432 : vector<16xf32>
      %mul3A_434 = vector.broadcast %scan3A_53 : f32 to vector<16xf32>
      %mul3A_435 = arith.mulf %sub3A_433, %mul3A_434 : vector<16xf32>
      %max3A_436 = arith.constant 0.000000e+00 : f32
      %max3A_437 = vector.broadcast %max3A_436 : f32 to vector<16xf32>
      %max3A_438 = arith.maximumf %mul3A_435, %max3A_437 : vector<16xf32>
      %bitcast_convert_type3A_439 = tpu.bitcast %max3A_438 : vector<16xf32> -> vector<16xi32>
      %shift_right_logical3A_440 = arith.constant 1 : i32
      %shift_right_logical3A_441 = vector.broadcast %shift_right_logical3A_440 : i32 to vector<16xi32>
      %shift_right_logical3A_442 = arith.shrui %bitcast_convert_type3A_439, %shift_right_logical3A_441 : vector<16xi32>
      %sub3A_443 = arith.constant 1597463007 : i32
      %sub3A_444 = vector.broadcast %sub3A_443 : i32 to vector<16xi32>
      %sub3A_445 = arith.subi %sub3A_444, %shift_right_logical3A_442 : vector<16xi32>
      %bitcast_convert_type3A_446 = tpu.bitcast %sub3A_445 : vector<16xi32> -> vector<16xf32>
      %mul3A_447 = arith.constant 5.000000e-01 : f32
      %mul3A_448 = vector.broadcast %mul3A_447 : f32 to vector<16xf32>
      %mul3A_449 = arith.mulf %mul3A_448, %max3A_438 : vector<16xf32>
      %mul3A_450 = arith.mulf %mul3A_449, %bitcast_convert_type3A_446 : vector<16xf32>
      %mul3A_451 = arith.mulf %mul3A_450, %bitcast_convert_type3A_446 : vector<16xf32>
      %sub3A_452 = arith.constant 1.500000e+00 : f32
      %sub3A_453 = vector.broadcast %sub3A_452 : f32 to vector<16xf32>
      %sub3A_454 = arith.subf %sub3A_453, %mul3A_451 : vector<16xf32>
      %mul3A_455 = arith.mulf %bitcast_convert_type3A_446, %sub3A_454 : vector<16xf32>
      %mul3A_456 = arith.constant 5.000000e-01 : f32
      %mul3A_457 = vector.broadcast %mul3A_456 : f32 to vector<16xf32>
      %mul3A_458 = arith.mulf %mul3A_457, %max3A_438 : vector<16xf32>
      %mul3A_459 = arith.mulf %mul3A_458, %mul3A_455 : vector<16xf32>
      %mul3A_460 = arith.mulf %mul3A_459, %mul3A_455 : vector<16xf32>
      %sub3A_461 = arith.constant 1.500000e+00 : f32
      %sub3A_462 = vector.broadcast %sub3A_461 : f32 to vector<16xf32>
      %sub3A_463 = arith.subf %sub3A_462, %mul3A_460 : vector<16xf32>
      %mul3A_464 = arith.mulf %mul3A_455, %sub3A_463 : vector<16xf32>
      %mul3A_465 = arith.constant 5.000000e-01 : f32
      %mul3A_466 = vector.broadcast %mul3A_465 : f32 to vector<16xf32>
      %mul3A_467 = arith.mulf %mul3A_466, %max3A_438 : vector<16xf32>
      %mul3A_468 = arith.mulf %mul3A_467, %mul3A_464 : vector<16xf32>
      %mul3A_469 = arith.mulf %mul3A_468, %mul3A_464 : vector<16xf32>
      %sub3A_470 = arith.constant 1.500000e+00 : f32
      %sub3A_471 = vector.broadcast %sub3A_470 : f32 to vector<16xf32>
      %sub3A_472 = arith.subf %sub3A_471, %mul3A_469 : vector<16xf32>
      %mul3A_473 = arith.mulf %mul3A_464, %sub3A_472 : vector<16xf32>
      %mul3A_474 = arith.mulf %max3A_438, %mul3A_473 : vector<16xf32>
      %add3A_475 = arith.constant 9.99999993E-9 : f32
      %add3A_476 = vector.broadcast %add3A_475 : f32 to vector<16xf32>
      %add3A_477 = arith.addf %mul3A_474, %add3A_476 : vector<16xf32>
      %div3A_478 = arith.constant 1.000000e+00 : f32
      %div3A_479 = vector.broadcast %div3A_478 : f32 to vector<16xf32>
      %div3A_480 = arith.divf %div3A_479, %add3A_477 : vector<16xf32>
      %neg3A_481 = arith.constant 0.000000e+00 : f32
      %neg3A_482 = vector.broadcast %neg3A_481 : f32 to vector<16xf32>
      %neg3A_483 = arith.subf %neg3A_482, %mul3A_431 : vector<16xf32>
      %mul3A_484 = arith.mulf %neg3A_483, %div3A_480 : vector<16xf32>
      %mul3A_485 = vector.broadcast %scan3A : f32 to vector<16xf32>
      %mul3A_486 = arith.mulf %scan3A_373#4, %mul3A_485 : vector<16xf32>
      %mul3A_487 = arith.mulf %scan3A_373#4, %mul3A_486 : vector<16xf32>
      %sub3A_488 = arith.subf %scan3A_373#5, %mul3A_487 : vector<16xf32>
      %mul3A_489 = vector.broadcast %scan3A_53 : f32 to vector<16xf32>
      %mul3A_490 = arith.mulf %sub3A_488, %mul3A_489 : vector<16xf32>
      %max3A_491 = arith.constant 0.000000e+00 : f32
      %max3A_492 = vector.broadcast %max3A_491 : f32 to vector<16xf32>
      %max3A_493 = arith.maximumf %mul3A_490, %max3A_492 : vector<16xf32>
      %bitcast_convert_type3A_494 = tpu.bitcast %max3A_493 : vector<16xf32> -> vector<16xi32>
      %shift_right_logical3A_495 = arith.constant 1 : i32
      %shift_right_logical3A_496 = vector.broadcast %shift_right_logical3A_495 : i32 to vector<16xi32>
      %shift_right_logical3A_497 = arith.shrui %bitcast_convert_type3A_494, %shift_right_logical3A_496 : vector<16xi32>
      %sub3A_498 = arith.constant 1597463007 : i32
      %sub3A_499 = vector.broadcast %sub3A_498 : i32 to vector<16xi32>
      %sub3A_500 = arith.subi %sub3A_499, %shift_right_logical3A_497 : vector<16xi32>
      %bitcast_convert_type3A_501 = tpu.bitcast %sub3A_500 : vector<16xi32> -> vector<16xf32>
      %mul3A_502 = arith.constant 5.000000e-01 : f32
      %mul3A_503 = vector.broadcast %mul3A_502 : f32 to vector<16xf32>
      %mul3A_504 = arith.mulf %mul3A_503, %max3A_493 : vector<16xf32>
      %mul3A_505 = arith.mulf %mul3A_504, %bitcast_convert_type3A_501 : vector<16xf32>
      %mul3A_506 = arith.mulf %mul3A_505, %bitcast_convert_type3A_501 : vector<16xf32>
      %sub3A_507 = arith.constant 1.500000e+00 : f32
      %sub3A_508 = vector.broadcast %sub3A_507 : f32 to vector<16xf32>
      %sub3A_509 = arith.subf %sub3A_508, %mul3A_506 : vector<16xf32>
      %mul3A_510 = arith.mulf %bitcast_convert_type3A_501, %sub3A_509 : vector<16xf32>
      %mul3A_511 = arith.constant 5.000000e-01 : f32
      %mul3A_512 = vector.broadcast %mul3A_511 : f32 to vector<16xf32>
      %mul3A_513 = arith.mulf %mul3A_512, %max3A_493 : vector<16xf32>
      %mul3A_514 = arith.mulf %mul3A_513, %mul3A_510 : vector<16xf32>
      %mul3A_515 = arith.mulf %mul3A_514, %mul3A_510 : vector<16xf32>
      %sub3A_516 = arith.constant 1.500000e+00 : f32
      %sub3A_517 = vector.broadcast %sub3A_516 : f32 to vector<16xf32>
      %sub3A_518 = arith.subf %sub3A_517, %mul3A_515 : vector<16xf32>
      %mul3A_519 = arith.mulf %mul3A_510, %sub3A_518 : vector<16xf32>
      %mul3A_520 = arith.constant 5.000000e-01 : f32
      %mul3A_521 = vector.broadcast %mul3A_520 : f32 to vector<16xf32>
      %mul3A_522 = arith.mulf %mul3A_521, %max3A_493 : vector<16xf32>
      %mul3A_523 = arith.mulf %mul3A_522, %mul3A_519 : vector<16xf32>
      %mul3A_524 = arith.mulf %mul3A_523, %mul3A_519 : vector<16xf32>
      %sub3A_525 = arith.constant 1.500000e+00 : f32
      %sub3A_526 = vector.broadcast %sub3A_525 : f32 to vector<16xf32>
      %sub3A_527 = arith.subf %sub3A_526, %mul3A_524 : vector<16xf32>
      %mul3A_528 = arith.mulf %mul3A_519, %sub3A_527 : vector<16xf32>
      %mul3A_529 = arith.mulf %max3A_493, %mul3A_528 : vector<16xf32>
      %add3A_530 = arith.constant 9.99999993E-9 : f32
      %add3A_531 = vector.broadcast %add3A_530 : f32 to vector<16xf32>
      %add3A_532 = arith.addf %mul3A_529, %add3A_531 : vector<16xf32>
      %div3A_533 = arith.constant 1.000000e+00 : f32
      %div3A_534 = vector.broadcast %div3A_533 : f32 to vector<16xf32>
      %div3A_535 = arith.divf %div3A_534, %add3A_532 : vector<16xf32>
      %neg3A_536 = arith.constant 0.000000e+00 : f32
      %neg3A_537 = vector.broadcast %neg3A_536 : f32 to vector<16xf32>
      %neg3A_538 = arith.subf %neg3A_537, %mul3A_486 : vector<16xf32>
      %mul3A_539 = arith.mulf %neg3A_538, %div3A_535 : vector<16xf32>
      %mul3A_540 = vector.broadcast %scan3A : f32 to vector<16xf32>
      %mul3A_541 = arith.mulf %scan3A_373#6, %mul3A_540 : vector<16xf32>
      %mul3A_542 = arith.mulf %scan3A_373#6, %mul3A_541 : vector<16xf32>
      %sub3A_543 = arith.subf %scan3A_373#7, %mul3A_542 : vector<16xf32>
      %mul3A_544 = vector.broadcast %scan3A_53 : f32 to vector<16xf32>
      %mul3A_545 = arith.mulf %sub3A_543, %mul3A_544 : vector<16xf32>
      %max3A_546 = arith.constant 0.000000e+00 : f32
      %max3A_547 = vector.broadcast %max3A_546 : f32 to vector<16xf32>
      %max3A_548 = arith.maximumf %mul3A_545, %max3A_547 : vector<16xf32>
      %bitcast_convert_type3A_549 = tpu.bitcast %max3A_548 : vector<16xf32> -> vector<16xi32>
      %shift_right_logical3A_550 = arith.constant 1 : i32
      %shift_right_logical3A_551 = vector.broadcast %shift_right_logical3A_550 : i32 to vector<16xi32>
      %shift_right_logical3A_552 = arith.shrui %bitcast_convert_type3A_549, %shift_right_logical3A_551 : vector<16xi32>
      %sub3A_553 = arith.constant 1597463007 : i32
      %sub3A_554 = vector.broadcast %sub3A_553 : i32 to vector<16xi32>
      %sub3A_555 = arith.subi %sub3A_554, %shift_right_logical3A_552 : vector<16xi32>
      %bitcast_convert_type3A_556 = tpu.bitcast %sub3A_555 : vector<16xi32> -> vector<16xf32>
      %mul3A_557 = arith.constant 5.000000e-01 : f32
      %mul3A_558 = vector.broadcast %mul3A_557 : f32 to vector<16xf32>
      %mul3A_559 = arith.mulf %mul3A_558, %max3A_548 : vector<16xf32>
      %mul3A_560 = arith.mulf %mul3A_559, %bitcast_convert_type3A_556 : vector<16xf32>
      %mul3A_561 = arith.mulf %mul3A_560, %bitcast_convert_type3A_556 : vector<16xf32>
      %sub3A_562 = arith.constant 1.500000e+00 : f32
      %sub3A_563 = vector.broadcast %sub3A_562 : f32 to vector<16xf32>
      %sub3A_564 = arith.subf %sub3A_563, %mul3A_561 : vector<16xf32>
      %mul3A_565 = arith.mulf %bitcast_convert_type3A_556, %sub3A_564 : vector<16xf32>
      %mul3A_566 = arith.constant 5.000000e-01 : f32
      %mul3A_567 = vector.broadcast %mul3A_566 : f32 to vector<16xf32>
      %mul3A_568 = arith.mulf %mul3A_567, %max3A_548 : vector<16xf32>
      %mul3A_569 = arith.mulf %mul3A_568, %mul3A_565 : vector<16xf32>
      %mul3A_570 = arith.mulf %mul3A_569, %mul3A_565 : vector<16xf32>
      %sub3A_571 = arith.constant 1.500000e+00 : f32
      %sub3A_572 = vector.broadcast %sub3A_571 : f32 to vector<16xf32>
      %sub3A_573 = arith.subf %sub3A_572, %mul3A_570 : vector<16xf32>
      %mul3A_574 = arith.mulf %mul3A_565, %sub3A_573 : vector<16xf32>
      %mul3A_575 = arith.constant 5.000000e-01 : f32
      %mul3A_576 = vector.broadcast %mul3A_575 : f32 to vector<16xf32>
      %mul3A_577 = arith.mulf %mul3A_576, %max3A_548 : vector<16xf32>
      %mul3A_578 = arith.mulf %mul3A_577, %mul3A_574 : vector<16xf32>
      %mul3A_579 = arith.mulf %mul3A_578, %mul3A_574 : vector<16xf32>
      %sub3A_580 = arith.constant 1.500000e+00 : f32
      %sub3A_581 = vector.broadcast %sub3A_580 : f32 to vector<16xf32>
      %sub3A_582 = arith.subf %sub3A_581, %mul3A_579 : vector<16xf32>
      %mul3A_583 = arith.mulf %mul3A_574, %sub3A_582 : vector<16xf32>
      %mul3A_584 = arith.mulf %max3A_548, %mul3A_583 : vector<16xf32>
      %add3A_585 = arith.constant 9.99999993E-9 : f32
      %add3A_586 = vector.broadcast %add3A_585 : f32 to vector<16xf32>
      %add3A_587 = arith.addf %mul3A_584, %add3A_586 : vector<16xf32>
      %div3A_588 = arith.constant 1.000000e+00 : f32
      %div3A_589 = vector.broadcast %div3A_588 : f32 to vector<16xf32>
      %div3A_590 = arith.divf %div3A_589, %add3A_587 : vector<16xf32>
      %neg3A_591 = arith.constant 0.000000e+00 : f32
      %neg3A_592 = vector.broadcast %neg3A_591 : f32 to vector<16xf32>
      %neg3A_593 = arith.subf %neg3A_592, %mul3A_541 : vector<16xf32>
      %mul3A_594 = arith.mulf %neg3A_593, %div3A_590 : vector<16xf32>
      %scan3A_595 = arith.constant 0 : i32
      %scan3A_596 = arith.constant 0 : i32
      %scan3A_597 = arith.constant 100 : i32
      %scan3A_598 = arith.addi %scan3A_596, %scan3A_597 : i32
      %scan3A_599 = arith.constant 1 : i32
      scf.for %scan3A_1134 = %scan3A_596 to %scan3A_598 step %scan3A_599  : i32 {
        %mul3A_1135 = arith.constant 2 : i32
        %mul3A_1136 = arith.muli %scan3A_1134, %mul3A_1135 : i32
        %add3A_1137 = arith.constant 1 : i32
        %add3A_1138 = arith.addi %mul3A_1136, %add3A_1137 : i32
        %get3A = arith.index_cast %mul3A_1136 : i32 to index
        %get3A_1139 = arith.constant 0 : index
        %get3A_1140 = tpu.vector_load %arg7[%get3A, %get3A_1139] {strides = array<i32>} : memref<200x64xf32, #tpu.memory_space<vmem>>, vector<1x16xf32>,
        %get3A_1141 = vector.shape_cast %get3A_1140 : vector<1x16xf32> to vector<16xf32>
        %mul3A_1142 = arith.mulf %get3A_1141, %div3A_425 : vector<16xf32>
        %add3A_1143 = arith.addf %mul3A_1142, %mul3A_429 : vector<16xf32>
        %swap3A = arith.index_cast %mul3A_1136 : i32 to index
        %swap3A_1144 = arith.constant 0 : index
        %swap3A_1145 = tpu.vector_load %arg7[%swap3A, %swap3A_1144] {strides = array<i32>} : memref<200x64xf32, #tpu.memory_space<vmem>>, vector<1x16xf32>,
        %swap3A_1146 = vector.shape_cast %swap3A_1145 : vector<1x16xf32> to vector<16xf32>
        %swap3A_1147 = vector.shape_cast %add3A_1143 : vector<16xf32> to vector<1x16xf32>
        tpu.vector_store %arg7[%swap3A, %swap3A_1144], %swap3A_1147 {strides = array<i32>} : memref<200x64xf32, #tpu.memory_space<vmem>>, vector<1x16xf32>,
        %get3A_1148 = arith.index_cast %mul3A_1136 : i32 to index
        %get3A_1149 = arith.constant 16 : index
        %get3A_1150 = tpu.vector_load %arg7[%get3A_1148, %get3A_1149] {strides = array<i32>} : memref<200x64xf32, #tpu.memory_space<vmem>>, vector<1x16xf32>,
        %get3A_1151 = vector.shape_cast %get3A_1150 : vector<1x16xf32> to vector<16xf32>
        %mul3A_1152 = arith.mulf %get3A_1151, %div3A_480 : vector<16xf32>
        %add3A_1153 = arith.addf %mul3A_1152, %mul3A_484 : vector<16xf32>
        %swap3A_1154 = arith.index_cast %mul3A_1136 : i32 to index
        %swap3A_1155 = arith.constant 16 : index
        %swap3A_1156 = tpu.vector_load %arg7[%swap3A_1154, %swap3A_1155] {strides = array<i32>} : memref<200x64xf32, #tpu.memory_space<vmem>>, vector<1x16xf32>,
        %swap3A_1157 = vector.shape_cast %swap3A_1156 : vector<1x16xf32> to vector<16xf32>
        %swap3A_1158 = vector.shape_cast %add3A_1153 : vector<16xf32> to vector<1x16xf32>
        tpu.vector_store %arg7[%swap3A_1154, %swap3A_1155], %swap3A_1158 {strides = array<i32>} : memref<200x64xf32, #tpu.memory_space<vmem>>, vector<1x16xf32>,
        %get3A_1159 = arith.index_cast %mul3A_1136 : i32 to index
        %get3A_1160 = arith.constant 32 : index
        %get3A_1161 = tpu.vector_load %arg7[%get3A_1159, %get3A_1160] {strides = array<i32>} : memref<200x64xf32, #tpu.memory_space<vmem>>, vector<1x16xf32>,
        %get3A_1162 = vector.shape_cast %get3A_1161 : vector<1x16xf32> to vector<16xf32>
        %mul3A_1163 = arith.mulf %get3A_1162, %div3A_535 : vector<16xf32>
        %add3A_1164 = arith.addf %mul3A_1163, %mul3A_539 : vector<16xf32>
        %swap3A_1165 = arith.index_cast %mul3A_1136 : i32 to index
        %swap3A_1166 = arith.constant 32 : index
        %swap3A_1167 = tpu.vector_load %arg7[%swap3A_1165, %swap3A_1166] {strides = array<i32>} : memref<200x64xf32, #tpu.memory_space<vmem>>, vector<1x16xf32>,
        %swap3A_1168 = vector.shape_cast %swap3A_1167 : vector<1x16xf32> to vector<16xf32>
        %swap3A_1169 = vector.shape_cast %add3A_1164 : vector<16xf32> to vector<1x16xf32>
        tpu.vector_store %arg7[%swap3A_1165, %swap3A_1166], %swap3A_1169 {strides = array<i32>} : memref<200x64xf32, #tpu.memory_space<vmem>>, vector<1x16xf32>,
        %get3A_1170 = arith.index_cast %mul3A_1136 : i32 to index
        %get3A_1171 = arith.constant 48 : index
        %get3A_1172 = tpu.vector_load %arg7[%get3A_1170, %get3A_1171] {strides = array<i32>} : memref<200x64xf32, #tpu.memory_space<vmem>>, vector<1x16xf32>,
        %get3A_1173 = vector.shape_cast %get3A_1172 : vector<1x16xf32> to vector<16xf32>
        %mul3A_1174 = arith.mulf %get3A_1173, %div3A_590 : vector<16xf32>
        %add3A_1175 = arith.addf %mul3A_1174, %mul3A_594 : vector<16xf32>
        %swap3A_1176 = arith.index_cast %mul3A_1136 : i32 to index
        %swap3A_1177 = arith.constant 48 : index
        %swap3A_1178 = tpu.vector_load %arg7[%swap3A_1176, %swap3A_1177] {strides = array<i32>} : memref<200x64xf32, #tpu.memory_space<vmem>>, vector<1x16xf32>,
        %swap3A_1179 = vector.shape_cast %swap3A_1178 : vector<1x16xf32> to vector<16xf32>
        %swap3A_1180 = vector.shape_cast %add3A_1175 : vector<16xf32> to vector<1x16xf32>
        tpu.vector_store %arg7[%swap3A_1176, %swap3A_1177], %swap3A_1180 {strides = array<i32>} : memref<200x64xf32, #tpu.memory_space<vmem>>, vector<1x16xf32>,
        %get3A_1181 = arith.index_cast %add3A_1138 : i32 to index
        %get3A_1182 = arith.constant 0 : index
        %get3A_1183 = tpu.vector_load %arg7[%get3A_1181, %get3A_1182] {strides = array<i32>} : memref<200x64xf32, #tpu.memory_space<vmem>>, vector<1x16xf32>,
        %get3A_1184 = vector.shape_cast %get3A_1183 : vector<1x16xf32> to vector<16xf32>
        %mul3A_1185 = arith.mulf %get3A_1184, %div3A_425 : vector<16xf32>
        %add3A_1186 = arith.addf %mul3A_1185, %mul3A_429 : vector<16xf32>
        %swap3A_1187 = arith.index_cast %add3A_1138 : i32 to index
        %swap3A_1188 = arith.constant 0 : index
        %swap3A_1189 = tpu.vector_load %arg7[%swap3A_1187, %swap3A_1188] {strides = array<i32>} : memref<200x64xf32, #tpu.memory_space<vmem>>, vector<1x16xf32>,
        %swap3A_1190 = vector.shape_cast %swap3A_1189 : vector<1x16xf32> to vector<16xf32>
        %swap3A_1191 = vector.shape_cast %add3A_1186 : vector<16xf32> to vector<1x16xf32>
        tpu.vector_store %arg7[%swap3A_1187, %swap3A_1188], %swap3A_1191 {strides = array<i32>} : memref<200x64xf32, #tpu.memory_space<vmem>>, vector<1x16xf32>,
        %get3A_1192 = arith.index_cast %add3A_1138 : i32 to index
        %get3A_1193 = arith.constant 16 : index
        %get3A_1194 = tpu.vector_load %arg7[%get3A_1192, %get3A_1193] {strides = array<i32>} : memref<200x64xf32, #tpu.memory_space<vmem>>, vector<1x16xf32>,
        %get3A_1195 = vector.shape_cast %get3A_1194 : vector<1x16xf32> to vector<16xf32>
        %mul3A_1196 = arith.mulf %get3A_1195, %div3A_480 : vector<16xf32>
        %add3A_1197 = arith.addf %mul3A_1196, %mul3A_484 : vector<16xf32>
        %swap3A_1198 = arith.index_cast %add3A_1138 : i32 to index
        %swap3A_1199 = arith.constant 16 : index
        %swap3A_1200 = tpu.vector_load %arg7[%swap3A_1198, %swap3A_1199] {strides = array<i32>} : memref<200x64xf32, #tpu.memory_space<vmem>>, vector<1x16xf32>,
        %swap3A_1201 = vector.shape_cast %swap3A_1200 : vector<1x16xf32> to vector<16xf32>
        %swap3A_1202 = vector.shape_cast %add3A_1197 : vector<16xf32> to vector<1x16xf32>
        tpu.vector_store %arg7[%swap3A_1198, %swap3A_1199], %swap3A_1202 {strides = array<i32>} : memref<200x64xf32, #tpu.memory_space<vmem>>, vector<1x16xf32>,
        %get3A_1203 = arith.index_cast %add3A_1138 : i32 to index
        %get3A_1204 = arith.constant 32 : index
        %get3A_1205 = tpu.vector_load %arg7[%get3A_1203, %get3A_1204] {strides = array<i32>} : memref<200x64xf32, #tpu.memory_space<vmem>>, vector<1x16xf32>,
        %get3A_1206 = vector.shape_cast %get3A_1205 : vector<1x16xf32> to vector<16xf32>
        %mul3A_1207 = arith.mulf %get3A_1206, %div3A_535 : vector<16xf32>
        %add3A_1208 = arith.addf %mul3A_1207, %mul3A_539 : vector<16xf32>
        %swap3A_1209 = arith.index_cast %add3A_1138 : i32 to index
        %swap3A_1210 = arith.constant 32 : index
        %swap3A_1211 = tpu.vector_load %arg7[%swap3A_1209, %swap3A_1210] {strides = array<i32>} : memref<200x64xf32, #tpu.memory_space<vmem>>, vector<1x16xf32>,
        %swap3A_1212 = vector.shape_cast %swap3A_1211 : vector<1x16xf32> to vector<16xf32>
        %swap3A_1213 = vector.shape_cast %add3A_1208 : vector<16xf32> to vector<1x16xf32>
        tpu.vector_store %arg7[%swap3A_1209, %swap3A_1210], %swap3A_1213 {strides = array<i32>} : memref<200x64xf32, #tpu.memory_space<vmem>>, vector<1x16xf32>,
        %get3A_1214 = arith.index_cast %add3A_1138 : i32 to index
        %get3A_1215 = arith.constant 48 : index
        %get3A_1216 = tpu.vector_load %arg7[%get3A_1214, %get3A_1215] {strides = array<i32>} : memref<200x64xf32, #tpu.memory_space<vmem>>, vector<1x16xf32>,
        %get3A_1217 = vector.shape_cast %get3A_1216 : vector<1x16xf32> to vector<16xf32>
        %mul3A_1218 = arith.mulf %get3A_1217, %div3A_590 : vector<16xf32>
        %add3A_1219 = arith.addf %mul3A_1218, %mul3A_594 : vector<16xf32>
        %swap3A_1220 = arith.index_cast %add3A_1138 : i32 to index
        %swap3A_1221 = arith.constant 48 : index
        %swap3A_1222 = tpu.vector_load %arg7[%swap3A_1220, %swap3A_1221] {strides = array<i32>} : memref<200x64xf32, #tpu.memory_space<vmem>>, vector<1x16xf32>,
        %swap3A_1223 = vector.shape_cast %swap3A_1222 : vector<1x16xf32> to vector<16xf32>
        %swap3A_1224 = vector.shape_cast %add3A_1219 : vector<16xf32> to vector<1x16xf32>
        tpu.vector_store %arg7[%swap3A_1220, %swap3A_1221], %swap3A_1224 {strides = array<i32>} : memref<200x64xf32, #tpu.memory_space<vmem>>, vector<1x16xf32>,
      }
      %scan3A_600 = arith.constant 100 : i32
      %add3A_601 = arith.constant 1 : i32
      %add3A_602 = arith.addi %add3A_98, %add3A_601 : i32
      %add3A_603 = arith.addi %mul3A_2, %add3A_602 : i32
      %dma_start3A_604 = arith.constant 0 : i32
      %dma_start3A_605 = arith.constant 0 : i32
      %dma_start3A_606 = tpu.memref_slice %arg4[%add3A_603, %dma_start3A_604, %dma_start3A_605] : memref<4096x200x64xf32, #tpu.memory_space<hbm>> -> memref<1x200x64xf32, #tpu.memory_space<hbm>>
      %dma_start3A_607 = tpu.memref_squeeze %dma_start3A_606 : memref<1x200x64xf32, #tpu.memory_space<hbm>> -> memref<200x64xf32, #tpu.memory_space<hbm>>
      %dma_start3A_608 = arith.constant 0 : i32
      %dma_start3A_609 = arith.constant 0 : i32
      %dma_start3A_610 = tpu.memref_slice %arg4[%add3A_603, %dma_start3A_608, %dma_start3A_609] : memref<4096x200x64xf32, #tpu.memory_space<hbm>> -> memref<1x200x64xf32, #tpu.memory_space<hbm>>
      %dma_start3A_611 = tpu.memref_squeeze %dma_start3A_610 : memref<1x200x64xf32, #tpu.memory_space<hbm>> -> memref<200x64xf32, #tpu.memory_space<hbm>>
      tpu.enqueue_dma source(%arg7 : memref<200x64xf32, #tpu.memory_space<vmem>>) target(%dma_start3A_611 : memref<200x64xf32, #tpu.memory_space<hbm>>) target_semaphore(%arg15 : memref<!tpu.dma_semaphore, #tpu.memory_space<semaphore_mem>>)
      %add3A_612 = arith.constant 2 : i32
      %add3A_613 = arith.addi %add3A_98, %add3A_612 : i32
      %add3A_614 = arith.constant 3 : i32
      %add3A_615 = arith.addi %add3A_613, %add3A_614 : i32
      %lt3A_616 = arith.constant 128 : i32
      %lt3A_617 = arith.cmpi slt, %add3A_615, %lt3A_616 : i32
      %convert_element_type3A_618 = arith.extui %lt3A_617 : i1 to i32
      %cond3A_619 = arith.constant 0 : i32
      %cond3A_620 = arith.cmpi ne, %convert_element_type3A_618, %cond3A_619 : i32
      scf.if %cond3A_620 {
        %dma_wait3A_1134 = arith.constant 0 : i32
        %dma_wait3A_1135 = arith.constant 0 : i32
        %dma_wait3A_1136 = arith.constant 0 : i32
        %dma_wait3A_1137 = tpu.memref_slice %arg4[%dma_wait3A_1134, %dma_wait3A_1135, %dma_wait3A_1136] : memref<4096x200x64xf32, #tpu.memory_space<hbm>> -> memref<1x200x64xf32, #tpu.memory_space<hbm>>
        %dma_wait3A_1138 = tpu.memref_squeeze %dma_wait3A_1137 : memref<1x200x64xf32, #tpu.memory_space<hbm>> -> memref<200x64xf32, #tpu.memory_space<hbm>>
        %dma_wait3A_1139 = arith.constant 0 : i32
        %dma_wait3A_1140 = arith.constant 0 : i32
        %dma_wait3A_1141 = tpu.memref_slice %arg4[%dma_wait3A_1134, %dma_wait3A_1139, %dma_wait3A_1140] : memref<4096x200x64xf32, #tpu.memory_space<hbm>> -> memref<1x200x64xf32, #tpu.memory_space<hbm>>
        %dma_wait3A_1142 = tpu.memref_squeeze %dma_wait3A_1141 : memref<1x200x64xf32, #tpu.memory_space<hbm>> -> memref<200x64xf32, #tpu.memory_space<hbm>>
        tpu.wait_dma2 semaphore(%arg15 : memref<!tpu.dma_semaphore, #tpu.memory_space<semaphore_mem>>) src(%arg7 : memref<200x64xf32, #tpu.memory_space<vmem>>) dst(%dma_wait3A_1142 : memref<200x64xf32, #tpu.memory_space<hbm>>)
        %mul3A_1143 = arith.constant 200 : i32
        %mul3A_1144 = arith.muli %add3A_615, %mul3A_1143 : i32
        %dma_start3A_1145 = arith.constant 0 : i32
        %dma_start3A_1146 = arith.constant 0 : i32
        %dma_start3A_1147 = tpu.memref_slice %arg7[%dma_start3A_1145, %dma_start3A_1146] : memref<200x64xf32, #tpu.memory_space<vmem>> -> memref<128x64xf32, #tpu.memory_space<vmem>>
        %dma_start3A_1148 = tpu.memref_slice %arg5[%mul3A_1144] : memref<25600xi32, #tpu.memory_space<vmem>> -> memref<128xi32, #tpu.memory_space<vmem>>
        %dma_start3A_1149 = arith.constant 0 : i32
        %dma_start3A_1150 = arith.constant 0 : i32
        %dma_start3A_1151 = tpu.memref_slice %arg3[%dma_start3A_1149, %dma_start3A_1150] : memref<1000000x64xf32, #tpu.memory_space<hbm>> -> memref<1000000x64xf32, #tpu.memory_space<hbm>>
        tpu.enqueue_indirect_dma source(%dma_start3A_1151 : memref<1000000x64xf32, #tpu.memory_space<hbm>>) target(%dma_start3A_1147 : memref<128x64xf32, #tpu.memory_space<vmem>>) offsets(%dma_start3A_1148 : memref<128xi32, #tpu.memory_space<vmem>>) semaphore(%arg11 : memref<!tpu.dma_semaphore, #tpu.memory_space<semaphore_mem>>)
        %add3A_1152 = arith.constant 128 : i32
        %add3A_1153 = arith.addi %mul3A_1144, %add3A_1152 : i32
        %dma_start3A_1154 = arith.constant 128 : i32
        %dma_start3A_1155 = arith.constant 0 : i32
        %dma_start3A_1156 = tpu.memref_slice %arg7[%dma_start3A_1154, %dma_start3A_1155] : memref<200x64xf32, #tpu.memory_space<vmem>> -> memref<72x64xf32, #tpu.memory_space<vmem>>
        %dma_start3A_1157 = tpu.memref_slice %arg5[%add3A_1153] : memref<25600xi32, #tpu.memory_space<vmem>> -> memref<72xi32, #tpu.memory_space<vmem>>
        %dma_start3A_1158 = arith.constant 0 : i32
        %dma_start3A_1159 = arith.constant 0 : i32
        %dma_start3A_1160 = tpu.memref_slice %arg3[%dma_start3A_1158, %dma_start3A_1159] : memref<1000000x64xf32, #tpu.memory_space<hbm>> -> memref<1000000x64xf32, #tpu.memory_space<hbm>>
        tpu.enqueue_indirect_dma source(%dma_start3A_1160 : memref<1000000x64xf32, #tpu.memory_space<hbm>>) target(%dma_start3A_1156 : memref<72x64xf32, #tpu.memory_space<vmem>>) offsets(%dma_start3A_1157 : memref<72xi32, #tpu.memory_space<vmem>>) semaphore(%arg11 : memref<!tpu.dma_semaphore, #tpu.memory_space<semaphore_mem>>)
      } else {
      }
      %dma_wait3A_621 = arith.constant 0 : i32
      %dma_wait3A_622 = arith.constant 0 : i32
      %dma_wait3A_623 = arith.constant 0 : i32
      %dma_wait3A_624 = tpu.memref_slice %arg4[%dma_wait3A_621, %dma_wait3A_622, %dma_wait3A_623] : memref<4096x200x64xf32, #tpu.memory_space<hbm>> -> memref<1x200x64xf32, #tpu.memory_space<hbm>>
      %dma_wait3A_625 = tpu.memref_squeeze %dma_wait3A_624 : memref<1x200x64xf32, #tpu.memory_space<hbm>> -> memref<200x64xf32, #tpu.memory_space<hbm>>
      %dma_wait3A_626 = arith.constant 0 : i32
      %dma_wait3A_627 = arith.constant 0 : i32
      %dma_wait3A_628 = tpu.memref_slice %arg4[%dma_wait3A_621, %dma_wait3A_626, %dma_wait3A_627] : memref<4096x200x64xf32, #tpu.memory_space<hbm>> -> memref<1x200x64xf32, #tpu.memory_space<hbm>>
      %dma_wait3A_629 = tpu.memref_squeeze %dma_wait3A_628 : memref<1x200x64xf32, #tpu.memory_space<hbm>> -> memref<200x64xf32, #tpu.memory_space<hbm>>
      tpu.wait_dma2 semaphore(%arg12 : memref<!tpu.dma_semaphore, #tpu.memory_space<semaphore_mem>>) src(%dma_wait3A_629 : memref<200x64xf32, #tpu.memory_space<hbm>>) dst(%arg8 : memref<200x64xf32, #tpu.memory_space<vmem>>)
      %scan3A_630 = arith.constant 0 : i32
      %scan3A_631 = arith.constant 100 : i32
      %scan3A_632 = arith.addi %scan3A_630, %scan3A_631 : i32
      %scan3A_633 = arith.constant 1 : i32
      %scan3A_634:8 = scf.for %scan3A_1134 = %scan3A_630 to %scan3A_632 step %scan3A_633 iter_args(%scan3A_1135 = %broadcast_in_dim3A_5, %scan3A_1136 = %broadcast_in_dim3A_5, %scan3A_1137 = %broadcast_in_dim3A_5, %scan3A_1138 = %broadcast_in_dim3A_5, %scan3A_1139 = %broadcast_in_dim3A_5, %scan3A_1140 = %broadcast_in_dim3A_5, %scan3A_1141 = %broadcast_in_dim3A_5, %scan3A_1142 = %broadcast_in_dim3A_5) -> (vector<16xf32>, vector<16xf32>, vector<16xf32>, vector<16xf32>, vector<16xf32>, vector<16xf32>, vector<16xf32>, vector<16xf32>)  : i32 {
        %mul3A_1143 = arith.constant 2 : i32
        %mul3A_1144 = arith.muli %scan3A_1134, %mul3A_1143 : i32
        %add3A_1145 = arith.constant 1 : i32
        %add3A_1146 = arith.addi %mul3A_1144, %add3A_1145 : i32
        %get3A = arith.index_cast %mul3A_1144 : i32 to index
        %get3A_1147 = arith.constant 0 : index
        %get3A_1148 = tpu.vector_load %arg8[%get3A, %get3A_1147] {strides = array<i32>} : memref<200x64xf32, #tpu.memory_space<vmem>>, vector<1x16xf32>,
        %get3A_1149 = vector.shape_cast %get3A_1148 : vector<1x16xf32> to vector<16xf32>
        %add3A_1150 = arith.addf %scan3A_1135, %get3A_1149 : vector<16xf32>
        %mul3A_1151 = arith.mulf %get3A_1149, %get3A_1149 : vector<16xf32>
        %add3A_1152 = arith.addf %scan3A_1136, %mul3A_1151 : vector<16xf32>
        %get3A_1153 = arith.index_cast %mul3A_1144 : i32 to index
        %get3A_1154 = arith.constant 16 : index
        %get3A_1155 = tpu.vector_load %arg8[%get3A_1153, %get3A_1154] {strides = array<i32>} : memref<200x64xf32, #tpu.memory_space<vmem>>, vector<1x16xf32>,
        %get3A_1156 = vector.shape_cast %get3A_1155 : vector<1x16xf32> to vector<16xf32>
        %add3A_1157 = arith.addf %scan3A_1137, %get3A_1156 : vector<16xf32>
        %mul3A_1158 = arith.mulf %get3A_1156, %get3A_1156 : vector<16xf32>
        %add3A_1159 = arith.addf %scan3A_1138, %mul3A_1158 : vector<16xf32>
        %get3A_1160 = arith.index_cast %mul3A_1144 : i32 to index
        %get3A_1161 = arith.constant 32 : index
        %get3A_1162 = tpu.vector_load %arg8[%get3A_1160, %get3A_1161] {strides = array<i32>} : memref<200x64xf32, #tpu.memory_space<vmem>>, vector<1x16xf32>,
        %get3A_1163 = vector.shape_cast %get3A_1162 : vector<1x16xf32> to vector<16xf32>
        %add3A_1164 = arith.addf %scan3A_1139, %get3A_1163 : vector<16xf32>
        %mul3A_1165 = arith.mulf %get3A_1163, %get3A_1163 : vector<16xf32>
        %add3A_1166 = arith.addf %scan3A_1140, %mul3A_1165 : vector<16xf32>
        %get3A_1167 = arith.index_cast %mul3A_1144 : i32 to index
        %get3A_1168 = arith.constant 48 : index
        %get3A_1169 = tpu.vector_load %arg8[%get3A_1167, %get3A_1168] {strides = array<i32>} : memref<200x64xf32, #tpu.memory_space<vmem>>, vector<1x16xf32>,
        %get3A_1170 = vector.shape_cast %get3A_1169 : vector<1x16xf32> to vector<16xf32>
        %add3A_1171 = arith.addf %scan3A_1141, %get3A_1170 : vector<16xf32>
        %mul3A_1172 = arith.mulf %get3A_1170, %get3A_1170 : vector<16xf32>
        %add3A_1173 = arith.addf %scan3A_1142, %mul3A_1172 : vector<16xf32>
        %get3A_1174 = arith.index_cast %add3A_1146 : i32 to index
        %get3A_1175 = arith.constant 0 : index
        %get3A_1176 = tpu.vector_load %arg8[%get3A_1174, %get3A_1175] {strides = array<i32>} : memref<200x64xf32, #tpu.memory_space<vmem>>, vector<1x16xf32>,
        %get3A_1177 = vector.shape_cast %get3A_1176 : vector<1x16xf32> to vector<16xf32>
        %add3A_1178 = arith.addf %add3A_1150, %get3A_1177 : vector<16xf32>
        %mul3A_1179 = arith.mulf %get3A_1177, %get3A_1177 : vector<16xf32>
        %add3A_1180 = arith.addf %add3A_1152, %mul3A_1179 : vector<16xf32>
        %get3A_1181 = arith.index_cast %add3A_1146 : i32 to index
        %get3A_1182 = arith.constant 16 : index
        %get3A_1183 = tpu.vector_load %arg8[%get3A_1181, %get3A_1182] {strides = array<i32>} : memref<200x64xf32, #tpu.memory_space<vmem>>, vector<1x16xf32>,
        %get3A_1184 = vector.shape_cast %get3A_1183 : vector<1x16xf32> to vector<16xf32>
        %add3A_1185 = arith.addf %add3A_1157, %get3A_1184 : vector<16xf32>
        %mul3A_1186 = arith.mulf %get3A_1184, %get3A_1184 : vector<16xf32>
        %add3A_1187 = arith.addf %add3A_1159, %mul3A_1186 : vector<16xf32>
        %get3A_1188 = arith.index_cast %add3A_1146 : i32 to index
        %get3A_1189 = arith.constant 32 : index
        %get3A_1190 = tpu.vector_load %arg8[%get3A_1188, %get3A_1189] {strides = array<i32>} : memref<200x64xf32, #tpu.memory_space<vmem>>, vector<1x16xf32>,
        %get3A_1191 = vector.shape_cast %get3A_1190 : vector<1x16xf32> to vector<16xf32>
        %add3A_1192 = arith.addf %add3A_1164, %get3A_1191 : vector<16xf32>
        %mul3A_1193 = arith.mulf %get3A_1191, %get3A_1191 : vector<16xf32>
        %add3A_1194 = arith.addf %add3A_1166, %mul3A_1193 : vector<16xf32>
        %get3A_1195 = arith.index_cast %add3A_1146 : i32 to index
        %get3A_1196 = arith.constant 48 : index
        %get3A_1197 = tpu.vector_load %arg8[%get3A_1195, %get3A_1196] {strides = array<i32>} : memref<200x64xf32, #tpu.memory_space<vmem>>, vector<1x16xf32>,
        %get3A_1198 = vector.shape_cast %get3A_1197 : vector<1x16xf32> to vector<16xf32>
        %add3A_1199 = arith.addf %add3A_1171, %get3A_1198 : vector<16xf32>
        %mul3A_1200 = arith.mulf %get3A_1198, %get3A_1198 : vector<16xf32>
        %add3A_1201 = arith.addf %add3A_1173, %mul3A_1200 : vector<16xf32>
        scf.yield %add3A_1178, %add3A_1180, %add3A_1185, %add3A_1187, %add3A_1192, %add3A_1194, %add3A_1199, %add3A_1201 : vector<16xf32>, vector<16xf32>, vector<16xf32>, vector<16xf32>, vector<16xf32>, vector<16xf32>, vector<16xf32>, vector<16xf32>
      }
      %scan3A_635 = arith.constant 100 : i32
      %mul3A_636 = vector.broadcast %scan3A : f32 to vector<16xf32>
      %mul3A_637 = arith.mulf %scan3A_634#0, %mul3A_636 : vector<16xf32>
      %mul3A_638 = arith.mulf %scan3A_634#0, %mul3A_637 : vector<16xf32>
      %sub3A_639 = arith.subf %scan3A_634#1, %mul3A_638 : vector<16xf32>
      %mul3A_640 = vector.broadcast %scan3A_53 : f32 to vector<16xf32>
      %mul3A_641 = arith.mulf %sub3A_639, %mul3A_640 : vector<16xf32>
      %max3A_642 = arith.constant 0.000000e+00 : f32
      %max3A_643 = vector.broadcast %max3A_642 : f32 to vector<16xf32>
      %max3A_644 = arith.maximumf %mul3A_641, %max3A_643 : vector<16xf32>
      %bitcast_convert_type3A_645 = tpu.bitcast %max3A_644 : vector<16xf32> -> vector<16xi32>
      %shift_right_logical3A_646 = arith.constant 1 : i32
      %shift_right_logical3A_647 = vector.broadcast %shift_right_logical3A_646 : i32 to vector<16xi32>
      %shift_right_logical3A_648 = arith.shrui %bitcast_convert_type3A_645, %shift_right_logical3A_647 : vector<16xi32>
      %sub3A_649 = arith.constant 1597463007 : i32
      %sub3A_650 = vector.broadcast %sub3A_649 : i32 to vector<16xi32>
      %sub3A_651 = arith.subi %sub3A_650, %shift_right_logical3A_648 : vector<16xi32>
      %bitcast_convert_type3A_652 = tpu.bitcast %sub3A_651 : vector<16xi32> -> vector<16xf32>
      %mul3A_653 = arith.constant 5.000000e-01 : f32
      %mul3A_654 = vector.broadcast %mul3A_653 : f32 to vector<16xf32>
      %mul3A_655 = arith.mulf %mul3A_654, %max3A_644 : vector<16xf32>
      %mul3A_656 = arith.mulf %mul3A_655, %bitcast_convert_type3A_652 : vector<16xf32>
      %mul3A_657 = arith.mulf %mul3A_656, %bitcast_convert_type3A_652 : vector<16xf32>
      %sub3A_658 = arith.constant 1.500000e+00 : f32
      %sub3A_659 = vector.broadcast %sub3A_658 : f32 to vector<16xf32>
      %sub3A_660 = arith.subf %sub3A_659, %mul3A_657 : vector<16xf32>
      %mul3A_661 = arith.mulf %bitcast_convert_type3A_652, %sub3A_660 : vector<16xf32>
      %mul3A_662 = arith.constant 5.000000e-01 : f32
      %mul3A_663 = vector.broadcast %mul3A_662 : f32 to vector<16xf32>
      %mul3A_664 = arith.mulf %mul3A_663, %max3A_644 : vector<16xf32>
      %mul3A_665 = arith.mulf %mul3A_664, %mul3A_661 : vector<16xf32>
      %mul3A_666 = arith.mulf %mul3A_665, %mul3A_661 : vector<16xf32>
      %sub3A_667 = arith.constant 1.500000e+00 : f32
      %sub3A_668 = vector.broadcast %sub3A_667 : f32 to vector<16xf32>
      %sub3A_669 = arith.subf %sub3A_668, %mul3A_666 : vector<16xf32>
      %mul3A_670 = arith.mulf %mul3A_661, %sub3A_669 : vector<16xf32>
      %mul3A_671 = arith.constant 5.000000e-01 : f32
      %mul3A_672 = vector.broadcast %mul3A_671 : f32 to vector<16xf32>
      %mul3A_673 = arith.mulf %mul3A_672, %max3A_644 : vector<16xf32>
      %mul3A_674 = arith.mulf %mul3A_673, %mul3A_670 : vector<16xf32>
      %mul3A_675 = arith.mulf %mul3A_674, %mul3A_670 : vector<16xf32>
      %sub3A_676 = arith.constant 1.500000e+00 : f32
      %sub3A_677 = vector.broadcast %sub3A_676 : f32 to vector<16xf32>
      %sub3A_678 = arith.subf %sub3A_677, %mul3A_675 : vector<16xf32>
      %mul3A_679 = arith.mulf %mul3A_670, %sub3A_678 : vector<16xf32>
      %mul3A_680 = arith.mulf %max3A_644, %mul3A_679 : vector<16xf32>
      %add3A_681 = arith.constant 9.99999993E-9 : f32
      %add3A_682 = vector.broadcast %add3A_681 : f32 to vector<16xf32>
      %add3A_683 = arith.addf %mul3A_680, %add3A_682 : vector<16xf32>
      %div3A_684 = arith.constant 1.000000e+00 : f32
      %div3A_685 = vector.broadcast %div3A_684 : f32 to vector<16xf32>
      %div3A_686 = arith.divf %div3A_685, %add3A_683 : vector<16xf32>
      %neg3A_687 = arith.constant 0.000000e+00 : f32
      %neg3A_688 = vector.broadcast %neg3A_687 : f32 to vector<16xf32>
      %neg3A_689 = arith.subf %neg3A_688, %mul3A_637 : vector<16xf32>
      %mul3A_690 = arith.mulf %neg3A_689, %div3A_686 : vector<16xf32>
      %mul3A_691 = vector.broadcast %scan3A : f32 to vector<16xf32>
      %mul3A_692 = arith.mulf %scan3A_634#2, %mul3A_691 : vector<16xf32>
      %mul3A_693 = arith.mulf %scan3A_634#2, %mul3A_692 : vector<16xf32>
      %sub3A_694 = arith.subf %scan3A_634#3, %mul3A_693 : vector<16xf32>
      %mul3A_695 = vector.broadcast %scan3A_53 : f32 to vector<16xf32>
      %mul3A_696 = arith.mulf %sub3A_694, %mul3A_695 : vector<16xf32>
      %max3A_697 = arith.constant 0.000000e+00 : f32
      %max3A_698 = vector.broadcast %max3A_697 : f32 to vector<16xf32>
      %max3A_699 = arith.maximumf %mul3A_696, %max3A_698 : vector<16xf32>
      %bitcast_convert_type3A_700 = tpu.bitcast %max3A_699 : vector<16xf32> -> vector<16xi32>
      %shift_right_logical3A_701 = arith.constant 1 : i32
      %shift_right_logical3A_702 = vector.broadcast %shift_right_logical3A_701 : i32 to vector<16xi32>
      %shift_right_logical3A_703 = arith.shrui %bitcast_convert_type3A_700, %shift_right_logical3A_702 : vector<16xi32>
      %sub3A_704 = arith.constant 1597463007 : i32
      %sub3A_705 = vector.broadcast %sub3A_704 : i32 to vector<16xi32>
      %sub3A_706 = arith.subi %sub3A_705, %shift_right_logical3A_703 : vector<16xi32>
      %bitcast_convert_type3A_707 = tpu.bitcast %sub3A_706 : vector<16xi32> -> vector<16xf32>
      %mul3A_708 = arith.constant 5.000000e-01 : f32
      %mul3A_709 = vector.broadcast %mul3A_708 : f32 to vector<16xf32>
      %mul3A_710 = arith.mulf %mul3A_709, %max3A_699 : vector<16xf32>
      %mul3A_711 = arith.mulf %mul3A_710, %bitcast_convert_type3A_707 : vector<16xf32>
      %mul3A_712 = arith.mulf %mul3A_711, %bitcast_convert_type3A_707 : vector<16xf32>
      %sub3A_713 = arith.constant 1.500000e+00 : f32
      %sub3A_714 = vector.broadcast %sub3A_713 : f32 to vector<16xf32>
      %sub3A_715 = arith.subf %sub3A_714, %mul3A_712 : vector<16xf32>
      %mul3A_716 = arith.mulf %bitcast_convert_type3A_707, %sub3A_715 : vector<16xf32>
      %mul3A_717 = arith.constant 5.000000e-01 : f32
      %mul3A_718 = vector.broadcast %mul3A_717 : f32 to vector<16xf32>
      %mul3A_719 = arith.mulf %mul3A_718, %max3A_699 : vector<16xf32>
      %mul3A_720 = arith.mulf %mul3A_719, %mul3A_716 : vector<16xf32>
      %mul3A_721 = arith.mulf %mul3A_720, %mul3A_716 : vector<16xf32>
      %sub3A_722 = arith.constant 1.500000e+00 : f32
      %sub3A_723 = vector.broadcast %sub3A_722 : f32 to vector<16xf32>
      %sub3A_724 = arith.subf %sub3A_723, %mul3A_721 : vector<16xf32>
      %mul3A_725 = arith.mulf %mul3A_716, %sub3A_724 : vector<16xf32>
      %mul3A_726 = arith.constant 5.000000e-01 : f32
      %mul3A_727 = vector.broadcast %mul3A_726 : f32 to vector<16xf32>
      %mul3A_728 = arith.mulf %mul3A_727, %max3A_699 : vector<16xf32>
      %mul3A_729 = arith.mulf %mul3A_728, %mul3A_725 : vector<16xf32>
      %mul3A_730 = arith.mulf %mul3A_729, %mul3A_725 : vector<16xf32>
      %sub3A_731 = arith.constant 1.500000e+00 : f32
      %sub3A_732 = vector.broadcast %sub3A_731 : f32 to vector<16xf32>
      %sub3A_733 = arith.subf %sub3A_732, %mul3A_730 : vector<16xf32>
      %mul3A_734 = arith.mulf %mul3A_725, %sub3A_733 : vector<16xf32>
      %mul3A_735 = arith.mulf %max3A_699, %mul3A_734 : vector<16xf32>
      %add3A_736 = arith.constant 9.99999993E-9 : f32
      %add3A_737 = vector.broadcast %add3A_736 : f32 to vector<16xf32>
      %add3A_738 = arith.addf %mul3A_735, %add3A_737 : vector<16xf32>
      %div3A_739 = arith.constant 1.000000e+00 : f32
      %div3A_740 = vector.broadcast %div3A_739 : f32 to vector<16xf32>
      %div3A_741 = arith.divf %div3A_740, %add3A_738 : vector<16xf32>
      %neg3A_742 = arith.constant 0.000000e+00 : f32
      %neg3A_743 = vector.broadcast %neg3A_742 : f32 to vector<16xf32>
      %neg3A_744 = arith.subf %neg3A_743, %mul3A_692 : vector<16xf32>
      %mul3A_745 = arith.mulf %neg3A_744, %div3A_741 : vector<16xf32>
      %mul3A_746 = vector.broadcast %scan3A : f32 to vector<16xf32>
      %mul3A_747 = arith.mulf %scan3A_634#4, %mul3A_746 : vector<16xf32>
      %mul3A_748 = arith.mulf %scan3A_634#4, %mul3A_747 : vector<16xf32>
      %sub3A_749 = arith.subf %scan3A_634#5, %mul3A_748 : vector<16xf32>
      %mul3A_750 = vector.broadcast %scan3A_53 : f32 to vector<16xf32>
      %mul3A_751 = arith.mulf %sub3A_749, %mul3A_750 : vector<16xf32>
      %max3A_752 = arith.constant 0.000000e+00 : f32
      %max3A_753 = vector.broadcast %max3A_752 : f32 to vector<16xf32>
      %max3A_754 = arith.maximumf %mul3A_751, %max3A_753 : vector<16xf32>
      %bitcast_convert_type3A_755 = tpu.bitcast %max3A_754 : vector<16xf32> -> vector<16xi32>
      %shift_right_logical3A_756 = arith.constant 1 : i32
      %shift_right_logical3A_757 = vector.broadcast %shift_right_logical3A_756 : i32 to vector<16xi32>
      %shift_right_logical3A_758 = arith.shrui %bitcast_convert_type3A_755, %shift_right_logical3A_757 : vector<16xi32>
      %sub3A_759 = arith.constant 1597463007 : i32
      %sub3A_760 = vector.broadcast %sub3A_759 : i32 to vector<16xi32>
      %sub3A_761 = arith.subi %sub3A_760, %shift_right_logical3A_758 : vector<16xi32>
      %bitcast_convert_type3A_762 = tpu.bitcast %sub3A_761 : vector<16xi32> -> vector<16xf32>
      %mul3A_763 = arith.constant 5.000000e-01 : f32
      %mul3A_764 = vector.broadcast %mul3A_763 : f32 to vector<16xf32>
      %mul3A_765 = arith.mulf %mul3A_764, %max3A_754 : vector<16xf32>
      %mul3A_766 = arith.mulf %mul3A_765, %bitcast_convert_type3A_762 : vector<16xf32>
      %mul3A_767 = arith.mulf %mul3A_766, %bitcast_convert_type3A_762 : vector<16xf32>
      %sub3A_768 = arith.constant 1.500000e+00 : f32
      %sub3A_769 = vector.broadcast %sub3A_768 : f32 to vector<16xf32>
      %sub3A_770 = arith.subf %sub3A_769, %mul3A_767 : vector<16xf32>
      %mul3A_771 = arith.mulf %bitcast_convert_type3A_762, %sub3A_770 : vector<16xf32>
      %mul3A_772 = arith.constant 5.000000e-01 : f32
      %mul3A_773 = vector.broadcast %mul3A_772 : f32 to vector<16xf32>
      %mul3A_774 = arith.mulf %mul3A_773, %max3A_754 : vector<16xf32>
      %mul3A_775 = arith.mulf %mul3A_774, %mul3A_771 : vector<16xf32>
      %mul3A_776 = arith.mulf %mul3A_775, %mul3A_771 : vector<16xf32>
      %sub3A_777 = arith.constant 1.500000e+00 : f32
      %sub3A_778 = vector.broadcast %sub3A_777 : f32 to vector<16xf32>
      %sub3A_779 = arith.subf %sub3A_778, %mul3A_776 : vector<16xf32>
      %mul3A_780 = arith.mulf %mul3A_771, %sub3A_779 : vector<16xf32>
      %mul3A_781 = arith.constant 5.000000e-01 : f32
      %mul3A_782 = vector.broadcast %mul3A_781 : f32 to vector<16xf32>
      %mul3A_783 = arith.mulf %mul3A_782, %max3A_754 : vector<16xf32>
      %mul3A_784 = arith.mulf %mul3A_783, %mul3A_780 : vector<16xf32>
      %mul3A_785 = arith.mulf %mul3A_784, %mul3A_780 : vector<16xf32>
      %sub3A_786 = arith.constant 1.500000e+00 : f32
      %sub3A_787 = vector.broadcast %sub3A_786 : f32 to vector<16xf32>
      %sub3A_788 = arith.subf %sub3A_787, %mul3A_785 : vector<16xf32>
      %mul3A_789 = arith.mulf %mul3A_780, %sub3A_788 : vector<16xf32>
      %mul3A_790 = arith.mulf %max3A_754, %mul3A_789 : vector<16xf32>
      %add3A_791 = arith.constant 9.99999993E-9 : f32
      %add3A_792 = vector.broadcast %add3A_791 : f32 to vector<16xf32>
      %add3A_793 = arith.addf %mul3A_790, %add3A_792 : vector<16xf32>
      %div3A_794 = arith.constant 1.000000e+00 : f32
      %div3A_795 = vector.broadcast %div3A_794 : f32 to vector<16xf32>
      %div3A_796 = arith.divf %div3A_795, %add3A_793 : vector<16xf32>
      %neg3A_797 = arith.constant 0.000000e+00 : f32
      %neg3A_798 = vector.broadcast %neg3A_797 : f32 to vector<16xf32>
      %neg3A_799 = arith.subf %neg3A_798, %mul3A_747 : vector<16xf32>
      %mul3A_800 = arith.mulf %neg3A_799, %div3A_796 : vector<16xf32>
      %mul3A_801 = vector.broadcast %scan3A : f32 to vector<16xf32>
      %mul3A_802 = arith.mulf %scan3A_634#6, %mul3A_801 : vector<16xf32>
      %mul3A_803 = arith.mulf %scan3A_634#6, %mul3A_802 : vector<16xf32>
      %sub3A_804 = arith.subf %scan3A_634#7, %mul3A_803 : vector<16xf32>
      %mul3A_805 = vector.broadcast %scan3A_53 : f32 to vector<16xf32>
      %mul3A_806 = arith.mulf %sub3A_804, %mul3A_805 : vector<16xf32>
      %max3A_807 = arith.constant 0.000000e+00 : f32
      %max3A_808 = vector.broadcast %max3A_807 : f32 to vector<16xf32>
      %max3A_809 = arith.maximumf %mul3A_806, %max3A_808 : vector<16xf32>
      %bitcast_convert_type3A_810 = tpu.bitcast %max3A_809 : vector<16xf32> -> vector<16xi32>
      %shift_right_logical3A_811 = arith.constant 1 : i32
      %shift_right_logical3A_812 = vector.broadcast %shift_right_logical3A_811 : i32 to vector<16xi32>
      %shift_right_logical3A_813 = arith.shrui %bitcast_convert_type3A_810, %shift_right_logical3A_812 : vector<16xi32>
      %sub3A_814 = arith.constant 1597463007 : i32
      %sub3A_815 = vector.broadcast %sub3A_814 : i32 to vector<16xi32>
      %sub3A_816 = arith.subi %sub3A_815, %shift_right_logical3A_813 : vector<16xi32>
      %bitcast_convert_type3A_817 = tpu.bitcast %sub3A_816 : vector<16xi32> -> vector<16xf32>
      %mul3A_818 = arith.constant 5.000000e-01 : f32
      %mul3A_819 = vector.broadcast %mul3A_818 : f32 to vector<16xf32>
      %mul3A_820 = arith.mulf %mul3A_819, %max3A_809 : vector<16xf32>
      %mul3A_821 = arith.mulf %mul3A_820, %bitcast_convert_type3A_817 : vector<16xf32>
      %mul3A_822 = arith.mulf %mul3A_821, %bitcast_convert_type3A_817 : vector<16xf32>
      %sub3A_823 = arith.constant 1.500000e+00 : f32
      %sub3A_824 = vector.broadcast %sub3A_823 : f32 to vector<16xf32>
      %sub3A_825 = arith.subf %sub3A_824, %mul3A_822 : vector<16xf32>
      %mul3A_826 = arith.mulf %bitcast_convert_type3A_817, %sub3A_825 : vector<16xf32>
      %mul3A_827 = arith.constant 5.000000e-01 : f32
      %mul3A_828 = vector.broadcast %mul3A_827 : f32 to vector<16xf32>
      %mul3A_829 = arith.mulf %mul3A_828, %max3A_809 : vector<16xf32>
      %mul3A_830 = arith.mulf %mul3A_829, %mul3A_826 : vector<16xf32>
      %mul3A_831 = arith.mulf %mul3A_830, %mul3A_826 : vector<16xf32>
      %sub3A_832 = arith.constant 1.500000e+00 : f32
      %sub3A_833 = vector.broadcast %sub3A_832 : f32 to vector<16xf32>
      %sub3A_834 = arith.subf %sub3A_833, %mul3A_831 : vector<16xf32>
      %mul3A_835 = arith.mulf %mul3A_826, %sub3A_834 : vector<16xf32>
      %mul3A_836 = arith.constant 5.000000e-01 : f32
      %mul3A_837 = vector.broadcast %mul3A_836 : f32 to vector<16xf32>
      %mul3A_838 = arith.mulf %mul3A_837, %max3A_809 : vector<16xf32>
      %mul3A_839 = arith.mulf %mul3A_838, %mul3A_835 : vector<16xf32>
      %mul3A_840 = arith.mulf %mul3A_839, %mul3A_835 : vector<16xf32>
      %sub3A_841 = arith.constant 1.500000e+00 : f32
      %sub3A_842 = vector.broadcast %sub3A_841 : f32 to vector<16xf32>
      %sub3A_843 = arith.subf %sub3A_842, %mul3A_840 : vector<16xf32>
      %mul3A_844 = arith.mulf %mul3A_835, %sub3A_843 : vector<16xf32>
      %mul3A_845 = arith.mulf %max3A_809, %mul3A_844 : vector<16xf32>
      %add3A_846 = arith.constant 9.99999993E-9 : f32
      %add3A_847 = vector.broadcast %add3A_846 : f32 to vector<16xf32>
      %add3A_848 = arith.addf %mul3A_845, %add3A_847 : vector<16xf32>
      %div3A_849 = arith.constant 1.000000e+00 : f32
      %div3A_850 = vector.broadcast %div3A_849 : f32 to vector<16xf32>
      %div3A_851 = arith.divf %div3A_850, %add3A_848 : vector<16xf32>
      %neg3A_852 = arith.constant 0.000000e+00 : f32
      %neg3A_853 = vector.broadcast %neg3A_852 : f32 to vector<16xf32>
      %neg3A_854 = arith.subf %neg3A_853, %mul3A_802 : vector<16xf32>
      %mul3A_855 = arith.mulf %neg3A_854, %div3A_851 : vector<16xf32>
      %scan3A_856 = arith.constant 0 : i32
      %scan3A_857 = arith.constant 0 : i32
      %scan3A_858 = arith.constant 100 : i32
      %scan3A_859 = arith.addi %scan3A_857, %scan3A_858 : i32
      %scan3A_860 = arith.constant 1 : i32
      scf.for %scan3A_1134 = %scan3A_857 to %scan3A_859 step %scan3A_860  : i32 {
        %mul3A_1135 = arith.constant 2 : i32
        %mul3A_1136 = arith.muli %scan3A_1134, %mul3A_1135 : i32
        %add3A_1137 = arith.constant 1 : i32
        %add3A_1138 = arith.addi %mul3A_1136, %add3A_1137 : i32
        %get3A = arith.index_cast %mul3A_1136 : i32 to index
        %get3A_1139 = arith.constant 0 : index
        %get3A_1140 = tpu.vector_load %arg8[%get3A, %get3A_1139] {strides = array<i32>} : memref<200x64xf32, #tpu.memory_space<vmem>>, vector<1x16xf32>,
        %get3A_1141 = vector.shape_cast %get3A_1140 : vector<1x16xf32> to vector<16xf32>
        %mul3A_1142 = arith.mulf %get3A_1141, %div3A_686 : vector<16xf32>
        %add3A_1143 = arith.addf %mul3A_1142, %mul3A_690 : vector<16xf32>
        %swap3A = arith.index_cast %mul3A_1136 : i32 to index
        %swap3A_1144 = arith.constant 0 : index
        %swap3A_1145 = tpu.vector_load %arg8[%swap3A, %swap3A_1144] {strides = array<i32>} : memref<200x64xf32, #tpu.memory_space<vmem>>, vector<1x16xf32>,
        %swap3A_1146 = vector.shape_cast %swap3A_1145 : vector<1x16xf32> to vector<16xf32>
        %swap3A_1147 = vector.shape_cast %add3A_1143 : vector<16xf32> to vector<1x16xf32>
        tpu.vector_store %arg8[%swap3A, %swap3A_1144], %swap3A_1147 {strides = array<i32>} : memref<200x64xf32, #tpu.memory_space<vmem>>, vector<1x16xf32>,
        %get3A_1148 = arith.index_cast %mul3A_1136 : i32 to index
        %get3A_1149 = arith.constant 16 : index
        %get3A_1150 = tpu.vector_load %arg8[%get3A_1148, %get3A_1149] {strides = array<i32>} : memref<200x64xf32, #tpu.memory_space<vmem>>, vector<1x16xf32>,
        %get3A_1151 = vector.shape_cast %get3A_1150 : vector<1x16xf32> to vector<16xf32>
        %mul3A_1152 = arith.mulf %get3A_1151, %div3A_741 : vector<16xf32>
        %add3A_1153 = arith.addf %mul3A_1152, %mul3A_745 : vector<16xf32>
        %swap3A_1154 = arith.index_cast %mul3A_1136 : i32 to index
        %swap3A_1155 = arith.constant 16 : index
        %swap3A_1156 = tpu.vector_load %arg8[%swap3A_1154, %swap3A_1155] {strides = array<i32>} : memref<200x64xf32, #tpu.memory_space<vmem>>, vector<1x16xf32>,
        %swap3A_1157 = vector.shape_cast %swap3A_1156 : vector<1x16xf32> to vector<16xf32>
        %swap3A_1158 = vector.shape_cast %add3A_1153 : vector<16xf32> to vector<1x16xf32>
        tpu.vector_store %arg8[%swap3A_1154, %swap3A_1155], %swap3A_1158 {strides = array<i32>} : memref<200x64xf32, #tpu.memory_space<vmem>>, vector<1x16xf32>,
        %get3A_1159 = arith.index_cast %mul3A_1136 : i32 to index
        %get3A_1160 = arith.constant 32 : index
        %get3A_1161 = tpu.vector_load %arg8[%get3A_1159, %get3A_1160] {strides = array<i32>} : memref<200x64xf32, #tpu.memory_space<vmem>>, vector<1x16xf32>,
        %get3A_1162 = vector.shape_cast %get3A_1161 : vector<1x16xf32> to vector<16xf32>
        %mul3A_1163 = arith.mulf %get3A_1162, %div3A_796 : vector<16xf32>
        %add3A_1164 = arith.addf %mul3A_1163, %mul3A_800 : vector<16xf32>
        %swap3A_1165 = arith.index_cast %mul3A_1136 : i32 to index
        %swap3A_1166 = arith.constant 32 : index
        %swap3A_1167 = tpu.vector_load %arg8[%swap3A_1165, %swap3A_1166] {strides = array<i32>} : memref<200x64xf32, #tpu.memory_space<vmem>>, vector<1x16xf32>,
        %swap3A_1168 = vector.shape_cast %swap3A_1167 : vector<1x16xf32> to vector<16xf32>
        %swap3A_1169 = vector.shape_cast %add3A_1164 : vector<16xf32> to vector<1x16xf32>
        tpu.vector_store %arg8[%swap3A_1165, %swap3A_1166], %swap3A_1169 {strides = array<i32>} : memref<200x64xf32, #tpu.memory_space<vmem>>, vector<1x16xf32>,
        %get3A_1170 = arith.index_cast %mul3A_1136 : i32 to index
        %get3A_1171 = arith.constant 48 : index
        %get3A_1172 = tpu.vector_load %arg8[%get3A_1170, %get3A_1171] {strides = array<i32>} : memref<200x64xf32, #tpu.memory_space<vmem>>, vector<1x16xf32>,
        %get3A_1173 = vector.shape_cast %get3A_1172 : vector<1x16xf32> to vector<16xf32>
        %mul3A_1174 = arith.mulf %get3A_1173, %div3A_851 : vector<16xf32>
        %add3A_1175 = arith.addf %mul3A_1174, %mul3A_855 : vector<16xf32>
        %swap3A_1176 = arith.index_cast %mul3A_1136 : i32 to index
        %swap3A_1177 = arith.constant 48 : index
        %swap3A_1178 = tpu.vector_load %arg8[%swap3A_1176, %swap3A_1177] {strides = array<i32>} : memref<200x64xf32, #tpu.memory_space<vmem>>, vector<1x16xf32>,
        %swap3A_1179 = vector.shape_cast %swap3A_1178 : vector<1x16xf32> to vector<16xf32>
        %swap3A_1180 = vector.shape_cast %add3A_1175 : vector<16xf32> to vector<1x16xf32>
        tpu.vector_store %arg8[%swap3A_1176, %swap3A_1177], %swap3A_1180 {strides = array<i32>} : memref<200x64xf32, #tpu.memory_space<vmem>>, vector<1x16xf32>,
        %get3A_1181 = arith.index_cast %add3A_1138 : i32 to index
        %get3A_1182 = arith.constant 0 : index
        %get3A_1183 = tpu.vector_load %arg8[%get3A_1181, %get3A_1182] {strides = array<i32>} : memref<200x64xf32, #tpu.memory_space<vmem>>, vector<1x16xf32>,
        %get3A_1184 = vector.shape_cast %get3A_1183 : vector<1x16xf32> to vector<16xf32>
        %mul3A_1185 = arith.mulf %get3A_1184, %div3A_686 : vector<16xf32>
        %add3A_1186 = arith.addf %mul3A_1185, %mul3A_690 : vector<16xf32>
        %swap3A_1187 = arith.index_cast %add3A_1138 : i32 to index
        %swap3A_1188 = arith.constant 0 : index
        %swap3A_1189 = tpu.vector_load %arg8[%swap3A_1187, %swap3A_1188] {strides = array<i32>} : memref<200x64xf32, #tpu.memory_space<vmem>>, vector<1x16xf32>,
        %swap3A_1190 = vector.shape_cast %swap3A_1189 : vector<1x16xf32> to vector<16xf32>
        %swap3A_1191 = vector.shape_cast %add3A_1186 : vector<16xf32> to vector<1x16xf32>
        tpu.vector_store %arg8[%swap3A_1187, %swap3A_1188], %swap3A_1191 {strides = array<i32>} : memref<200x64xf32, #tpu.memory_space<vmem>>, vector<1x16xf32>,
        %get3A_1192 = arith.index_cast %add3A_1138 : i32 to index
        %get3A_1193 = arith.constant 16 : index
        %get3A_1194 = tpu.vector_load %arg8[%get3A_1192, %get3A_1193] {strides = array<i32>} : memref<200x64xf32, #tpu.memory_space<vmem>>, vector<1x16xf32>,
        %get3A_1195 = vector.shape_cast %get3A_1194 : vector<1x16xf32> to vector<16xf32>
        %mul3A_1196 = arith.mulf %get3A_1195, %div3A_741 : vector<16xf32>
        %add3A_1197 = arith.addf %mul3A_1196, %mul3A_745 : vector<16xf32>
        %swap3A_1198 = arith.index_cast %add3A_1138 : i32 to index
        %swap3A_1199 = arith.constant 16 : index
        %swap3A_1200 = tpu.vector_load %arg8[%swap3A_1198, %swap3A_1199] {strides = array<i32>} : memref<200x64xf32, #tpu.memory_space<vmem>>, vector<1x16xf32>,
        %swap3A_1201 = vector.shape_cast %swap3A_1200 : vector<1x16xf32> to vector<16xf32>
        %swap3A_1202 = vector.shape_cast %add3A_1197 : vector<16xf32> to vector<1x16xf32>
        tpu.vector_store %arg8[%swap3A_1198, %swap3A_1199], %swap3A_1202 {strides = array<i32>} : memref<200x64xf32, #tpu.memory_space<vmem>>, vector<1x16xf32>,
        %get3A_1203 = arith.index_cast %add3A_1138 : i32 to index
        %get3A_1204 = arith.constant 32 : index
        %get3A_1205 = tpu.vector_load %arg8[%get3A_1203, %get3A_1204] {strides = array<i32>} : memref<200x64xf32, #tpu.memory_space<vmem>>, vector<1x16xf32>,
        %get3A_1206 = vector.shape_cast %get3A_1205 : vector<1x16xf32> to vector<16xf32>
        %mul3A_1207 = arith.mulf %get3A_1206, %div3A_796 : vector<16xf32>
        %add3A_1208 = arith.addf %mul3A_1207, %mul3A_800 : vector<16xf32>
        %swap3A_1209 = arith.index_cast %add3A_1138 : i32 to index
        %swap3A_1210 = arith.constant 32 : index
        %swap3A_1211 = tpu.vector_load %arg8[%swap3A_1209, %swap3A_1210] {strides = array<i32>} : memref<200x64xf32, #tpu.memory_space<vmem>>, vector<1x16xf32>,
        %swap3A_1212 = vector.shape_cast %swap3A_1211 : vector<1x16xf32> to vector<16xf32>
        %swap3A_1213 = vector.shape_cast %add3A_1208 : vector<16xf32> to vector<1x16xf32>
        tpu.vector_store %arg8[%swap3A_1209, %swap3A_1210], %swap3A_1213 {strides = array<i32>} : memref<200x64xf32, #tpu.memory_space<vmem>>, vector<1x16xf32>,
        %get3A_1214 = arith.index_cast %add3A_1138 : i32 to index
        %get3A_1215 = arith.constant 48 : index
        %get3A_1216 = tpu.vector_load %arg8[%get3A_1214, %get3A_1215] {strides = array<i32>} : memref<200x64xf32, #tpu.memory_space<vmem>>, vector<1x16xf32>,
        %get3A_1217 = vector.shape_cast %get3A_1216 : vector<1x16xf32> to vector<16xf32>
        %mul3A_1218 = arith.mulf %get3A_1217, %div3A_851 : vector<16xf32>
        %add3A_1219 = arith.addf %mul3A_1218, %mul3A_855 : vector<16xf32>
        %swap3A_1220 = arith.index_cast %add3A_1138 : i32 to index
        %swap3A_1221 = arith.constant 48 : index
        %swap3A_1222 = tpu.vector_load %arg8[%swap3A_1220, %swap3A_1221] {strides = array<i32>} : memref<200x64xf32, #tpu.memory_space<vmem>>, vector<1x16xf32>,
        %swap3A_1223 = vector.shape_cast %swap3A_1222 : vector<1x16xf32> to vector<16xf32>
        %swap3A_1224 = vector.shape_cast %add3A_1219 : vector<16xf32> to vector<1x16xf32>
        tpu.vector_store %arg8[%swap3A_1220, %swap3A_1221], %swap3A_1224 {strides = array<i32>} : memref<200x64xf32, #tpu.memory_space<vmem>>, vector<1x16xf32>,
      }
      %scan3A_861 = arith.constant 100 : i32
      %add3A_862 = arith.constant 2 : i32
      %add3A_863 = arith.addi %add3A_98, %add3A_862 : i32
      %add3A_864 = arith.addi %mul3A_2, %add3A_863 : i32
      %dma_start3A_865 = arith.constant 0 : i32
      %dma_start3A_866 = arith.constant 0 : i32
      %dma_start3A_867 = tpu.memref_slice %arg4[%add3A_864, %dma_start3A_865, %dma_start3A_866] : memref<4096x200x64xf32, #tpu.memory_space<hbm>> -> memref<1x200x64xf32, #tpu.memory_space<hbm>>
      %dma_start3A_868 = tpu.memref_squeeze %dma_start3A_867 : memref<1x200x64xf32, #tpu.memory_space<hbm>> -> memref<200x64xf32, #tpu.memory_space<hbm>>
      %dma_start3A_869 = arith.constant 0 : i32
      %dma_start3A_870 = arith.constant 0 : i32
      %dma_start3A_871 = tpu.memref_slice %arg4[%add3A_864, %dma_start3A_869, %dma_start3A_870] : memref<4096x200x64xf32, #tpu.memory_space<hbm>> -> memref<1x200x64xf32, #tpu.memory_space<hbm>>
      %dma_start3A_872 = tpu.memref_squeeze %dma_start3A_871 : memref<1x200x64xf32, #tpu.memory_space<hbm>> -> memref<200x64xf32, #tpu.memory_space<hbm>>
      tpu.enqueue_dma source(%arg8 : memref<200x64xf32, #tpu.memory_space<vmem>>) target(%dma_start3A_872 : memref<200x64xf32, #tpu.memory_space<hbm>>) target_semaphore(%arg16 : memref<!tpu.dma_semaphore, #tpu.memory_space<semaphore_mem>>)
      %add3A_873 = arith.constant 3 : i32
      %add3A_874 = arith.addi %add3A_98, %add3A_873 : i32
      %add3A_875 = arith.constant 3 : i32
      %add3A_876 = arith.addi %add3A_874, %add3A_875 : i32
      %lt3A_877 = arith.constant 128 : i32
      %lt3A_878 = arith.cmpi slt, %add3A_876, %lt3A_877 : i32
      %convert_element_type3A_879 = arith.extui %lt3A_878 : i1 to i32
      %cond3A_880 = arith.constant 0 : i32
      %cond3A_881 = arith.cmpi ne, %convert_element_type3A_879, %cond3A_880 : i32
      scf.if %cond3A_881 {
        %dma_wait3A_1134 = arith.constant 0 : i32
        %dma_wait3A_1135 = arith.constant 0 : i32
        %dma_wait3A_1136 = arith.constant 0 : i32
        %dma_wait3A_1137 = tpu.memref_slice %arg4[%dma_wait3A_1134, %dma_wait3A_1135, %dma_wait3A_1136] : memref<4096x200x64xf32, #tpu.memory_space<hbm>> -> memref<1x200x64xf32, #tpu.memory_space<hbm>>
        %dma_wait3A_1138 = tpu.memref_squeeze %dma_wait3A_1137 : memref<1x200x64xf32, #tpu.memory_space<hbm>> -> memref<200x64xf32, #tpu.memory_space<hbm>>
        %dma_wait3A_1139 = arith.constant 0 : i32
        %dma_wait3A_1140 = arith.constant 0 : i32
        %dma_wait3A_1141 = tpu.memref_slice %arg4[%dma_wait3A_1134, %dma_wait3A_1139, %dma_wait3A_1140] : memref<4096x200x64xf32, #tpu.memory_space<hbm>> -> memref<1x200x64xf32, #tpu.memory_space<hbm>>
        %dma_wait3A_1142 = tpu.memref_squeeze %dma_wait3A_1141 : memref<1x200x64xf32, #tpu.memory_space<hbm>> -> memref<200x64xf32, #tpu.memory_space<hbm>>
        tpu.wait_dma2 semaphore(%arg16 : memref<!tpu.dma_semaphore, #tpu.memory_space<semaphore_mem>>) src(%arg8 : memref<200x64xf32, #tpu.memory_space<vmem>>) dst(%dma_wait3A_1142 : memref<200x64xf32, #tpu.memory_space<hbm>>)
        %mul3A_1143 = arith.constant 200 : i32
        %mul3A_1144 = arith.muli %add3A_876, %mul3A_1143 : i32
        %dma_start3A_1145 = arith.constant 0 : i32
        %dma_start3A_1146 = arith.constant 0 : i32
        %dma_start3A_1147 = tpu.memref_slice %arg8[%dma_start3A_1145, %dma_start3A_1146] : memref<200x64xf32, #tpu.memory_space<vmem>> -> memref<128x64xf32, #tpu.memory_space<vmem>>
        %dma_start3A_1148 = tpu.memref_slice %arg5[%mul3A_1144] : memref<25600xi32, #tpu.memory_space<vmem>> -> memref<128xi32, #tpu.memory_space<vmem>>
        %dma_start3A_1149 = arith.constant 0 : i32
        %dma_start3A_1150 = arith.constant 0 : i32
        %dma_start3A_1151 = tpu.memref_slice %arg3[%dma_start3A_1149, %dma_start3A_1150] : memref<1000000x64xf32, #tpu.memory_space<hbm>> -> memref<1000000x64xf32, #tpu.memory_space<hbm>>
        tpu.enqueue_indirect_dma source(%dma_start3A_1151 : memref<1000000x64xf32, #tpu.memory_space<hbm>>) target(%dma_start3A_1147 : memref<128x64xf32, #tpu.memory_space<vmem>>) offsets(%dma_start3A_1148 : memref<128xi32, #tpu.memory_space<vmem>>) semaphore(%arg12 : memref<!tpu.dma_semaphore, #tpu.memory_space<semaphore_mem>>)
        %add3A_1152 = arith.constant 128 : i32
        %add3A_1153 = arith.addi %mul3A_1144, %add3A_1152 : i32
        %dma_start3A_1154 = arith.constant 128 : i32
        %dma_start3A_1155 = arith.constant 0 : i32
        %dma_start3A_1156 = tpu.memref_slice %arg8[%dma_start3A_1154, %dma_start3A_1155] : memref<200x64xf32, #tpu.memory_space<vmem>> -> memref<72x64xf32, #tpu.memory_space<vmem>>
        %dma_start3A_1157 = tpu.memref_slice %arg5[%add3A_1153] : memref<25600xi32, #tpu.memory_space<vmem>> -> memref<72xi32, #tpu.memory_space<vmem>>
        %dma_start3A_1158 = arith.constant 0 : i32
        %dma_start3A_1159 = arith.constant 0 : i32
        %dma_start3A_1160 = tpu.memref_slice %arg3[%dma_start3A_1158, %dma_start3A_1159] : memref<1000000x64xf32, #tpu.memory_space<hbm>> -> memref<1000000x64xf32, #tpu.memory_space<hbm>>
        tpu.enqueue_indirect_dma source(%dma_start3A_1160 : memref<1000000x64xf32, #tpu.memory_space<hbm>>) target(%dma_start3A_1156 : memref<72x64xf32, #tpu.memory_space<vmem>>) offsets(%dma_start3A_1157 : memref<72xi32, #tpu.memory_space<vmem>>) semaphore(%arg12 : memref<!tpu.dma_semaphore, #tpu.memory_space<semaphore_mem>>)
      } else {
      }
      %dma_wait3A_882 = arith.constant 0 : i32
      %dma_wait3A_883 = arith.constant 0 : i32
      %dma_wait3A_884 = arith.constant 0 : i32
      %dma_wait3A_885 = tpu.memref_slice %arg4[%dma_wait3A_882, %dma_wait3A_883, %dma_wait3A_884] : memref<4096x200x64xf32, #tpu.memory_space<hbm>> -> memref<1x200x64xf32, #tpu.memory_space<hbm>>
      %dma_wait3A_886 = tpu.memref_squeeze %dma_wait3A_885 : memref<1x200x64xf32, #tpu.memory_space<hbm>> -> memref<200x64xf32, #tpu.memory_space<hbm>>
      %dma_wait3A_887 = arith.constant 0 : i32
      %dma_wait3A_888 = arith.constant 0 : i32
      %dma_wait3A_889 = tpu.memref_slice %arg4[%dma_wait3A_882, %dma_wait3A_887, %dma_wait3A_888] : memref<4096x200x64xf32, #tpu.memory_space<hbm>> -> memref<1x200x64xf32, #tpu.memory_space<hbm>>
      %dma_wait3A_890 = tpu.memref_squeeze %dma_wait3A_889 : memref<1x200x64xf32, #tpu.memory_space<hbm>> -> memref<200x64xf32, #tpu.memory_space<hbm>>
      tpu.wait_dma2 semaphore(%arg13 : memref<!tpu.dma_semaphore, #tpu.memory_space<semaphore_mem>>) src(%dma_wait3A_890 : memref<200x64xf32, #tpu.memory_space<hbm>>) dst(%arg9 : memref<200x64xf32, #tpu.memory_space<vmem>>)
      %scan3A_891 = arith.constant 0 : i32
      %scan3A_892 = arith.constant 100 : i32
      %scan3A_893 = arith.addi %scan3A_891, %scan3A_892 : i32
      %scan3A_894 = arith.constant 1 : i32
      %scan3A_895:8 = scf.for %scan3A_1134 = %scan3A_891 to %scan3A_893 step %scan3A_894 iter_args(%scan3A_1135 = %broadcast_in_dim3A_5, %scan3A_1136 = %broadcast_in_dim3A_5, %scan3A_1137 = %broadcast_in_dim3A_5, %scan3A_1138 = %broadcast_in_dim3A_5, %scan3A_1139 = %broadcast_in_dim3A_5, %scan3A_1140 = %broadcast_in_dim3A_5, %scan3A_1141 = %broadcast_in_dim3A_5, %scan3A_1142 = %broadcast_in_dim3A_5) -> (vector<16xf32>, vector<16xf32>, vector<16xf32>, vector<16xf32>, vector<16xf32>, vector<16xf32>, vector<16xf32>, vector<16xf32>)  : i32 {
        %mul3A_1143 = arith.constant 2 : i32
        %mul3A_1144 = arith.muli %scan3A_1134, %mul3A_1143 : i32
        %add3A_1145 = arith.constant 1 : i32
        %add3A_1146 = arith.addi %mul3A_1144, %add3A_1145 : i32
        %get3A = arith.index_cast %mul3A_1144 : i32 to index
        %get3A_1147 = arith.constant 0 : index
        %get3A_1148 = tpu.vector_load %arg9[%get3A, %get3A_1147] {strides = array<i32>} : memref<200x64xf32, #tpu.memory_space<vmem>>, vector<1x16xf32>,
        %get3A_1149 = vector.shape_cast %get3A_1148 : vector<1x16xf32> to vector<16xf32>
        %add3A_1150 = arith.addf %scan3A_1135, %get3A_1149 : vector<16xf32>
        %mul3A_1151 = arith.mulf %get3A_1149, %get3A_1149 : vector<16xf32>
        %add3A_1152 = arith.addf %scan3A_1136, %mul3A_1151 : vector<16xf32>
        %get3A_1153 = arith.index_cast %mul3A_1144 : i32 to index
        %get3A_1154 = arith.constant 16 : index
        %get3A_1155 = tpu.vector_load %arg9[%get3A_1153, %get3A_1154] {strides = array<i32>} : memref<200x64xf32, #tpu.memory_space<vmem>>, vector<1x16xf32>,
        %get3A_1156 = vector.shape_cast %get3A_1155 : vector<1x16xf32> to vector<16xf32>
        %add3A_1157 = arith.addf %scan3A_1137, %get3A_1156 : vector<16xf32>
        %mul3A_1158 = arith.mulf %get3A_1156, %get3A_1156 : vector<16xf32>
        %add3A_1159 = arith.addf %scan3A_1138, %mul3A_1158 : vector<16xf32>
        %get3A_1160 = arith.index_cast %mul3A_1144 : i32 to index
        %get3A_1161 = arith.constant 32 : index
        %get3A_1162 = tpu.vector_load %arg9[%get3A_1160, %get3A_1161] {strides = array<i32>} : memref<200x64xf32, #tpu.memory_space<vmem>>, vector<1x16xf32>,
        %get3A_1163 = vector.shape_cast %get3A_1162 : vector<1x16xf32> to vector<16xf32>
        %add3A_1164 = arith.addf %scan3A_1139, %get3A_1163 : vector<16xf32>
        %mul3A_1165 = arith.mulf %get3A_1163, %get3A_1163 : vector<16xf32>
        %add3A_1166 = arith.addf %scan3A_1140, %mul3A_1165 : vector<16xf32>
        %get3A_1167 = arith.index_cast %mul3A_1144 : i32 to index
        %get3A_1168 = arith.constant 48 : index
        %get3A_1169 = tpu.vector_load %arg9[%get3A_1167, %get3A_1168] {strides = array<i32>} : memref<200x64xf32, #tpu.memory_space<vmem>>, vector<1x16xf32>,
        %get3A_1170 = vector.shape_cast %get3A_1169 : vector<1x16xf32> to vector<16xf32>
        %add3A_1171 = arith.addf %scan3A_1141, %get3A_1170 : vector<16xf32>
        %mul3A_1172 = arith.mulf %get3A_1170, %get3A_1170 : vector<16xf32>
        %add3A_1173 = arith.addf %scan3A_1142, %mul3A_1172 : vector<16xf32>
        %get3A_1174 = arith.index_cast %add3A_1146 : i32 to index
        %get3A_1175 = arith.constant 0 : index
        %get3A_1176 = tpu.vector_load %arg9[%get3A_1174, %get3A_1175] {strides = array<i32>} : memref<200x64xf32, #tpu.memory_space<vmem>>, vector<1x16xf32>,
        %get3A_1177 = vector.shape_cast %get3A_1176 : vector<1x16xf32> to vector<16xf32>
        %add3A_1178 = arith.addf %add3A_1150, %get3A_1177 : vector<16xf32>
        %mul3A_1179 = arith.mulf %get3A_1177, %get3A_1177 : vector<16xf32>
        %add3A_1180 = arith.addf %add3A_1152, %mul3A_1179 : vector<16xf32>
        %get3A_1181 = arith.index_cast %add3A_1146 : i32 to index
        %get3A_1182 = arith.constant 16 : index
        %get3A_1183 = tpu.vector_load %arg9[%get3A_1181, %get3A_1182] {strides = array<i32>} : memref<200x64xf32, #tpu.memory_space<vmem>>, vector<1x16xf32>,
        %get3A_1184 = vector.shape_cast %get3A_1183 : vector<1x16xf32> to vector<16xf32>
        %add3A_1185 = arith.addf %add3A_1157, %get3A_1184 : vector<16xf32>
        %mul3A_1186 = arith.mulf %get3A_1184, %get3A_1184 : vector<16xf32>
        %add3A_1187 = arith.addf %add3A_1159, %mul3A_1186 : vector<16xf32>
        %get3A_1188 = arith.index_cast %add3A_1146 : i32 to index
        %get3A_1189 = arith.constant 32 : index
        %get3A_1190 = tpu.vector_load %arg9[%get3A_1188, %get3A_1189] {strides = array<i32>} : memref<200x64xf32, #tpu.memory_space<vmem>>, vector<1x16xf32>,
        %get3A_1191 = vector.shape_cast %get3A_1190 : vector<1x16xf32> to vector<16xf32>
        %add3A_1192 = arith.addf %add3A_1164, %get3A_1191 : vector<16xf32>
        %mul3A_1193 = arith.mulf %get3A_1191, %get3A_1191 : vector<16xf32>
        %add3A_1194 = arith.addf %add3A_1166, %mul3A_1193 : vector<16xf32>
        %get3A_1195 = arith.index_cast %add3A_1146 : i32 to index
        %get3A_1196 = arith.constant 48 : index
        %get3A_1197 = tpu.vector_load %arg9[%get3A_1195, %get3A_1196] {strides = array<i32>} : memref<200x64xf32, #tpu.memory_space<vmem>>, vector<1x16xf32>,
        %get3A_1198 = vector.shape_cast %get3A_1197 : vector<1x16xf32> to vector<16xf32>
        %add3A_1199 = arith.addf %add3A_1171, %get3A_1198 : vector<16xf32>
        %mul3A_1200 = arith.mulf %get3A_1198, %get3A_1198 : vector<16xf32>
        %add3A_1201 = arith.addf %add3A_1173, %mul3A_1200 : vector<16xf32>
        scf.yield %add3A_1178, %add3A_1180, %add3A_1185, %add3A_1187, %add3A_1192, %add3A_1194, %add3A_1199, %add3A_1201 : vector<16xf32>, vector<16xf32>, vector<16xf32>, vector<16xf32>, vector<16xf32>, vector<16xf32>, vector<16xf32>, vector<16xf32>
      }
      %scan3A_896 = arith.constant 100 : i32
      %mul3A_897 = vector.broadcast %scan3A : f32 to vector<16xf32>
      %mul3A_898 = arith.mulf %scan3A_895#0, %mul3A_897 : vector<16xf32>
      %mul3A_899 = arith.mulf %scan3A_895#0, %mul3A_898 : vector<16xf32>
      %sub3A_900 = arith.subf %scan3A_895#1, %mul3A_899 : vector<16xf32>
      %mul3A_901 = vector.broadcast %scan3A_53 : f32 to vector<16xf32>
      %mul3A_902 = arith.mulf %sub3A_900, %mul3A_901 : vector<16xf32>
      %max3A_903 = arith.constant 0.000000e+00 : f32
      %max3A_904 = vector.broadcast %max3A_903 : f32 to vector<16xf32>
      %max3A_905 = arith.maximumf %mul3A_902, %max3A_904 : vector<16xf32>
      %bitcast_convert_type3A_906 = tpu.bitcast %max3A_905 : vector<16xf32> -> vector<16xi32>
      %shift_right_logical3A_907 = arith.constant 1 : i32
      %shift_right_logical3A_908 = vector.broadcast %shift_right_logical3A_907 : i32 to vector<16xi32>
      %shift_right_logical3A_909 = arith.shrui %bitcast_convert_type3A_906, %shift_right_logical3A_908 : vector<16xi32>
      %sub3A_910 = arith.constant 1597463007 : i32
      %sub3A_911 = vector.broadcast %sub3A_910 : i32 to vector<16xi32>
      %sub3A_912 = arith.subi %sub3A_911, %shift_right_logical3A_909 : vector<16xi32>
      %bitcast_convert_type3A_913 = tpu.bitcast %sub3A_912 : vector<16xi32> -> vector<16xf32>
      %mul3A_914 = arith.constant 5.000000e-01 : f32
      %mul3A_915 = vector.broadcast %mul3A_914 : f32 to vector<16xf32>
      %mul3A_916 = arith.mulf %mul3A_915, %max3A_905 : vector<16xf32>
      %mul3A_917 = arith.mulf %mul3A_916, %bitcast_convert_type3A_913 : vector<16xf32>
      %mul3A_918 = arith.mulf %mul3A_917, %bitcast_convert_type3A_913 : vector<16xf32>
      %sub3A_919 = arith.constant 1.500000e+00 : f32
      %sub3A_920 = vector.broadcast %sub3A_919 : f32 to vector<16xf32>
      %sub3A_921 = arith.subf %sub3A_920, %mul3A_918 : vector<16xf32>
      %mul3A_922 = arith.mulf %bitcast_convert_type3A_913, %sub3A_921 : vector<16xf32>
      %mul3A_923 = arith.constant 5.000000e-01 : f32
      %mul3A_924 = vector.broadcast %mul3A_923 : f32 to vector<16xf32>
      %mul3A_925 = arith.mulf %mul3A_924, %max3A_905 : vector<16xf32>
      %mul3A_926 = arith.mulf %mul3A_925, %mul3A_922 : vector<16xf32>
      %mul3A_927 = arith.mulf %mul3A_926, %mul3A_922 : vector<16xf32>
      %sub3A_928 = arith.constant 1.500000e+00 : f32
      %sub3A_929 = vector.broadcast %sub3A_928 : f32 to vector<16xf32>
      %sub3A_930 = arith.subf %sub3A_929, %mul3A_927 : vector<16xf32>
      %mul3A_931 = arith.mulf %mul3A_922, %sub3A_930 : vector<16xf32>
      %mul3A_932 = arith.constant 5.000000e-01 : f32
      %mul3A_933 = vector.broadcast %mul3A_932 : f32 to vector<16xf32>
      %mul3A_934 = arith.mulf %mul3A_933, %max3A_905 : vector<16xf32>
      %mul3A_935 = arith.mulf %mul3A_934, %mul3A_931 : vector<16xf32>
      %mul3A_936 = arith.mulf %mul3A_935, %mul3A_931 : vector<16xf32>
      %sub3A_937 = arith.constant 1.500000e+00 : f32
      %sub3A_938 = vector.broadcast %sub3A_937 : f32 to vector<16xf32>
      %sub3A_939 = arith.subf %sub3A_938, %mul3A_936 : vector<16xf32>
      %mul3A_940 = arith.mulf %mul3A_931, %sub3A_939 : vector<16xf32>
      %mul3A_941 = arith.mulf %max3A_905, %mul3A_940 : vector<16xf32>
      %add3A_942 = arith.constant 9.99999993E-9 : f32
      %add3A_943 = vector.broadcast %add3A_942 : f32 to vector<16xf32>
      %add3A_944 = arith.addf %mul3A_941, %add3A_943 : vector<16xf32>
      %div3A_945 = arith.constant 1.000000e+00 : f32
      %div3A_946 = vector.broadcast %div3A_945 : f32 to vector<16xf32>
      %div3A_947 = arith.divf %div3A_946, %add3A_944 : vector<16xf32>
      %neg3A_948 = arith.constant 0.000000e+00 : f32
      %neg3A_949 = vector.broadcast %neg3A_948 : f32 to vector<16xf32>
      %neg3A_950 = arith.subf %neg3A_949, %mul3A_898 : vector<16xf32>
      %mul3A_951 = arith.mulf %neg3A_950, %div3A_947 : vector<16xf32>
      %mul3A_952 = vector.broadcast %scan3A : f32 to vector<16xf32>
      %mul3A_953 = arith.mulf %scan3A_895#2, %mul3A_952 : vector<16xf32>
      %mul3A_954 = arith.mulf %scan3A_895#2, %mul3A_953 : vector<16xf32>
      %sub3A_955 = arith.subf %scan3A_895#3, %mul3A_954 : vector<16xf32>
      %mul3A_956 = vector.broadcast %scan3A_53 : f32 to vector<16xf32>
      %mul3A_957 = arith.mulf %sub3A_955, %mul3A_956 : vector<16xf32>
      %max3A_958 = arith.constant 0.000000e+00 : f32
      %max3A_959 = vector.broadcast %max3A_958 : f32 to vector<16xf32>
      %max3A_960 = arith.maximumf %mul3A_957, %max3A_959 : vector<16xf32>
      %bitcast_convert_type3A_961 = tpu.bitcast %max3A_960 : vector<16xf32> -> vector<16xi32>
      %shift_right_logical3A_962 = arith.constant 1 : i32
      %shift_right_logical3A_963 = vector.broadcast %shift_right_logical3A_962 : i32 to vector<16xi32>
      %shift_right_logical3A_964 = arith.shrui %bitcast_convert_type3A_961, %shift_right_logical3A_963 : vector<16xi32>
      %sub3A_965 = arith.constant 1597463007 : i32
      %sub3A_966 = vector.broadcast %sub3A_965 : i32 to vector<16xi32>
      %sub3A_967 = arith.subi %sub3A_966, %shift_right_logical3A_964 : vector<16xi32>
      %bitcast_convert_type3A_968 = tpu.bitcast %sub3A_967 : vector<16xi32> -> vector<16xf32>
      %mul3A_969 = arith.constant 5.000000e-01 : f32
      %mul3A_970 = vector.broadcast %mul3A_969 : f32 to vector<16xf32>
      %mul3A_971 = arith.mulf %mul3A_970, %max3A_960 : vector<16xf32>
      %mul3A_972 = arith.mulf %mul3A_971, %bitcast_convert_type3A_968 : vector<16xf32>
      %mul3A_973 = arith.mulf %mul3A_972, %bitcast_convert_type3A_968 : vector<16xf32>
      %sub3A_974 = arith.constant 1.500000e+00 : f32
      %sub3A_975 = vector.broadcast %sub3A_974 : f32 to vector<16xf32>
      %sub3A_976 = arith.subf %sub3A_975, %mul3A_973 : vector<16xf32>
      %mul3A_977 = arith.mulf %bitcast_convert_type3A_968, %sub3A_976 : vector<16xf32>
      %mul3A_978 = arith.constant 5.000000e-01 : f32
      %mul3A_979 = vector.broadcast %mul3A_978 : f32 to vector<16xf32>
      %mul3A_980 = arith.mulf %mul3A_979, %max3A_960 : vector<16xf32>
      %mul3A_981 = arith.mulf %mul3A_980, %mul3A_977 : vector<16xf32>
      %mul3A_982 = arith.mulf %mul3A_981, %mul3A_977 : vector<16xf32>
      %sub3A_983 = arith.constant 1.500000e+00 : f32
      %sub3A_984 = vector.broadcast %sub3A_983 : f32 to vector<16xf32>
      %sub3A_985 = arith.subf %sub3A_984, %mul3A_982 : vector<16xf32>
      %mul3A_986 = arith.mulf %mul3A_977, %sub3A_985 : vector<16xf32>
      %mul3A_987 = arith.constant 5.000000e-01 : f32
      %mul3A_988 = vector.broadcast %mul3A_987 : f32 to vector<16xf32>
      %mul3A_989 = arith.mulf %mul3A_988, %max3A_960 : vector<16xf32>
      %mul3A_990 = arith.mulf %mul3A_989, %mul3A_986 : vector<16xf32>
      %mul3A_991 = arith.mulf %mul3A_990, %mul3A_986 : vector<16xf32>
      %sub3A_992 = arith.constant 1.500000e+00 : f32
      %sub3A_993 = vector.broadcast %sub3A_992 : f32 to vector<16xf32>
      %sub3A_994 = arith.subf %sub3A_993, %mul3A_991 : vector<16xf32>
      %mul3A_995 = arith.mulf %mul3A_986, %sub3A_994 : vector<16xf32>
      %mul3A_996 = arith.mulf %max3A_960, %mul3A_995 : vector<16xf32>
      %add3A_997 = arith.constant 9.99999993E-9 : f32
      %add3A_998 = vector.broadcast %add3A_997 : f32 to vector<16xf32>
      %add3A_999 = arith.addf %mul3A_996, %add3A_998 : vector<16xf32>
      %div3A_1000 = arith.constant 1.000000e+00 : f32
      %div3A_1001 = vector.broadcast %div3A_1000 : f32 to vector<16xf32>
      %div3A_1002 = arith.divf %div3A_1001, %add3A_999 : vector<16xf32>
      %neg3A_1003 = arith.constant 0.000000e+00 : f32
      %neg3A_1004 = vector.broadcast %neg3A_1003 : f32 to vector<16xf32>
      %neg3A_1005 = arith.subf %neg3A_1004, %mul3A_953 : vector<16xf32>
      %mul3A_1006 = arith.mulf %neg3A_1005, %div3A_1002 : vector<16xf32>
      %mul3A_1007 = vector.broadcast %scan3A : f32 to vector<16xf32>
      %mul3A_1008 = arith.mulf %scan3A_895#4, %mul3A_1007 : vector<16xf32>
      %mul3A_1009 = arith.mulf %scan3A_895#4, %mul3A_1008 : vector<16xf32>
      %sub3A_1010 = arith.subf %scan3A_895#5, %mul3A_1009 : vector<16xf32>
      %mul3A_1011 = vector.broadcast %scan3A_53 : f32 to vector<16xf32>
      %mul3A_1012 = arith.mulf %sub3A_1010, %mul3A_1011 : vector<16xf32>
      %max3A_1013 = arith.constant 0.000000e+00 : f32
      %max3A_1014 = vector.broadcast %max3A_1013 : f32 to vector<16xf32>
      %max3A_1015 = arith.maximumf %mul3A_1012, %max3A_1014 : vector<16xf32>
      %bitcast_convert_type3A_1016 = tpu.bitcast %max3A_1015 : vector<16xf32> -> vector<16xi32>
      %shift_right_logical3A_1017 = arith.constant 1 : i32
      %shift_right_logical3A_1018 = vector.broadcast %shift_right_logical3A_1017 : i32 to vector<16xi32>
      %shift_right_logical3A_1019 = arith.shrui %bitcast_convert_type3A_1016, %shift_right_logical3A_1018 : vector<16xi32>
      %sub3A_1020 = arith.constant 1597463007 : i32
      %sub3A_1021 = vector.broadcast %sub3A_1020 : i32 to vector<16xi32>
      %sub3A_1022 = arith.subi %sub3A_1021, %shift_right_logical3A_1019 : vector<16xi32>
      %bitcast_convert_type3A_1023 = tpu.bitcast %sub3A_1022 : vector<16xi32> -> vector<16xf32>
      %mul3A_1024 = arith.constant 5.000000e-01 : f32
      %mul3A_1025 = vector.broadcast %mul3A_1024 : f32 to vector<16xf32>
      %mul3A_1026 = arith.mulf %mul3A_1025, %max3A_1015 : vector<16xf32>
      %mul3A_1027 = arith.mulf %mul3A_1026, %bitcast_convert_type3A_1023 : vector<16xf32>
      %mul3A_1028 = arith.mulf %mul3A_1027, %bitcast_convert_type3A_1023 : vector<16xf32>
      %sub3A_1029 = arith.constant 1.500000e+00 : f32
      %sub3A_1030 = vector.broadcast %sub3A_1029 : f32 to vector<16xf32>
      %sub3A_1031 = arith.subf %sub3A_1030, %mul3A_1028 : vector<16xf32>
      %mul3A_1032 = arith.mulf %bitcast_convert_type3A_1023, %sub3A_1031 : vector<16xf32>
      %mul3A_1033 = arith.constant 5.000000e-01 : f32
      %mul3A_1034 = vector.broadcast %mul3A_1033 : f32 to vector<16xf32>
      %mul3A_1035 = arith.mulf %mul3A_1034, %max3A_1015 : vector<16xf32>
      %mul3A_1036 = arith.mulf %mul3A_1035, %mul3A_1032 : vector<16xf32>
      %mul3A_1037 = arith.mulf %mul3A_1036, %mul3A_1032 : vector<16xf32>
      %sub3A_1038 = arith.constant 1.500000e+00 : f32
      %sub3A_1039 = vector.broadcast %sub3A_1038 : f32 to vector<16xf32>
      %sub3A_1040 = arith.subf %sub3A_1039, %mul3A_1037 : vector<16xf32>
      %mul3A_1041 = arith.mulf %mul3A_1032, %sub3A_1040 : vector<16xf32>
      %mul3A_1042 = arith.constant 5.000000e-01 : f32
      %mul3A_1043 = vector.broadcast %mul3A_1042 : f32 to vector<16xf32>
      %mul3A_1044 = arith.mulf %mul3A_1043, %max3A_1015 : vector<16xf32>
      %mul3A_1045 = arith.mulf %mul3A_1044, %mul3A_1041 : vector<16xf32>
      %mul3A_1046 = arith.mulf %mul3A_1045, %mul3A_1041 : vector<16xf32>
      %sub3A_1047 = arith.constant 1.500000e+00 : f32
      %sub3A_1048 = vector.broadcast %sub3A_1047 : f32 to vector<16xf32>
      %sub3A_1049 = arith.subf %sub3A_1048, %mul3A_1046 : vector<16xf32>
      %mul3A_1050 = arith.mulf %mul3A_1041, %sub3A_1049 : vector<16xf32>
      %mul3A_1051 = arith.mulf %max3A_1015, %mul3A_1050 : vector<16xf32>
      %add3A_1052 = arith.constant 9.99999993E-9 : f32
      %add3A_1053 = vector.broadcast %add3A_1052 : f32 to vector<16xf32>
      %add3A_1054 = arith.addf %mul3A_1051, %add3A_1053 : vector<16xf32>
      %div3A_1055 = arith.constant 1.000000e+00 : f32
      %div3A_1056 = vector.broadcast %div3A_1055 : f32 to vector<16xf32>
      %div3A_1057 = arith.divf %div3A_1056, %add3A_1054 : vector<16xf32>
      %neg3A_1058 = arith.constant 0.000000e+00 : f32
      %neg3A_1059 = vector.broadcast %neg3A_1058 : f32 to vector<16xf32>
      %neg3A_1060 = arith.subf %neg3A_1059, %mul3A_1008 : vector<16xf32>
      %mul3A_1061 = arith.mulf %neg3A_1060, %div3A_1057 : vector<16xf32>
      %mul3A_1062 = vector.broadcast %scan3A : f32 to vector<16xf32>
      %mul3A_1063 = arith.mulf %scan3A_895#6, %mul3A_1062 : vector<16xf32>
      %mul3A_1064 = arith.mulf %scan3A_895#6, %mul3A_1063 : vector<16xf32>
      %sub3A_1065 = arith.subf %scan3A_895#7, %mul3A_1064 : vector<16xf32>
      %mul3A_1066 = vector.broadcast %scan3A_53 : f32 to vector<16xf32>
      %mul3A_1067 = arith.mulf %sub3A_1065, %mul3A_1066 : vector<16xf32>
      %max3A_1068 = arith.constant 0.000000e+00 : f32
      %max3A_1069 = vector.broadcast %max3A_1068 : f32 to vector<16xf32>
      %max3A_1070 = arith.maximumf %mul3A_1067, %max3A_1069 : vector<16xf32>
      %bitcast_convert_type3A_1071 = tpu.bitcast %max3A_1070 : vector<16xf32> -> vector<16xi32>
      %shift_right_logical3A_1072 = arith.constant 1 : i32
      %shift_right_logical3A_1073 = vector.broadcast %shift_right_logical3A_1072 : i32 to vector<16xi32>
      %shift_right_logical3A_1074 = arith.shrui %bitcast_convert_type3A_1071, %shift_right_logical3A_1073 : vector<16xi32>
      %sub3A_1075 = arith.constant 1597463007 : i32
      %sub3A_1076 = vector.broadcast %sub3A_1075 : i32 to vector<16xi32>
      %sub3A_1077 = arith.subi %sub3A_1076, %shift_right_logical3A_1074 : vector<16xi32>
      %bitcast_convert_type3A_1078 = tpu.bitcast %sub3A_1077 : vector<16xi32> -> vector<16xf32>
      %mul3A_1079 = arith.constant 5.000000e-01 : f32
      %mul3A_1080 = vector.broadcast %mul3A_1079 : f32 to vector<16xf32>
      %mul3A_1081 = arith.mulf %mul3A_1080, %max3A_1070 : vector<16xf32>
      %mul3A_1082 = arith.mulf %mul3A_1081, %bitcast_convert_type3A_1078 : vector<16xf32>
      %mul3A_1083 = arith.mulf %mul3A_1082, %bitcast_convert_type3A_1078 : vector<16xf32>
      %sub3A_1084 = arith.constant 1.500000e+00 : f32
      %sub3A_1085 = vector.broadcast %sub3A_1084 : f32 to vector<16xf32>
      %sub3A_1086 = arith.subf %sub3A_1085, %mul3A_1083 : vector<16xf32>
      %mul3A_1087 = arith.mulf %bitcast_convert_type3A_1078, %sub3A_1086 : vector<16xf32>
      %mul3A_1088 = arith.constant 5.000000e-01 : f32
      %mul3A_1089 = vector.broadcast %mul3A_1088 : f32 to vector<16xf32>
      %mul3A_1090 = arith.mulf %mul3A_1089, %max3A_1070 : vector<16xf32>
      %mul3A_1091 = arith.mulf %mul3A_1090, %mul3A_1087 : vector<16xf32>
      %mul3A_1092 = arith.mulf %mul3A_1091, %mul3A_1087 : vector<16xf32>
      %sub3A_1093 = arith.constant 1.500000e+00 : f32
      %sub3A_1094 = vector.broadcast %sub3A_1093 : f32 to vector<16xf32>
      %sub3A_1095 = arith.subf %sub3A_1094, %mul3A_1092 : vector<16xf32>
      %mul3A_1096 = arith.mulf %mul3A_1087, %sub3A_1095 : vector<16xf32>
      %mul3A_1097 = arith.constant 5.000000e-01 : f32
      %mul3A_1098 = vector.broadcast %mul3A_1097 : f32 to vector<16xf32>
      %mul3A_1099 = arith.mulf %mul3A_1098, %max3A_1070 : vector<16xf32>
      %mul3A_1100 = arith.mulf %mul3A_1099, %mul3A_1096 : vector<16xf32>
      %mul3A_1101 = arith.mulf %mul3A_1100, %mul3A_1096 : vector<16xf32>
      %sub3A_1102 = arith.constant 1.500000e+00 : f32
      %sub3A_1103 = vector.broadcast %sub3A_1102 : f32 to vector<16xf32>
      %sub3A_1104 = arith.subf %sub3A_1103, %mul3A_1101 : vector<16xf32>
      %mul3A_1105 = arith.mulf %mul3A_1096, %sub3A_1104 : vector<16xf32>
      %mul3A_1106 = arith.mulf %max3A_1070, %mul3A_1105 : vector<16xf32>
      %add3A_1107 = arith.constant 9.99999993E-9 : f32
      %add3A_1108 = vector.broadcast %add3A_1107 : f32 to vector<16xf32>
      %add3A_1109 = arith.addf %mul3A_1106, %add3A_1108 : vector<16xf32>
      %div3A_1110 = arith.constant 1.000000e+00 : f32
      %div3A_1111 = vector.broadcast %div3A_1110 : f32 to vector<16xf32>
      %div3A_1112 = arith.divf %div3A_1111, %add3A_1109 : vector<16xf32>
      %neg3A_1113 = arith.constant 0.000000e+00 : f32
      %neg3A_1114 = vector.broadcast %neg3A_1113 : f32 to vector<16xf32>
      %neg3A_1115 = arith.subf %neg3A_1114, %mul3A_1063 : vector<16xf32>
      %mul3A_1116 = arith.mulf %neg3A_1115, %div3A_1112 : vector<16xf32>
      %scan3A_1117 = arith.constant 0 : i32
      %scan3A_1118 = arith.constant 0 : i32
      %scan3A_1119 = arith.constant 100 : i32
      %scan3A_1120 = arith.addi %scan3A_1118, %scan3A_1119 : i32
      %scan3A_1121 = arith.constant 1 : i32
      scf.for %scan3A_1134 = %scan3A_1118 to %scan3A_1120 step %scan3A_1121  : i32 {
        %mul3A_1135 = arith.constant 2 : i32
        %mul3A_1136 = arith.muli %scan3A_1134, %mul3A_1135 : i32
        %add3A_1137 = arith.constant 1 : i32
        %add3A_1138 = arith.addi %mul3A_1136, %add3A_1137 : i32
        %get3A = arith.index_cast %mul3A_1136 : i32 to index
        %get3A_1139 = arith.constant 0 : index
        %get3A_1140 = tpu.vector_load %arg9[%get3A, %get3A_1139] {strides = array<i32>} : memref<200x64xf32, #tpu.memory_space<vmem>>, vector<1x16xf32>,
        %get3A_1141 = vector.shape_cast %get3A_1140 : vector<1x16xf32> to vector<16xf32>
        %mul3A_1142 = arith.mulf %get3A_1141, %div3A_947 : vector<16xf32>
        %add3A_1143 = arith.addf %mul3A_1142, %mul3A_951 : vector<16xf32>
        %swap3A = arith.index_cast %mul3A_1136 : i32 to index
        %swap3A_1144 = arith.constant 0 : index
        %swap3A_1145 = tpu.vector_load %arg9[%swap3A, %swap3A_1144] {strides = array<i32>} : memref<200x64xf32, #tpu.memory_space<vmem>>, vector<1x16xf32>,
        %swap3A_1146 = vector.shape_cast %swap3A_1145 : vector<1x16xf32> to vector<16xf32>
        %swap3A_1147 = vector.shape_cast %add3A_1143 : vector<16xf32> to vector<1x16xf32>
        tpu.vector_store %arg9[%swap3A, %swap3A_1144], %swap3A_1147 {strides = array<i32>} : memref<200x64xf32, #tpu.memory_space<vmem>>, vector<1x16xf32>,
        %get3A_1148 = arith.index_cast %mul3A_1136 : i32 to index
        %get3A_1149 = arith.constant 16 : index
        %get3A_1150 = tpu.vector_load %arg9[%get3A_1148, %get3A_1149] {strides = array<i32>} : memref<200x64xf32, #tpu.memory_space<vmem>>, vector<1x16xf32>,
        %get3A_1151 = vector.shape_cast %get3A_1150 : vector<1x16xf32> to vector<16xf32>
        %mul3A_1152 = arith.mulf %get3A_1151, %div3A_1002 : vector<16xf32>
        %add3A_1153 = arith.addf %mul3A_1152, %mul3A_1006 : vector<16xf32>
        %swap3A_1154 = arith.index_cast %mul3A_1136 : i32 to index
        %swap3A_1155 = arith.constant 16 : index
        %swap3A_1156 = tpu.vector_load %arg9[%swap3A_1154, %swap3A_1155] {strides = array<i32>} : memref<200x64xf32, #tpu.memory_space<vmem>>, vector<1x16xf32>,
        %swap3A_1157 = vector.shape_cast %swap3A_1156 : vector<1x16xf32> to vector<16xf32>
        %swap3A_1158 = vector.shape_cast %add3A_1153 : vector<16xf32> to vector<1x16xf32>
        tpu.vector_store %arg9[%swap3A_1154, %swap3A_1155], %swap3A_1158 {strides = array<i32>} : memref<200x64xf32, #tpu.memory_space<vmem>>, vector<1x16xf32>,
        %get3A_1159 = arith.index_cast %mul3A_1136 : i32 to index
        %get3A_1160 = arith.constant 32 : index
        %get3A_1161 = tpu.vector_load %arg9[%get3A_1159, %get3A_1160] {strides = array<i32>} : memref<200x64xf32, #tpu.memory_space<vmem>>, vector<1x16xf32>,
        %get3A_1162 = vector.shape_cast %get3A_1161 : vector<1x16xf32> to vector<16xf32>
        %mul3A_1163 = arith.mulf %get3A_1162, %div3A_1057 : vector<16xf32>
        %add3A_1164 = arith.addf %mul3A_1163, %mul3A_1061 : vector<16xf32>
        %swap3A_1165 = arith.index_cast %mul3A_1136 : i32 to index
        %swap3A_1166 = arith.constant 32 : index
        %swap3A_1167 = tpu.vector_load %arg9[%swap3A_1165, %swap3A_1166] {strides = array<i32>} : memref<200x64xf32, #tpu.memory_space<vmem>>, vector<1x16xf32>,
        %swap3A_1168 = vector.shape_cast %swap3A_1167 : vector<1x16xf32> to vector<16xf32>
        %swap3A_1169 = vector.shape_cast %add3A_1164 : vector<16xf32> to vector<1x16xf32>
        tpu.vector_store %arg9[%swap3A_1165, %swap3A_1166], %swap3A_1169 {strides = array<i32>} : memref<200x64xf32, #tpu.memory_space<vmem>>, vector<1x16xf32>,
        %get3A_1170 = arith.index_cast %mul3A_1136 : i32 to index
        %get3A_1171 = arith.constant 48 : index
        %get3A_1172 = tpu.vector_load %arg9[%get3A_1170, %get3A_1171] {strides = array<i32>} : memref<200x64xf32, #tpu.memory_space<vmem>>, vector<1x16xf32>,
        %get3A_1173 = vector.shape_cast %get3A_1172 : vector<1x16xf32> to vector<16xf32>
        %mul3A_1174 = arith.mulf %get3A_1173, %div3A_1112 : vector<16xf32>
        %add3A_1175 = arith.addf %mul3A_1174, %mul3A_1116 : vector<16xf32>
        %swap3A_1176 = arith.index_cast %mul3A_1136 : i32 to index
        %swap3A_1177 = arith.constant 48 : index
        %swap3A_1178 = tpu.vector_load %arg9[%swap3A_1176, %swap3A_1177] {strides = array<i32>} : memref<200x64xf32, #tpu.memory_space<vmem>>, vector<1x16xf32>,
        %swap3A_1179 = vector.shape_cast %swap3A_1178 : vector<1x16xf32> to vector<16xf32>
        %swap3A_1180 = vector.shape_cast %add3A_1175 : vector<16xf32> to vector<1x16xf32>
        tpu.vector_store %arg9[%swap3A_1176, %swap3A_1177], %swap3A_1180 {strides = array<i32>} : memref<200x64xf32, #tpu.memory_space<vmem>>, vector<1x16xf32>,
        %get3A_1181 = arith.index_cast %add3A_1138 : i32 to index
        %get3A_1182 = arith.constant 0 : index
        %get3A_1183 = tpu.vector_load %arg9[%get3A_1181, %get3A_1182] {strides = array<i32>} : memref<200x64xf32, #tpu.memory_space<vmem>>, vector<1x16xf32>,
        %get3A_1184 = vector.shape_cast %get3A_1183 : vector<1x16xf32> to vector<16xf32>
        %mul3A_1185 = arith.mulf %get3A_1184, %div3A_947 : vector<16xf32>
        %add3A_1186 = arith.addf %mul3A_1185, %mul3A_951 : vector<16xf32>
        %swap3A_1187 = arith.index_cast %add3A_1138 : i32 to index
        %swap3A_1188 = arith.constant 0 : index
        %swap3A_1189 = tpu.vector_load %arg9[%swap3A_1187, %swap3A_1188] {strides = array<i32>} : memref<200x64xf32, #tpu.memory_space<vmem>>, vector<1x16xf32>,
        %swap3A_1190 = vector.shape_cast %swap3A_1189 : vector<1x16xf32> to vector<16xf32>
        %swap3A_1191 = vector.shape_cast %add3A_1186 : vector<16xf32> to vector<1x16xf32>
        tpu.vector_store %arg9[%swap3A_1187, %swap3A_1188], %swap3A_1191 {strides = array<i32>} : memref<200x64xf32, #tpu.memory_space<vmem>>, vector<1x16xf32>,
        %get3A_1192 = arith.index_cast %add3A_1138 : i32 to index
        %get3A_1193 = arith.constant 16 : index
        %get3A_1194 = tpu.vector_load %arg9[%get3A_1192, %get3A_1193] {strides = array<i32>} : memref<200x64xf32, #tpu.memory_space<vmem>>, vector<1x16xf32>,
        %get3A_1195 = vector.shape_cast %get3A_1194 : vector<1x16xf32> to vector<16xf32>
        %mul3A_1196 = arith.mulf %get3A_1195, %div3A_1002 : vector<16xf32>
        %add3A_1197 = arith.addf %mul3A_1196, %mul3A_1006 : vector<16xf32>
        %swap3A_1198 = arith.index_cast %add3A_1138 : i32 to index
        %swap3A_1199 = arith.constant 16 : index
        %swap3A_1200 = tpu.vector_load %arg9[%swap3A_1198, %swap3A_1199] {strides = array<i32>} : memref<200x64xf32, #tpu.memory_space<vmem>>, vector<1x16xf32>,
        %swap3A_1201 = vector.shape_cast %swap3A_1200 : vector<1x16xf32> to vector<16xf32>
        %swap3A_1202 = vector.shape_cast %add3A_1197 : vector<16xf32> to vector<1x16xf32>
        tpu.vector_store %arg9[%swap3A_1198, %swap3A_1199], %swap3A_1202 {strides = array<i32>} : memref<200x64xf32, #tpu.memory_space<vmem>>, vector<1x16xf32>,
        %get3A_1203 = arith.index_cast %add3A_1138 : i32 to index
        %get3A_1204 = arith.constant 32 : index
        %get3A_1205 = tpu.vector_load %arg9[%get3A_1203, %get3A_1204] {strides = array<i32>} : memref<200x64xf32, #tpu.memory_space<vmem>>, vector<1x16xf32>,
        %get3A_1206 = vector.shape_cast %get3A_1205 : vector<1x16xf32> to vector<16xf32>
        %mul3A_1207 = arith.mulf %get3A_1206, %div3A_1057 : vector<16xf32>
        %add3A_1208 = arith.addf %mul3A_1207, %mul3A_1061 : vector<16xf32>
        %swap3A_1209 = arith.index_cast %add3A_1138 : i32 to index
        %swap3A_1210 = arith.constant 32 : index
        %swap3A_1211 = tpu.vector_load %arg9[%swap3A_1209, %swap3A_1210] {strides = array<i32>} : memref<200x64xf32, #tpu.memory_space<vmem>>, vector<1x16xf32>,
        %swap3A_1212 = vector.shape_cast %swap3A_1211 : vector<1x16xf32> to vector<16xf32>
        %swap3A_1213 = vector.shape_cast %add3A_1208 : vector<16xf32> to vector<1x16xf32>
        tpu.vector_store %arg9[%swap3A_1209, %swap3A_1210], %swap3A_1213 {strides = array<i32>} : memref<200x64xf32, #tpu.memory_space<vmem>>, vector<1x16xf32>,
        %get3A_1214 = arith.index_cast %add3A_1138 : i32 to index
        %get3A_1215 = arith.constant 48 : index
        %get3A_1216 = tpu.vector_load %arg9[%get3A_1214, %get3A_1215] {strides = array<i32>} : memref<200x64xf32, #tpu.memory_space<vmem>>, vector<1x16xf32>,
        %get3A_1217 = vector.shape_cast %get3A_1216 : vector<1x16xf32> to vector<16xf32>
        %mul3A_1218 = arith.mulf %get3A_1217, %div3A_1112 : vector<16xf32>
        %add3A_1219 = arith.addf %mul3A_1218, %mul3A_1116 : vector<16xf32>
        %swap3A_1220 = arith.index_cast %add3A_1138 : i32 to index
        %swap3A_1221 = arith.constant 48 : index
        %swap3A_1222 = tpu.vector_load %arg9[%swap3A_1220, %swap3A_1221] {strides = array<i32>} : memref<200x64xf32, #tpu.memory_space<vmem>>, vector<1x16xf32>,
        %swap3A_1223 = vector.shape_cast %swap3A_1222 : vector<1x16xf32> to vector<16xf32>
        %swap3A_1224 = vector.shape_cast %add3A_1219 : vector<16xf32> to vector<1x16xf32>
        tpu.vector_store %arg9[%swap3A_1220, %swap3A_1221], %swap3A_1224 {strides = array<i32>} : memref<200x64xf32, #tpu.memory_space<vmem>>, vector<1x16xf32>,
      }
      %scan3A_1122 = arith.constant 100 : i32
      %add3A_1123 = arith.constant 3 : i32
      %add3A_1124 = arith.addi %add3A_98, %add3A_1123 : i32
      %add3A_1125 = arith.addi %mul3A_2, %add3A_1124 : i32
      %dma_start3A_1126 = arith.constant 0 : i32
      %dma_start3A_1127 = arith.constant 0 : i32
      %dma_start3A_1128 = tpu.memref_slice %arg4[%add3A_1125, %dma_start3A_1126, %dma_start3A_1127] : memref<4096x200x64xf32, #tpu.memory_space<hbm>> -> memref<1x200x64xf32, #tpu.memory_space<hbm>>
      %dma_start3A_1129 = tpu.memref_squeeze %dma_start3A_1128 : memref<1x200x64xf32, #tpu.memory_space<hbm>> -> memref<200x64xf32, #tpu.memory_space<hbm>>
      %dma_start3A_1130 = arith.constant 0 : i32
      %dma_start3A_1131 = arith.constant 0 : i32
      %dma_start3A_1132 = tpu.memref_slice %arg4[%add3A_1125, %dma_start3A_1130, %dma_start3A_1131] : memref<4096x200x64xf32, #tpu.memory_space<hbm>> -> memref<1x200x64xf32, #tpu.memory_space<hbm>>
      %dma_start3A_1133 = tpu.memref_squeeze %dma_start3A_1132 : memref<1x200x64xf32, #tpu.memory_space<hbm>> -> memref<200x64xf32, #tpu.memory_space<hbm>>
      tpu.enqueue_dma source(%arg9 : memref<200x64xf32, #tpu.memory_space<vmem>>) target(%dma_start3A_1133 : memref<200x64xf32, #tpu.memory_space<hbm>>) target_semaphore(%arg17 : memref<!tpu.dma_semaphore, #tpu.memory_space<semaphore_mem>>)
    }
    %scan3A_58 = arith.constant 32 : i32
    %dma_wait3A = arith.constant 0 : i32
    %dma_wait3A_59 = arith.constant 0 : i32
    %dma_wait3A_60 = arith.constant 0 : i32
    %dma_wait3A_61 = tpu.memref_slice %arg4[%dma_wait3A, %dma_wait3A_59, %dma_wait3A_60] : memref<4096x200x64xf32, #tpu.memory_space<hbm>> -> memref<1x200x64xf32, #tpu.memory_space<hbm>>
    %dma_wait3A_62 = tpu.memref_squeeze %dma_wait3A_61 : memref<1x200x64xf32, #tpu.memory_space<hbm>> -> memref<200x64xf32, #tpu.memory_space<hbm>>
    %dma_wait3A_63 = arith.constant 0 : i32
    %dma_wait3A_64 = arith.constant 0 : i32
    %dma_wait3A_65 = tpu.memref_slice %arg4[%dma_wait3A, %dma_wait3A_63, %dma_wait3A_64] : memref<4096x200x64xf32, #tpu.memory_space<hbm>> -> memref<1x200x64xf32, #tpu.memory_space<hbm>>
    %dma_wait3A_66 = tpu.memref_squeeze %dma_wait3A_65 : memref<1x200x64xf32, #tpu.memory_space<hbm>> -> memref<200x64xf32, #tpu.memory_space<hbm>>
    tpu.wait_dma2 semaphore(%arg14 : memref<!tpu.dma_semaphore, #tpu.memory_space<semaphore_mem>>) src(%arg6 : memref<200x64xf32, #tpu.memory_space<vmem>>) dst(%dma_wait3A_66 : memref<200x64xf32, #tpu.memory_space<hbm>>)
    %dma_wait3A_67 = arith.constant 0 : i32
    %dma_wait3A_68 = arith.constant 0 : i32
    %dma_wait3A_69 = arith.constant 0 : i32
    %dma_wait3A_70 = tpu.memref_slice %arg4[%dma_wait3A_67, %dma_wait3A_68, %dma_wait3A_69] : memref<4096x200x64xf32, #tpu.memory_space<hbm>> -> memref<1x200x64xf32, #tpu.memory_space<hbm>>
    %dma_wait3A_71 = tpu.memref_squeeze %dma_wait3A_70 : memref<1x200x64xf32, #tpu.memory_space<hbm>> -> memref<200x64xf32, #tpu.memory_space<hbm>>
    %dma_wait3A_72 = arith.constant 0 : i32
    %dma_wait3A_73 = arith.constant 0 : i32
    %dma_wait3A_74 = tpu.memref_slice %arg4[%dma_wait3A_67, %dma_wait3A_72, %dma_wait3A_73] : memref<4096x200x64xf32, #tpu.memory_space<hbm>> -> memref<1x200x64xf32, #tpu.memory_space<hbm>>
    %dma_wait3A_75 = tpu.memref_squeeze %dma_wait3A_74 : memref<1x200x64xf32, #tpu.memory_space<hbm>> -> memref<200x64xf32, #tpu.memory_space<hbm>>
    tpu.wait_dma2 semaphore(%arg15 : memref<!tpu.dma_semaphore, #tpu.memory_space<semaphore_mem>>) src(%arg7 : memref<200x64xf32, #tpu.memory_space<vmem>>) dst(%dma_wait3A_75 : memref<200x64xf32, #tpu.memory_space<hbm>>)
    %dma_wait3A_76 = arith.constant 0 : i32
    %dma_wait3A_77 = arith.constant 0 : i32
    %dma_wait3A_78 = arith.constant 0 : i32
    %dma_wait3A_79 = tpu.memref_slice %arg4[%dma_wait3A_76, %dma_wait3A_77, %dma_wait3A_78] : memref<4096x200x64xf32, #tpu.memory_space<hbm>> -> memref<1x200x64xf32, #tpu.memory_space<hbm>>
    %dma_wait3A_80 = tpu.memref_squeeze %dma_wait3A_79 : memref<1x200x64xf32, #tpu.memory_space<hbm>> -> memref<200x64xf32, #tpu.memory_space<hbm>>
    %dma_wait3A_81 = arith.constant 0 : i32
    %dma_wait3A_82 = arith.constant 0 : i32
    %dma_wait3A_83 = tpu.memref_slice %arg4[%dma_wait3A_76, %dma_wait3A_81, %dma_wait3A_82] : memref<4096x200x64xf32, #tpu.memory_space<hbm>> -> memref<1x200x64xf32, #tpu.memory_space<hbm>>
    %dma_wait3A_84 = tpu.memref_squeeze %dma_wait3A_83 : memref<1x200x64xf32, #tpu.memory_space<hbm>> -> memref<200x64xf32, #tpu.memory_space<hbm>>
    tpu.wait_dma2 semaphore(%arg16 : memref<!tpu.dma_semaphore, #tpu.memory_space<semaphore_mem>>) src(%arg8 : memref<200x64xf32, #tpu.memory_space<vmem>>) dst(%dma_wait3A_84 : memref<200x64xf32, #tpu.memory_space<hbm>>)
    %dma_wait3A_85 = arith.constant 0 : i32
    %dma_wait3A_86 = arith.constant 0 : i32
    %dma_wait3A_87 = arith.constant 0 : i32
    %dma_wait3A_88 = tpu.memref_slice %arg4[%dma_wait3A_85, %dma_wait3A_86, %dma_wait3A_87] : memref<4096x200x64xf32, #tpu.memory_space<hbm>> -> memref<1x200x64xf32, #tpu.memory_space<hbm>>
    %dma_wait3A_89 = tpu.memref_squeeze %dma_wait3A_88 : memref<1x200x64xf32, #tpu.memory_space<hbm>> -> memref<200x64xf32, #tpu.memory_space<hbm>>
    %dma_wait3A_90 = arith.constant 0 : i32
    %dma_wait3A_91 = arith.constant 0 : i32
    %dma_wait3A_92 = tpu.memref_slice %arg4[%dma_wait3A_85, %dma_wait3A_90, %dma_wait3A_91] : memref<4096x200x64xf32, #tpu.memory_space<hbm>> -> memref<1x200x64xf32, #tpu.memory_space<hbm>>
    %dma_wait3A_93 = tpu.memref_squeeze %dma_wait3A_92 : memref<1x200x64xf32, #tpu.memory_space<hbm>> -> memref<200x64xf32, #tpu.memory_space<hbm>>
    tpu.wait_dma2 semaphore(%arg17 : memref<!tpu.dma_semaphore, #tpu.memory_space<semaphore_mem>>) src(%arg9 : memref<200x64xf32, #tpu.memory_space<vmem>>) dst(%dma_wait3A_93 : memref<200x64xf32, #tpu.memory_space<hbm>>)
    return
  }
}

</mosaic_0001>

<sc_bundles>
// kernel: kernel.3.cloned.1.call-start
scs
__scs_entry_jumppad:
0x0: {  	(pc) =	sbr.rel $0x88, $3  }
0x1: {  	(tag) =	ssettag $0x0;
	lr =	simm.s32 $0x1  }
0x2: {  	[smem:$0x3F9F] =	sst lr;
	_ =	strace $0xD0000000  }
0x3: {  	_ = 	snop  }
0x4: {  	_ = 	snop  }
0x5: {  	_ = 	snop  }
0x6: {  	_ = 	snop  }
0x7: {  	_ = 	snop  }
__scs_overlays_trampoline_lowered:
0x8: {  	[smem:$0x3FAE] =	sst s0  }
0x9: {  	[smem:$0x3FAF] =	sst s1  }
0xa: {  	[smem:$0x3FB0] =	sst s2  }
0xb: {  	[smem:$0x3FB1] =	sst s3  }
0xc: {  	[smem:$0x3FB2] =	sst s4  }
0xd: {  	[smem:$0x3FB3] =	sst s5  }
0xe: {  	[smem:$0x3FB4] =	sst s6  }
0xf: {  	[smem:$0x3FB5] =	sst s7  }
0x10: {  	[smem:$0x3FB6] =	sst s8  }
0x11: {  	[smem:$0x3FB7] =	sst s9;
	s0 =	simm.s32 @!p0 $0x0  }
0x12: {  	s1 =	sld [smem:$0x3F9D];
	s0 =	simm.s32 @p0 $0x1  }
0x13: {  	[smem:$0x3FB8] =	sst s0;
	s0 =	simm.s32 @!p1 $0x0  }
0x14: {  	s2 =	sld [smem:$0x3F9C];
	s0 =	simm.s32 @p1 $0x1  }
0x15: {  	[smem:$0x3FB9] =	sst s0;
	s0 =	simm.s32 @!p2 $0x0  }
0x16: {  	s3 =	sld [smem:$0x3FDB];
	s0 =	simm.s32 @p2 $0x1  }
0x17: {  	s4 =	simm.s32 $0x1BF5;
	[smem:$0x3FBB] =	sst s0  }
0x18: {  	s0 =	sld [smem:$0x3F9E];
	_ =	swait.ge [sflag:s4], $0x0  }
0x19: {  	s7 =	sld [smem:$0x3F9F]  }
0x1a: {  	s8 =	sadd.s32 $0xFFFFE003, lr  }
0x1b: {  	s9 =	sadd.s32 $0xFFFFFEF7, lr;
	s5 =	simm.s32 $0xFFFFFFFF;
	p2 =	slt.u32 s8, $0xFFFFF086  }
0x1c: {  	p1 =	slt.u32 s9, $0xF7A;
	s5 =	simm.s32 @!p2 $0x0  }
0x1d: {  	s5 =	simm.s32 @p1 $0x1;
	p0 =	seq.s32 s7, s2  }
0x1e: {  	s7 =	smul.u32 @!p0 $0xF7A, s2;
	p2 =	seq.s32 @!p0 s5, $0x0  }
0x1f: {  	s9 =	smul.u32 $0xF7A, s1;
	s8 =	simm.s32 @!p0 $0x1BF5;
	p2 =	por !p2, p0  }
0x20: {  	[sflag:s8] =	ssyncset.s32 @!p0 $0xFFFFF086;
	s6 =	sadd.s32 @!p0 s3, s7;
	s7 =	simm.s32 @!p0 $0x108  }
0x21: {  	s3 =	sadd.s32 s3, s9;
	s6 =	sadd.s32 @!p0 $0x88, s6;
	s7 =	simm.s32 @p2 $0x1082  }
0x22: {  	[simem:s7], [sflag:s8] =	dma.local @!p0 [hbm:s6], $0xF7A  }
0x23: {  	s9 =	sor.u32 $0xD0000000, s2;
	s6 =	simm.s32 $0x108;
	_ =	swait.ge @!p0 [sflag:s8], $0x0  }
0x24: {  	s3 =	sadd.s32 $0x88, s3;
	s6 =	simm.s32 @!p1 $0x1082;
	[sflag:s4] =	ssyncset.s32 $0xFFFFF086  }
0x25: {  	[simem:s6], [sflag:s4] =	dma.local [hbm:s3], $0xF7A  }
0x26: {  	[smem:$0x3F9F] =	sst s1;
	(tag) =	ssettag s2;
	_ =	strace s9  }
0x27: {  	s1 =	sld [smem:$0x3FAF]  }
0x28: {  	s2 =	sld [smem:$0x3FB0]  }
0x29: {  	s4 =	sld [smem:$0x3FB2]  }
0x2a: {  	p0 =	seq.s32 s5, $0x0;
	s5 =	sld [smem:$0x3FB3]  }
0x2b: {  	s6 =	sld [smem:$0x3FB4]  }
0x2c: {  	s7 =	sld [smem:$0x3FB5]  }
0x2d: {  	s3 =	simm.s32 $0x108;
	s8 =	sld [smem:$0x3FB6]  }
0x2e: {  	s3 =	simm.s32 @!p0 $0x1082;
	s9 =	sld [smem:$0x3FB7]  }
0x2f: {  	lr =	sadd.s32 s0, s3;
	s0 =	sld [smem:$0x3FAE]  }
0x30: {  	s3 =	sld [smem:$0x3FB1]  }
0x31: {  	[smem:$0x3FBA] =	sst s10  }
0x32: {  	s10 =	sld [smem:$0x3FB8];
	_ =	sdelay $0x3  }
0x33: {  	p0 =	seq.s32 s10, $0x1;
	s10 =	sld [smem:$0x3FBA];
	_ =	sdelay $0x3  }
0x34: {  	[smem:$0x3FBA] =	sst s10  }
0x35: {  	s10 =	sld [smem:$0x3FB9];
	_ =	sdelay $0x3  }
0x36: {  	p1 =	seq.s32 s10, $0x1;
	s10 =	sld [smem:$0x3FBA];
	_ =	sdelay $0x3  }
0x37: {  	[smem:$0x3FBA] =	sst s10  }
0x38: {  	s10 =	sld [smem:$0x3FBB]  }
0x39: {  	_ = 	snop;
	(pc) =	sbr.ind lr, $3  }
0x3a: {  	_ = 	snop  }
0x3b: {  	_ = 	snop  }
0x3c: {  	p2 =	seq.s32 s10, $0x1;
	s10 =	sld [smem:$0x3FBA]  }
0x3d: {  	_ =	shalt  }
0x3e: {  	_ =	shalt  }
0x3f: {  	_ =	shalt  }
0x40: {  	_ =	shalt  }
0x41: {  	_ =	shalt  }
0x42: {  	_ =	shalt  }
0x43: {  	_ =	shalt  }
0x44: {  	_ =	shalt  }
0x45: {  	_ =	shalt  }
0x46: {  	_ =	shalt  }
0x47: {  	_ =	shalt  }
0x48: {  	_ =	shalt  }
0x49: {  	_ =	shalt  }
0x4a: {  	_ =	shalt  }
0x4b: {  	_ =	shalt  }
0x4c: {  	_ =	shalt  }
0x4d: {  	_ =	shalt  }
0x4e: {  	_ =	shalt  }
0x4f: {  	_ =	shalt  }
0x50: {  	_ =	shalt  }
0x51: {  	_ =	shalt  }
0x52: {  	_ =	shalt  }
0x53: {  	_ =	shalt  }
0x54: {  	_ =	shalt  }
0x55: {  	_ =	shalt  }
0x56: {  	_ =	shalt  }
0x57: {  	_ =	shalt  }
0x58: {  	_ =	shalt  }
0x59: {  	_ =	shalt  }
0x5a: {  	_ =	shalt  }
0x5b: {  	_ =	shalt  }
0x5c: {  	_ =	shalt  }
0x5d: {  	_ =	shalt  }
0x5e: {  	_ =	shalt  }
0x5f: {  	_ =	shalt  }
0x60: {  	_ =	shalt  }
0x61: {  	_ =	shalt  }
0x62: {  	_ =	shalt  }
0x63: {  	_ =	shalt  }
0x64: {  	_ =	shalt  }
0x65: {  	_ =	shalt  }
0x66: {  	_ =	shalt  }
0x67: {  	_ =	shalt  }
0x68: {  	_ =	shalt  }
0x69: {  	_ =	shalt  }
0x6a: {  	_ =	shalt  }
0x6b: {  	_ =	shalt  }
0x6c: {  	_ =	shalt  }
0x6d: {  	_ =	shalt  }
0x6e: {  	_ =	shalt  }
0x6f: {  	_ =	shalt  }
0x70: {  	_ =	shalt  }
0x71: {  	_ =	shalt  }
0x72: {  	_ =	shalt  }
0x73: {  	_ =	shalt  }
0x74: {  	_ =	shalt  }
0x75: {  	_ =	shalt  }
0x76: {  	_ =	shalt  }
0x77: {  	_ =	shalt  }
0x78: {  	_ =	shalt  }
0x79: {  	_ =	shalt  }
0x7a: {  	_ =	shalt  }
0x7b: {  	_ =	shalt  }
0x7c: {  	_ =	shalt  }
0x7d: {  	_ =	shalt  }
0x7e: {  	_ =	shalt  }
0x7f: {  	_ =	shalt  }
0x80: {  	_ =	shalt  }
0x81: {  	_ =	shalt  }
0x82: {  	_ =	shalt  }
0x83: {  	_ =	shalt  }
0x84: {  	_ =	shalt  }
0x85: {  	_ =	shalt  }
0x86: {  	_ =	shalt  }
0x87: {  	_ =	shalt  }
.Lfunc_end0:
.L_simem_size_0:
called_computation.1_lowered:
.L_overlay_start_0:
0x88: {  	s2 =	sld [smem:$0x3FD9]  }
0x89: {  	s3 =	sld [smem:$0x3FFE];
	_ =	sdelay $0x1  }
0x8a: {  	s1 =	srdreg.scid  }
0x8b: {  	s0 =	sand.u32 $0x1, s1  }
0x8c: {  	s17 =	sshll.u32 s0, $0xA;
	s2 =	sadd.s32 s3, s2  }
0x8d: {  	s2 =	sadd.s32 s2, s17  }
0x8e: {  	[smem:$0x3FC6] =	sst s2  }
0x8f: {  	_ = 	snop  }
0x90: {  	s2 =	sld [smem:$0x3FD0];
	(tm) =	ssettm $0x1  }
0x91: {  	s18 =	sld [smem:$0x3FFB];
	_ =	sdelay $0x3  }
0x92: {  	_ =	strace s18  }
0x93: {  	s3 =	sld [smem:$0x3FFC];
	_ =	sdelay $0x3  }
0x94: {  	_ =	strace s3  }
0x95: {  	s3 =	sld [smem:$0x3FFD];
	_ =	sdelay $0x3  }
0x96: {  	_ =	strace s3  }
0x97: {  	_ =	strace $0x8FFFFFFF  }
0x98: {  	s19 =	sld [smem:$0x3FDB];
	_ =	sdelay $0x1  }
0x99: {  	s4 =	simm.s32 $_scs_section_size  }
0x9a: {  	s5 =	simm.s32 $_size__tile_overlayer_lowered;
	s6 =	simm.s32 $_tile_overlayer_lowered  }
0x9b: {  	s22 =	simm.s32 $0x1BFF;
	s21 =	sshll.u32 s6, $0x1;
	s3 =	sadd.s32 s4, s19  }
0x9c: {  	s7 =	simm.s32 $0x0;
	s20 =	sshll.u32 s5, $0x1;
	s5 =	sadd.s32 s21, s3  }
0x9d: {  	[timem:s7], [sflag:s22] =	dma.local [hbm:s5], s20  }
0x9e: {  	_ =	swait.ge [sflag:s22], s20  }
0x9f: {  	s4 =	ssub.s32 $0x0, s20;
	[sflag:s22] =	ssyncset.done $0x0  }
0xa0: {  	[sflag:s22] =	ssyncadd.s32 s4;
	_ =	sdelay $0x1  }
0xa1: {  	s23 =	simm.s32 $0x1B8B  }
0xa2: {  	_ =	swait.ge [sflag:s23], $0x1  }
0xa3: {  	[sflag:s23] =	ssyncset.done $0x0  }
0xa4: {  	s25 =	simm.s32 $0x1B8E;
	s24 =	sld [smem:$0x3FFE];
	[sflag:s23] =	ssyncadd.s32 $0xFFFFFFFF  }
0xa5: {  	s26 =	simm.s32 $execute0_lowered;
	[smem:$0x3FD2] =	sst s25  }
0xa6: {  	s5 =	sshll.u32 s26, $0x1;
	_ =	strace $0x80000046;
	[dreg:$0x1] =	wrdreg $0xFFFFFFFF  }
0xa7: {  	s28 =	simm.s32 $_size_execute0_lowered;
	s3 =	sadd.s32 s3, s5;
	[dreg:$0x0] =	wrdreg $0x0  }
0xa8: {  	s5 =	sshll.u32 s28, $0x1;
	[dreg:$0x2] =	wrdreg s3  }
0xa9: {  	[dreg:$0x3] =	wrdreg s5  }
0xaa: {  	[dreg:$0x4] =	wrdreg $0xC0  }
0xab: {  	_ =	task [dreg:s7], $0x5FFFF  }
0xac: {  	[dreg:$0x1] =	wrdreg $0xFFFFFFFF  }
0xad: {  	[dreg:$0x0] =	wrdreg $0x60  }
0xae: {  	[dreg:$0x2] =	wrdreg s24  }
0xaf: {  	[dreg:$0x3] =	wrdreg s2  }
0xb0: {  	[dreg:$0x4] =	wrdreg $0x9  }
0xb1: {  	_ =	task.clear_ibuf [dreg:s7], $0x5FFFF;
	_ =	strace $0x90000046  }
0xb2: {  	s29 =	simm.s32 $0x9;
	_ =	strace $0x80000048  }
0xb3: {  	_ =	swait.ge [sflag:s29], $0x1  }
0xb4: {  	[sflag:s29] =	ssyncadd.s32 $0xFFFFFFFF  }
0xb5: {  	_ =	strace $0x90000048  }
0xb6: {  	_ =	sfence  }
0xb7: {  	s30 =	sld [smem:$0x0];
	_ =	sdelay $0x2  }
0xb8: {  	s31 =	sshll.u32 s1, $0xD;
	s1 =	sshrl.u32 s1, $0x2  }
0xb9: {  	s3 =	sand.u32 $0x4000, s31;
	s1 =	sadd.s32 s1, s30  }
0xba: {  	s0 =	sor.u32 s3, s0;
	s1 =	sshll.u32 s1, $0x11  }
0xbb: {  	s0 =	sor.u32 s1, s0  }
0xbc: {  	s0 =	sadd.s32 $0x8F2B, s0  }
0xbd: {  	[sflag:s0] =	ssyncadd.remote.s32 $0x1  }
0xbe: {  	_ =	sfence.sel $0xFFFF  }
0xbf: {  	[dreg:$0x0] =	wrdreg $0xFFFFFFFF;
	(pc) =	sbr.abs _section_cstart, $3  }
0xc0: {  	[dreg:$0x1] =	wrdreg $0xFFFFFFFF  }
0xc1: {  	_ =	task.clear_ibuf [dreg:s7], $0x2FFFF;
	_ =	strace $0x9FFFFFFF  }
0xc2: {  	(tm) =	ssettm $0x7FFFFFFF  }
0xc3: {  	_ =	shalt  }
tec
execute0_lowered:
.L_overlay_start_1:
0x0: {  	(tag) =	ssettag $0x1  }
0x1: {  	s0 =	rddreg [dreg:$0x0];
	s1 =	srdreg.scid  }
0x2: {  	s3 =	stileid.u32;
	s2 =	rddreg [dreg:$0x1]  }
0x3: {  	s8 =	simm.s32 $0x9;
	s9 =	simm.s32 $0x80;
	s10 =	simm.s32 $0x6400  }
0x4: {  	s11 =	simm.s32 $0x48;
	s14 =	simm.s32 $0x9600;
	s18 =	simm.s32 $0xC800  }
0x5: {  	s20 =	simm.s32 $0xE800;
	s21 =	simm.s32 $0xFA00;
	s22 =	simm.s32 $0x11A00  }
0x6: {  	s23 =	simm.s32 $0x1;
	s24 =	simm.s32 $0x2;
	s25 =	simm.s32 $0x3  }
0x7: {  	s28 =	simm.s32 $0x5;
	s29 =	simm.s32 $0x6;
	s30 =	simm.s32 $0x7  }
0x8: {  	s31 =	simm.s32 $0x8;
	s1 =	sand.u32 $0x1, s1;
	s4 =	sshll.u32 s3, $0x1  }
0x9: {  	s3 =	simm.s32 $0x0;
	s5 =	sor.u32 s1, s4;
	s1 =	ssub.s32 $0x2, s1  }
0xa: {  	[smem:$0x7FF] =	sst s3;
	s4 =	smul.u32 $0xC80, s5;
	s6 =	sshrl.u32 s1, $0x1  }
0xb: {  	_ =	strace $0x80000047;
	s5 =	sshll.u32 s5, $0x7;
	s26 =	ssub.s32 s1, s6  }
0xc: {  	s1 =	simm.s32 $0x0;
	s7 =	sadd.s32 s4, s0;
	s4 =	sadd.s32 $0xF42E00, s0  }
0xd: {  	s6 =	sadd.s32 $0xA00, s7;
	s7 =	smax.u32 s26, $0x1;
	s26 =	simm.s32 $0x4  }
.LBB2_1:
0xe: {  	[tilespmem:s3], [sflag:$0x9] =	stream.linear.gather [hbm4b:s6+s3], $0x6400, $0x38;
	[tilespmem:$0x12C00] =	vst v63  }
0xf: {  	_ =	swait.ge [sflag:s8], $0x6400  }
0x10: {  	[sflag:s8] =	ssyncset.done $0x0  }
0x11: {  	[sflag:s8] =	ssyncadd.s32 $0xFFFF9C00  }
0x12: {  	[tilespmem:s10], [sflag:$0x1] =	stream.indirect.gather [hbm4b:s4+s9], $0x40, s3, s9, $0xb8;
	[tilespmem:$0x12C00] =	vst v63  }
0x13: {  	s0 =	simm.s32 $0x8400  }
0x14: {  	[tilespmem:s0], [sflag:$0x1] =	stream.indirect.gather [hbm4b:s4+s11], $0x40, s9, s11, $0xb8;
	[tilespmem:$0x12C00] =	vst v63  }
0x15: {  	s15 =	simm.s32 $0xC8  }
0x16: {  	[tilespmem:s14], [sflag:$0x2] =	stream.indirect.gather [hbm4b:s4+s9], $0x40, s15, s9, $0xb8;
	[tilespmem:$0x12C00] =	vst v63  }
0x17: {  	s16 =	simm.s32 $0x148;
	s12 =	simm.s32 $0xB600  }
0x18: {  	[tilespmem:s12], [sflag:$0x2] =	stream.indirect.gather [hbm4b:s4+s11], $0x40, s16, s11, $0xb8;
	[tilespmem:$0x12C00] =	vst v63  }
0x19: {  	s17 =	simm.s32 $0x190  }
0x1a: {  	[tilespmem:s18], [sflag:$0x3] =	stream.indirect.gather [hbm4b:s4+s9], $0x40, s17, s9, $0xb8;
	[tilespmem:$0x12C00] =	vst v63  }
0x1b: {  	s19 =	simm.s32 $0x210;
	s0 =	simm.s32 $0x0  }
0x1c: {  	[tilespmem:s20], [sflag:$0x3] =	stream.indirect.gather [hbm4b:s4+s11], $0x40, s19, s11, $0xb8;
	[tilespmem:$0x12C00] =	vst v63  }
.LBB2_2:
0x1d: {  	p0 =	seq.s32 s0, $0x0  }
0x1e: {  	s12 =	sshllo.u32 s0, $0x2;
	s13 =	simm.s32 @!p0 $0x8  }
0x1f: {  	s15 =	smul.u32 $0x320, s12;
	_ =	swait.ge @!p0 [sflag:s13], $0x3200  }
0x20: {  	[sflag:s13] =	ssyncset.done @!p0 $0x0  }
0x21: {  	s17 =	sshra.s32 s15, $0x2;
	[sflag:s13] =	ssyncadd.s32 @!p0 $0xFFFFCE00  }
0x22: {  	[tilespmem:s21], [sflag:$0x4] =	stream.indirect.gather [hbm4b:s4+s9], $0x40, s17, s9, $0xb8;
	[tilespmem:$0x12C00] =	vst v63  }
0x23: {  	s13 =	sadd.s32 $0x80, s17  }
0x24: {  	[tilespmem:s22], [sflag:$0x4] =	stream.indirect.gather [hbm4b:s4+s11], $0x40, s13, s11, $0xb8;
	[tilespmem:$0x12C00] =	vst v63  }
0x25: {  	_ =	swait.ge [sflag:s23], $0x3200  }
0x26: {  	[sflag:s23] =	ssyncset.done $0x0  }
0x27: {  	s19 =	simm.s32 $0x0;
	[sflag:s23] =	ssyncadd.s32 $0xFFFFCE00  }
0x28: {  	v1 =	vld [tilespmem:s19+$0x6400]  }
0x29: {  	v2 =	vld [tilespmem:s19+$0x6410]  }
0x2a: {  	v3 =	vld [tilespmem:s19+$0x6440]  }
0x2b: {  	v11 =	vld [tilespmem:s19+$0x6420]  }
0x2c: {  	v4 =	vld [tilespmem:s19+$0x6450]  }
0x2d: {  	v14 =	vld [tilespmem:s19+$0x6430]  }
0x2e: {  	v16 =	vimm.f32 $0.0e+00;
	v0 =	vld [tilespmem:s19+$0x6460];
	v5 =	vmul.f32 v1, v1;
	v7 =	vmul.f32 v2, v2  }
0x2f: {  	s13 =	simm.s32 $0x80;
	v6 =	vld [tilespmem:s19+$0x6470];
	v8 =	vadd.f32 v1, v16;
	v12 =	vmul.f32 v3, v3;
	v2 =	vadd.f32 v2, v16  }
0x30: {  	v15 =	vmul.f32 v11, v11;
	v11 =	vadd.f32 v11, v16;
	v9 =	vadd.f32 v5, v16;
	v5 =	vld [tilespmem:s13+$0x6400]  }
0x31: {  	v13 =	vmul.f32 v4, v4;
	v1 =	vld [tilespmem:s13+$0x6410];
	v7 =	vadd.f32 v7, v16;
	v10 =	vadd.f32 v3, v8  }
0x32: {  	v17 =	vmul.f32 v14, v14;
	v3 =	vld [tilespmem:s13+$0x6440];
	v8 =	vadd.f32 v4, v2;
	v9 =	vadd.f32 v12, v9  }
0x33: {  	v2 =	vld [tilespmem:s13+$0x6450];
	v7 =	vadd.f32 v13, v7;
	v12 =	vadd.f32 v15, v16;
	v13 =	vmul.f32 v0, v0  }
0x34: {  	s16 =	simm.s32 $0x400;
	s15 =	sshll.u32 s0, $0x2;
	v4 =	vld [tilespmem:s13+$0x6420];
	v15 =	vadd.f32 v14, v16;
	v14 =	vadd.f32 v17, v16;
	v16 =	vmul.f32 v6, v6  }
.LBB2_3:
0x35: {  	p0 =	sne.s32 s16, $0xC600;
	v17 =	vmul.f32 v5, v5;
	v18 =	vld [tilespmem:s13+$0x6430];
	v11 =	vadd.f32 v0, v11;
	v12 =	vadd.f32 v13, v12  }
0x36: {  	v13 =	vmul.f32 v1, v1;
	v0 =	vld [tilespmem:s13+$0x6460];
	v15 =	vadd.f32 v6, v15;
	v14 =	vadd.f32 v16, v14  }
0x37: {  	v10 =	vadd.f32 v5, v10;
	v9 =	vadd.f32 v17, v9;
	v16 =	vmul.f32 v3, v3;
	v6 =	vld [tilespmem:s13+$0x6470];
	s13 =	sshra.s32 s16, $0x2  }
.Ltmp0:
0x38: {  	v8 =	vadd.f32 v1, v8;
	v5 =	vld [tilespmem:s13+$0x6400];
	v7 =	vadd.f32 v13, v7;
	v13 =	vmul.f32 v2, v2;
	(pc) =	sbr.rel @p0 .LBB2_3-.Ltmp0, $4  }
0x39: {  	v10 =	vadd.f32 v3, v10;
	v1 =	vld [tilespmem:s13+$0x6410];
	v17 =	vmul.f32 v4, v4;
	v9 =	vadd.f32 v16, v9  }
0x3a: {  	v8 =	vadd.f32 v2, v8;
	v3 =	vld [tilespmem:s13+$0x6440];
	v16 =	vmul.f32 v18, v18;
	v7 =	vadd.f32 v13, v7  }
0x3b: {  	v11 =	vadd.f32 v4, v11;
	v2 =	vld [tilespmem:s13+$0x6450];
	v12 =	vadd.f32 v17, v12;
	v13 =	vmul.f32 v0, v0  }
0x3c: {  	s16 =	sadd.s32 $0x200, s16;
	v15 =	vadd.f32 v18, v15;
	v4 =	vld [tilespmem:s13+$0x6420];
	v14 =	vadd.f32 v16, v14;
	v16 =	vmul.f32 v6, v6  }
0x3d: {  	v0 =	vadd.f32 v0, v11;
	v11 =	vadd.f32 v13, v12  }
0x3e: {  	v17 =	vmul.f32 v5, v5;
	v12 =	vld [tilespmem:s13+$0x6430];
	v5 =	vadd.f32 v5, v10;
	v6 =	vadd.f32 v6, v15  }
0x3f: {  	v10 =	vmul.f32 v1, v1;
	v13 =	vadd.f32 v16, v14;
	v1 =	vadd.f32 v1, v8  }
0x40: {  	v14 =	vld [tilespmem:s13+$0x6460];
	v9 =	vadd.f32 v17, v9;
	v15 =	vmul.f32 v3, v3;
	v3 =	vadd.f32 v3, v5  }
0x41: {  	v5 =	vld [tilespmem:s13+$0x6470];
	v7 =	vadd.f32 v10, v7;
	v8 =	vmul.f32 v2, v2;
	v1 =	vadd.f32 v2, v1  }
0x42: {  	v10 =	vmul.f32 v4, v4;
	v9 =	vadd.f32 v15, v9;
	v2 =	vmul.f32 $4.999999890e-03, v3  }
0x43: {  	v0 =	vadd.f32 v4, v0;
	v15 =	vmul.f32 v12, v12;
	v7 =	vadd.f32 v8, v7  }
0x44: {  	v4 =	vadd.f32 v12, v6;
	v6 =	vmul.f32 $4.999999890e-03, v1;
	v3 =	vmul.f32 v2, v3  }
0x45: {  	v8 =	vadd.f32 v10, v11;
	v10 =	vmul.f32 v14, v14;
	v0 =	vadd.f32 v14, v0  }
0x46: {  	v4 =	vadd.f32 v5, v4;
	v1 =	vmul.f32 v6, v1;
	v3 =	vsub.f32 v9, v3  }
0x47: {  	v5 =	vmul.f32 v5, v5;
	v9 =	vadd.f32 v15, v13;
	v11 =	vmul.f32 $4.999999890e-03, v0  }
0x48: {  	v1 =	vsub.f32 v7, v1;
	v7 =	vmul.f32 $4.999999890e-03, v4;
	v3 =	vmul.f32 $5.025125570e-03, v3  }
0x49: {  	v8 =	vadd.f32 v10, v8;
	v5 =	vadd.f32 v5, v9;
	v0 =	vmul.f32 v11, v0  }
0x4a: {  	v1 =	vmul.f32 $5.025125570e-03, v1;
	v4 =	vmul.f32 v7, v4;
	v3 =	vmax.f32 v3, $0.0e+00  }
0x4b: {  	v0 =	vsub.f32 v8, v0;
	v9 =	vshrl.u32 v3, $0x1  }
0x4c: {  	v8 =	vmul.f32 $5.000000000e-01, v3;
	v1 =	vmax.f32 v1, $0.0e+00;
	v4 =	vsub.f32 v5, v4  }
0x4d: {  	v5 =	vshrl.u32 v1, $0x1;
	v10 =	vmul.f32 $5.000000000e-01, v1;
	v0 =	vmul.f32 $5.025125570e-03, v0  }
0x4e: {  	v9 =	vsub.s32 $0x5F3759DF, v9;
	v5 =	vsub.s32 $0x5F3759DF, v5;
	v4 =	vmul.f32 $5.025125570e-03, v4  }
0x4f: {  	v12 =	vmul.f32 v9, v8;
	v13 =	vmul.f32 v5, v10;
	v0 =	vmax.f32 v0, $0.0e+00  }
0x50: {  	v14 =	vshrl.u32 v0, $0x1;
	v15 =	vmul.f32 $5.000000000e-01, v0;
	v4 =	vmax.f32 v4, $0.0e+00  }
0x51: {  	v14 =	vsub.s32 $0x5F3759DF, v14;
	v57 =	vshrl.u32 v4, $0x1;
	v58 =	vmul.f32 $5.000000000e-01, v4  }
0x52: {  	v12 =	vmul.f32 v9, v12;
	v18 =	vmul.f32 v14, v15;
	v16 =	vsub.s32 $0x5F3759DF, v57  }
0x53: {  	v13 =	vmul.f32 v5, v13;
	v19 =	vmul.f32 v16, v58  }
0x54: {  	v12 =	vsub.f32 $1.500000000e+00, v12;
	v18 =	vmul.f32 v14, v18  }
0x55: {  	v13 =	vsub.f32 $1.500000000e+00, v13;
	v19 =	vmul.f32 v16, v19  }
0x56: {  	v9 =	vmul.f32 v9, v12;
	v12 =	vsub.f32 $1.500000000e+00, v18  }
0x57: {  	v5 =	vmul.f32 v5, v13;
	v13 =	vsub.f32 $1.500000000e+00, v19  }
0x58: {  	v59 =	vmul.f32 v9, v8;
	v12 =	vmul.f32 v14, v12  }
0x59: {  	v14 =	vmul.f32 v5, v10;
	v13 =	vmul.f32 v16, v13  }
0x5a: {  	v60 =	vmul.f32 v59, v9;
	v61 =	vmul.f32 v12, v15  }
0x5b: {  	v14 =	vmul.f32 v14, v5;
	v62 =	vmul.f32 v13, v58  }
0x5c: {  	v16 =	vsub.f32 $1.500000000e+00, v60;
	v18 =	vmul.f32 v61, v12  }
0x5d: {  	v14 =	vsub.f32 $1.500000000e+00, v14;
	v19 =	vmul.f32 v62, v13  }
0x5e: {  	v9 =	vmul.f32 v16, v9;
	v63 =	vsub.f32 $1.500000000e+00, v18  }
0x5f: {  	v5 =	vmul.f32 v14, v5;
	v14 =	vsub.f32 $1.500000000e+00, v19  }
0x60: {  	v8 =	vmul.f32 v9, v8;
	v12 =	vmul.f32 v63, v12  }
0x61: {  	v10 =	vmul.f32 v5, v10;
	v13 =	vmul.f32 v14, v13  }
0x62: {  	v8 =	vmul.f32 v8, v9;
	v14 =	vmul.f32 v12, v15  }
0x63: {  	v10 =	vmul.f32 v10, v5;
	v15 =	vmul.f32 v13, v58  }
0x64: {  	v8 =	vsub.f32 $1.500000000e+00, v8;
	v14 =	vmul.f32 v14, v12  }
0x65: {  	v10 =	vsub.f32 $1.500000000e+00, v10;
	v15 =	vmul.f32 v15, v13  }
0x66: {  	v8 =	vmul.f32 v8, v9;
	v9 =	vsub.f32 $1.500000000e+00, v14  }
0x67: {  	v5 =	vmul.f32 v10, v5;
	v10 =	vsub.f32 $1.500000000e+00, v15  }
0x68: {  	v3 =	vmul.f32 v8, v3;
	v8 =	vmul.f32 v9, v12  }
0x69: {  	v1 =	vmul.f32 v5, v1;
	v5 =	vmul.f32 v10, v13  }
0x6a: {  	v3 =	vadd.f32 $9.999999930e-09, v3;
	v0 =	vmul.f32 v8, v0  }
0x6b: {  	v1 =	vadd.f32 $9.999999930e-09, v1;
	v4 =	vmul.f32 v5, v4  }
0x6c: {  	(erf) = vrcp.f32 v3;
	v0 =	vadd.f32 $9.999999930e-09, v0  }
0x6d: {  	(erf) = vrcp.f32 v1;
	v1 =	vadd.f32 $9.999999930e-09, v4  }
0x6e: {  	(erf) = vrcp.f32 v0  }
0x6f: {  	(erf) = vrcp.f32 v1;
	_ =	sdelay $0x2  }
0x70: {  	s13 =	simm.s32 $0x0  }
0x71: {  	v9 =	vld [tilespmem:s13+$0x6400];
	_ =	sdelay $0x1  }
0x72: {  	v13 =	vld [tilespmem:s13+$0x6410];
	v1 =	vpop (erf)  }
0x73: {  	v3 =	vsub.f32 $0.0e+00, v2;
	v8 =	vld [tilespmem:s13+$0x6420];
	v0 =	vpop (erf)  }
0x74: {  	v12 =	vsub.f32 $0.0e+00, v7;
	v10 =	vld [tilespmem:s13+$0x6430];
	v4 =	vsub.f32 $0.0e+00, v6;
	v2 =	vpop (erf)  }
0x75: {  	v5 =	vsub.f32 $0.0e+00, v11;
	v11 =	vld [tilespmem:s13+$0x6440];
	v7 =	vmul.f32 v1, v3;
	v14 =	vmul.f32 v9, v1;
	v6 =	vpop (erf)  }
0x76: {  	v4 =	vmul.f32 v0, v4;
	v3 =	vmul.f32 v6, v12;
	v12 =	vld [tilespmem:s13+$0x6450]  }
0x77: {  	s16 =	simm.s32 $0x200;
	v9 =	vld [tilespmem:s13+$0x6460];
	v13 =	vmul.f32 v13, v0;
	v5 =	vmul.f32 v2, v5  }
.LBB2_5:
0x78: {  	p0 =	sne.s32 s16, $0xC600;
	v14 =	vadd.f32 v14, v7;
	v8 =	vmul.f32 v8, v2;
	v15 =	vld [tilespmem:s13+$0x6470]  }
0x79: {  	v13 =	vadd.f32 v13, v4;
	v10 =	vmul.f32 v10, v6  }
0x7a: {  	s17 =	sshra.s32 s16, $0x2;
	[tilespmem:s13+$0x6400] =	vst v14;
	v8 =	vadd.f32 v8, v5;
	v11 =	vmul.f32 v11, v1  }
0x7b: {  	v14 =	vld [tilespmem:s17+$0x6400];
	[tilespmem:s13+$0x6410] =	vst v13;
	v10 =	vadd.f32 v10, v3;
	v12 =	vmul.f32 v12, v0  }
0x7c: {  	v13 =	vld [tilespmem:s17+$0x6410];
	[tilespmem:s13+$0x6420] =	vst v8;
	v11 =	vadd.f32 v11, v7;
	v9 =	vmul.f32 v9, v2  }
.Ltmp1:
0x7d: {  	v8 =	vld [tilespmem:s17+$0x6420];
	[tilespmem:s13+$0x6430] =	vst v10;
	v12 =	vadd.f32 v12, v4;
	v15 =	vmul.f32 v15, v6;
	(pc) =	sbr.rel @p0 .LBB2_5-.Ltmp1, $4  }
0x7e: {  	v10 =	vld [tilespmem:s17+$0x6430];
	[tilespmem:s13+$0x6440] =	vst v11;
	v9 =	vadd.f32 v9, v5  }
0x7f: {  	v11 =	vld [tilespmem:s17+$0x6440];
	[tilespmem:s13+$0x6450] =	vst v12;
	v15 =	vadd.f32 v15, v3  }
0x80: {  	v14 =	vmul.f32 v14, v1;
	v12 =	vld [tilespmem:s17+$0x6450];
	[tilespmem:s13+$0x6460] =	vst v9  }
0x81: {  	s16 =	sadd.s32 $0x200, s16;
	v13 =	vmul.f32 v13, v0;
	v9 =	vld [tilespmem:s17+$0x6460];
	[tilespmem:s13+$0x6470] =	vst v15;
	s13 =	smov.u32 s17  }
0x82: {  	v14 =	vadd.f32 v14, v7;
	v8 =	vmul.f32 v8, v2;
	v15 =	vld [tilespmem:s13+$0x6470]  }
0x83: {  	v13 =	vadd.f32 v13, v4;
	v10 =	vmul.f32 v10, v6  }
0x84: {  	[tilespmem:s13+$0x6400] =	vst v14;
	v8 =	vadd.f32 v8, v5;
	v1 =	vmul.f32 v11, v1  }
0x85: {  	[tilespmem:s13+$0x6410] =	vst v13;
	v10 =	vadd.f32 v10, v3;
	v0 =	vmul.f32 v12, v0  }
0x86: {  	[tilespmem:s13+$0x6420] =	vst v8;
	v1 =	vadd.f32 v1, v7;
	v2 =	vmul.f32 v9, v2  }
0x87: {  	[tilespmem:s13+$0x6430] =	vst v10;
	v0 =	vadd.f32 v0, v4;
	v4 =	vmul.f32 v15, v6  }
0x88: {  	s16 =	sadd.s32 s5, s15;
	[tilespmem:s13+$0x6440] =	vst v1;
	v1 =	vadd.f32 v2, v5  }
0x89: {  	s16 =	smul.u32 $0x640, s16;
	[tilespmem:s13+$0x6450] =	vst v0;
	v0 =	vadd.f32 v4, v3  }
0x8a: {  	p0 =	seq.s32 s0, $0x1F;
	[tilespmem:s13+$0x6460] =	vst v1  }
0x8b: {  	s17 =	sadd.s32 s2, s16;
	[tilespmem:s13+$0x6470] =	vst v0;
	s13 =	simm.s32 @!p0 $0x5  }
0x8c: {  	[hbm4b:s17+s3] =	stream.linear.scatter [tilespmem:s10], [sflag:$0x5], $0x3200, $0x38;
	[tilespmem:$0x12C00] =	vst v63  }
0x8d: {  	s16 =	smul.u32 @!p0 $0xC80, s0;
	_ =	swait.ge @!p0 [sflag:s13], $0x3200  }
0x8e: {  	[sflag:s13] =	ssyncset.done @!p0 $0x0  }
0x8f: {  	[sflag:s13] =	ssyncadd.s32 @!p0 $0xFFFFCE00;
	s13 =	sshra.s32 @!p0 s16, $0x2  }
0x90: {  	s19 =	simm.s32 @!p0 $0x6400;
	s17 =	simm.s32 @!p0 $0x80;
	s16 =	sadd.s32 @!p0 $0x320, s13  }
0x91: {  	[tilespmem:s19], [sflag:$0x1] =	stream.indirect.gather @!p0 [hbm4b:s4+s17], $0x40, s16, s17, $0xb8;
	[tilespmem:$0x12C00] =	vst v63  }
0x92: {  	s16 =	sadd.s32 @!p0 $0x3A0, s13;
	s17 =	simm.s32 @!p0 $0x48;
	s19 =	simm.s32 @!p0 $0x8400  }
0x93: {  	[tilespmem:s19], [sflag:$0x1] =	stream.indirect.gather @!p0 [hbm4b:s4+s17], $0x40, s16, s17, $0xb8;
	[tilespmem:$0x12C00] =	vst v63  }
0x94: {  	_ =	swait.ge [sflag:s24], $0x3200  }
0x95: {  	[sflag:s24] =	ssyncset.done $0x0  }
0x96: {  	s19 =	simm.s32 $0x0;
	[sflag:s24] =	ssyncadd.s32 $0xFFFFCE00  }
0x97: {  	v1 =	vld [tilespmem:s19+$0x9600]  }
0x98: {  	v2 =	vld [tilespmem:s19+$0x9610]  }
0x99: {  	v3 =	vld [tilespmem:s19+$0x9640]  }
0x9a: {  	v11 =	vld [tilespmem:s19+$0x9620]  }
0x9b: {  	v7 =	vld [tilespmem:s19+$0x9650]  }
0x9c: {  	v13 =	vld [tilespmem:s19+$0x9630]  }
0x9d: {  	v16 =	vimm.f32 $0.0e+00;
	v0 =	vld [tilespmem:s19+$0x9660];
	v4 =	vmul.f32 v1, v1;
	v8 =	vmul.f32 v2, v2  }
0x9e: {  	s16 =	simm.s32 $0x80;
	v6 =	vld [tilespmem:s19+$0x9670];
	v9 =	vadd.f32 v1, v16;
	v12 =	vmul.f32 v3, v3;
	v2 =	vadd.f32 v2, v16  }
0x9f: {  	v5 =	vld [tilespmem:s16+$0x9600];
	v17 =	vmul.f32 v11, v11;
	v11 =	vadd.f32 v11, v16;
	v4 =	vadd.f32 v4, v16  }
0xa0: {  	v15 =	vmul.f32 v7, v7;
	v1 =	vld [tilespmem:s16+$0x9610];
	v14 =	vadd.f32 v8, v16;
	v10 =	vadd.f32 v3, v9  }
0xa1: {  	v18 =	vmul.f32 v13, v13;
	v8 =	vadd.f32 v7, v2;
	v9 =	vadd.f32 v12, v4;
	v4 =	vld [tilespmem:s16+$0x9640]  }
0xa2: {  	v2 =	vld [tilespmem:s16+$0x9650];
	v7 =	vadd.f32 v15, v14;
	v12 =	vadd.f32 v17, v16;
	v14 =	vmul.f32 v0, v0  }
0xa3: {  	s17 =	simm.s32 $0x400;
	v3 =	vld [tilespmem:s16+$0x9620];
	v15 =	vadd.f32 v13, v16;
	v13 =	vadd.f32 v18, v16;
	v16 =	vmul.f32 v6, v6  }
.LBB2_7:
0xa4: {  	p1 =	sne.s32 s17, $0xC600;
	v17 =	vmul.f32 v5, v5;
	v18 =	vld [tilespmem:s16+$0x9630];
	v11 =	vadd.f32 v0, v11;
	v12 =	vadd.f32 v14, v12  }
0xa5: {  	v14 =	vmul.f32 v1, v1;
	v0 =	vld [tilespmem:s16+$0x9660];
	v15 =	vadd.f32 v6, v15;
	v13 =	vadd.f32 v16, v13  }
0xa6: {  	v10 =	vadd.f32 v5, v10;
	v9 =	vadd.f32 v17, v9;
	v16 =	vmul.f32 v4, v4;
	v6 =	vld [tilespmem:s16+$0x9670];
	s16 =	sshra.s32 s17, $0x2  }
.Ltmp2:
0xa7: {  	v8 =	vadd.f32 v1, v8;
	v5 =	vld [tilespmem:s16+$0x9600];
	v7 =	vadd.f32 v14, v7;
	v14 =	vmul.f32 v2, v2;
	(pc) =	sbr.rel @p1 .LBB2_7-.Ltmp2, $4  }
0xa8: {  	v10 =	vadd.f32 v4, v10;
	v1 =	vld [tilespmem:s16+$0x9610];
	v17 =	vmul.f32 v3, v3;
	v9 =	vadd.f32 v16, v9  }
0xa9: {  	v8 =	vadd.f32 v2, v8;
	v4 =	vld [tilespmem:s16+$0x9640];
	v16 =	vmul.f32 v18, v18;
	v7 =	vadd.f32 v14, v7  }
0xaa: {  	v11 =	vadd.f32 v3, v11;
	v2 =	vld [tilespmem:s16+$0x9650];
	v12 =	vadd.f32 v17, v12;
	v14 =	vmul.f32 v0, v0  }
0xab: {  	s17 =	sadd.s32 $0x200, s17;
	v15 =	vadd.f32 v18, v15;
	v3 =	vld [tilespmem:s16+$0x9620];
	v13 =	vadd.f32 v16, v13;
	v16 =	vmul.f32 v6, v6  }
0xac: {  	v0 =	vadd.f32 v0, v11;
	v11 =	vadd.f32 v14, v12  }
0xad: {  	v17 =	vmul.f32 v5, v5;
	v12 =	vld [tilespmem:s16+$0x9630];
	v5 =	vadd.f32 v5, v10;
	v6 =	vadd.f32 v6, v15  }
0xae: {  	v10 =	vmul.f32 v1, v1;
	v13 =	vadd.f32 v16, v13;
	v1 =	vadd.f32 v1, v8  }
0xaf: {  	v14 =	vld [tilespmem:s16+$0x9660];
	v9 =	vadd.f32 v17, v9;
	v15 =	vmul.f32 v4, v4;
	v4 =	vadd.f32 v4, v5  }
0xb0: {  	v5 =	vld [tilespmem:s16+$0x9670];
	v7 =	vadd.f32 v10, v7;
	v8 =	vmul.f32 v2, v2;
	v1 =	vadd.f32 v2, v1  }
0xb1: {  	v10 =	vmul.f32 v3, v3;
	v9 =	vadd.f32 v15, v9;
	v2 =	vmul.f32 $4.999999890e-03, v4  }
0xb2: {  	v0 =	vadd.f32 v3, v0;
	v15 =	vmul.f32 v12, v12;
	v7 =	vadd.f32 v8, v7  }
0xb3: {  	v3 =	vadd.f32 v12, v6;
	v6 =	vmul.f32 $4.999999890e-03, v1;
	v4 =	vmul.f32 v2, v4  }
0xb4: {  	v8 =	vadd.f32 v10, v11;
	v10 =	vmul.f32 v14, v14;
	v0 =	vadd.f32 v14, v0  }
0xb5: {  	v3 =	vadd.f32 v5, v3;
	v1 =	vmul.f32 v6, v1;
	v4 =	vsub.f32 v9, v4  }
0xb6: {  	v5 =	vmul.f32 v5, v5;
	v9 =	vadd.f32 v15, v13;
	v11 =	vmul.f32 $4.999999890e-03, v0  }
0xb7: {  	v1 =	vsub.f32 v7, v1;
	v7 =	vmul.f32 $4.999999890e-03, v3;
	v4 =	vmul.f32 $5.025125570e-03, v4  }
0xb8: {  	v8 =	vadd.f32 v10, v8;
	v5 =	vadd.f32 v5, v9;
	v0 =	vmul.f32 v11, v0  }
0xb9: {  	v1 =	vmul.f32 $5.025125570e-03, v1;
	v3 =	vmul.f32 v7, v3;
	v4 =	vmax.f32 v4, $0.0e+00  }
0xba: {  	v0 =	vsub.f32 v8, v0;
	v9 =	vshrl.u32 v4, $0x1  }
0xbb: {  	v8 =	vmul.f32 $5.000000000e-01, v4;
	v1 =	vmax.f32 v1, $0.0e+00;
	v3 =	vsub.f32 v5, v3  }
0xbc: {  	v5 =	vshrl.u32 v1, $0x1;
	v10 =	vmul.f32 $5.000000000e-01, v1;
	v0 =	vmul.f32 $5.025125570e-03, v0  }
0xbd: {  	v9 =	vsub.s32 $0x5F3759DF, v9;
	v5 =	vsub.s32 $0x5F3759DF, v5;
	v3 =	vmul.f32 $5.025125570e-03, v3  }
0xbe: {  	v12 =	vmul.f32 v9, v8;
	v13 =	vmul.f32 v5, v10;
	v0 =	vmax.f32 v0, $0.0e+00  }
0xbf: {  	v14 =	vshrl.u32 v0, $0x1;
	v15 =	vmul.f32 $5.000000000e-01, v0;
	v3 =	vmax.f32 v3, $0.0e+00  }
0xc0: {  	v14 =	vsub.s32 $0x5F3759DF, v14;
	v57 =	vshrl.u32 v3, $0x1;
	v58 =	vmul.f32 $5.000000000e-01, v3  }
0xc1: {  	v12 =	vmul.f32 v9, v12;
	v18 =	vmul.f32 v14, v15;
	v16 =	vsub.s32 $0x5F3759DF, v57  }
0xc2: {  	v13 =	vmul.f32 v5, v13;
	v19 =	vmul.f32 v16, v58  }
0xc3: {  	v12 =	vsub.f32 $1.500000000e+00, v12;
	v18 =	vmul.f32 v14, v18  }
0xc4: {  	v13 =	vsub.f32 $1.500000000e+00, v13;
	v19 =	vmul.f32 v16, v19  }
0xc5: {  	v9 =	vmul.f32 v9, v12;
	v12 =	vsub.f32 $1.500000000e+00, v18  }
0xc6: {  	v5 =	vmul.f32 v5, v13;
	v13 =	vsub.f32 $1.500000000e+00, v19  }
0xc7: {  	v59 =	vmul.f32 v9, v8;
	v12 =	vmul.f32 v14, v12  }
0xc8: {  	v14 =	vmul.f32 v5, v10;
	v13 =	vmul.f32 v16, v13  }
0xc9: {  	v60 =	vmul.f32 v59, v9;
	v61 =	vmul.f32 v12, v15  }
0xca: {  	v14 =	vmul.f32 v14, v5;
	v62 =	vmul.f32 v13, v58  }
0xcb: {  	v16 =	vsub.f32 $1.500000000e+00, v60;
	v18 =	vmul.f32 v61, v12  }
0xcc: {  	v14 =	vsub.f32 $1.500000000e+00, v14;
	v19 =	vmul.f32 v62, v13  }
0xcd: {  	v9 =	vmul.f32 v16, v9;
	v63 =	vsub.f32 $1.500000000e+00, v18  }
0xce: {  	v5 =	vmul.f32 v14, v5;
	v14 =	vsub.f32 $1.500000000e+00, v19  }
0xcf: {  	v8 =	vmul.f32 v9, v8;
	v12 =	vmul.f32 v63, v12  }
0xd0: {  	v10 =	vmul.f32 v5, v10;
	v13 =	vmul.f32 v14, v13  }
0xd1: {  	v8 =	vmul.f32 v8, v9;
	v14 =	vmul.f32 v12, v15  }
0xd2: {  	v10 =	vmul.f32 v10, v5;
	v15 =	vmul.f32 v13, v58  }
0xd3: {  	v8 =	vsub.f32 $1.500000000e+00, v8;
	v14 =	vmul.f32 v14, v12  }
0xd4: {  	v10 =	vsub.f32 $1.500000000e+00, v10;
	v15 =	vmul.f32 v15, v13  }
0xd5: {  	v8 =	vmul.f32 v8, v9;
	v9 =	vsub.f32 $1.500000000e+00, v14  }
0xd6: {  	v5 =	vmul.f32 v10, v5;
	v10 =	vsub.f32 $1.500000000e+00, v15  }
0xd7: {  	v4 =	vmul.f32 v8, v4;
	v8 =	vmul.f32 v9, v12  }
0xd8: {  	v1 =	vmul.f32 v5, v1;
	v5 =	vmul.f32 v10, v13  }
0xd9: {  	v4 =	vadd.f32 $9.999999930e-09, v4;
	v0 =	vmul.f32 v8, v0  }
0xda: {  	v1 =	vadd.f32 $9.999999930e-09, v1;
	v3 =	vmul.f32 v5, v3  }
0xdb: {  	(erf) = vrcp.f32 v4;
	v0 =	vadd.f32 $9.999999930e-09, v0  }
0xdc: {  	(erf) = vrcp.f32 v1;
	v1 =	vadd.f32 $9.999999930e-09, v3  }
0xdd: {  	(erf) = vrcp.f32 v0  }
0xde: {  	(erf) = vrcp.f32 v1;
	_ =	sdelay $0x3  }
0xdf: {  	s16 =	simm.s32 $0x0  }
0xe0: {  	v9 =	vld [tilespmem:s16+$0x9600]  }
0xe1: {  	v13 =	vld [tilespmem:s16+$0x9610];
	v3 =	vsub.f32 $0.0e+00, v2;
	v1 =	vpop (erf)  }
0xe2: {  	v12 =	vsub.f32 $0.0e+00, v11;
	v4 =	vsub.f32 $0.0e+00, v6;
	v8 =	vld [tilespmem:s16+$0x9620];
	v0 =	vpop (erf)  }
0xe3: {  	v14 =	vsub.f32 $0.0e+00, v7;
	v10 =	vld [tilespmem:s16+$0x9630];
	v7 =	vmul.f32 v1, v3;
	v2 =	vpop (erf)  }
0xe4: {  	v11 =	vld [tilespmem:s16+$0x9640];
	v5 =	vmul.f32 v0, v4;
	v6 =	vpop (erf);
	v4 =	vmul.f32 v2, v12  }
0xe5: {  	v12 =	vld [tilespmem:s16+$0x9650];
	v3 =	vmul.f32 v6, v14;
	v14 =	vmul.f32 v9, v1  }
0xe6: {  	s17 =	simm.s32 $0x200;
	v13 =	vmul.f32 v13, v0;
	v9 =	vld [tilespmem:s16+$0x9660]  }
.LBB2_9:
0xe7: {  	p1 =	sne.s32 s17, $0xC600;
	v14 =	vadd.f32 v14, v7;
	v8 =	vmul.f32 v8, v2;
	v15 =	vld [tilespmem:s16+$0x9670]  }
0xe8: {  	v13 =	vadd.f32 v13, v5;
	v10 =	vmul.f32 v10, v6  }
0xe9: {  	s19 =	sshra.s32 s17, $0x2;
	[tilespmem:s16+$0x9600] =	vst v14;
	v8 =	vadd.f32 v8, v4;
	v11 =	vmul.f32 v11, v1  }
0xea: {  	v14 =	vld [tilespmem:s19+$0x9600];
	[tilespmem:s16+$0x9610] =	vst v13;
	v10 =	vadd.f32 v10, v3;
	v12 =	vmul.f32 v12, v0  }
0xeb: {  	v13 =	vld [tilespmem:s19+$0x9610];
	[tilespmem:s16+$0x9620] =	vst v8;
	v11 =	vadd.f32 v11, v7;
	v9 =	vmul.f32 v9, v2  }
.Ltmp3:
0xec: {  	v8 =	vld [tilespmem:s19+$0x9620];
	[tilespmem:s16+$0x9630] =	vst v10;
	v12 =	vadd.f32 v12, v5;
	v15 =	vmul.f32 v15, v6;
	(pc) =	sbr.rel @p1 .LBB2_9-.Ltmp3, $4  }
0xed: {  	v10 =	vld [tilespmem:s19+$0x9630];
	[tilespmem:s16+$0x9640] =	vst v11;
	v9 =	vadd.f32 v9, v4  }
0xee: {  	v11 =	vld [tilespmem:s19+$0x9640];
	[tilespmem:s16+$0x9650] =	vst v12;
	v15 =	vadd.f32 v15, v3  }
0xef: {  	v14 =	vmul.f32 v14, v1;
	v12 =	vld [tilespmem:s19+$0x9650];
	[tilespmem:s16+$0x9660] =	vst v9  }
0xf0: {  	s17 =	sadd.s32 $0x200, s17;
	v13 =	vmul.f32 v13, v0;
	v9 =	vld [tilespmem:s19+$0x9660];
	[tilespmem:s16+$0x9670] =	vst v15;
	s16 =	smov.u32 s19  }
0xf1: {  	v14 =	vadd.f32 v14, v7;
	v8 =	vmul.f32 v8, v2;
	v15 =	vld [tilespmem:s16+$0x9670]  }
0xf2: {  	v13 =	vadd.f32 v13, v5;
	v10 =	vmul.f32 v10, v6  }
0xf3: {  	[tilespmem:s16+$0x9600] =	vst v14;
	v8 =	vadd.f32 v8, v4;
	v1 =	vmul.f32 v11, v1  }
0xf4: {  	[tilespmem:s16+$0x9610] =	vst v13;
	v10 =	vadd.f32 v10, v3;
	v0 =	vmul.f32 v12, v0  }
0xf5: {  	[tilespmem:s16+$0x9620] =	vst v8;
	v1 =	vadd.f32 v1, v7;
	v2 =	vmul.f32 v9, v2  }
0xf6: {  	s15 =	sadd.s32 s15, s5;
	[tilespmem:s16+$0x9630] =	vst v10;
	v0 =	vadd.f32 v0, v5;
	v5 =	vmul.f32 v15, v6  }
0xf7: {  	s15 =	smul.u32 $0x640, s15;
	[tilespmem:s16+$0x9640] =	vst v1;
	v1 =	vadd.f32 v2, v4  }
0xf8: {  	[tilespmem:s16+$0x9650] =	vst v0;
	v0 =	vadd.f32 v5, v3  }
0xf9: {  	s15 =	sadd.s32 s2, s15;
	[tilespmem:s16+$0x9660] =	vst v1  }
0xfa: {  	s17 =	sadd.s32 $0x640, s15;
	[tilespmem:s16+$0x9670] =	vst v0;
	s16 =	simm.s32 @!p0 $0x6  }
0xfb: {  	[hbm4b:s17+s3] =	stream.linear.scatter [tilespmem:s14], [sflag:$0x6], $0x3200, $0x38;
	[tilespmem:$0x12C00] =	vst v63  }
0xfc: {  	_ =	swait.ge @!p0 [sflag:s16], $0x3200  }
0xfd: {  	s19 =	simm.s32 @!p0 $0x9600;
	[sflag:s16] =	ssyncset.done @!p0 $0x0  }
0xfe: {  	s17 =	simm.s32 @!p0 $0x80;
	[sflag:s16] =	ssyncadd.s32 @!p0 $0xFFFFCE00;
	s16 =	sadd.s32 @!p0 $0x3E8, s13  }
0xff: {  	[tilespmem:s19], [sflag:$0x2] =	stream.indirect.gather @!p0 [hbm4b:s4+s17], $0x40, s16, s17, $0xb8;
	[tilespmem:$0x12C00] =	vst v63  }
0x100: {  	s16 =	sadd.s32 @!p0 $0x468, s13;
	s17 =	simm.s32 @!p0 $0x48;
	s19 =	simm.s32 @!p0 $0xB600  }
0x101: {  	[tilespmem:s19], [sflag:$0x2] =	stream.indirect.gather @!p0 [hbm4b:s4+s17], $0x40, s16, s17, $0xb8;
	[tilespmem:$0x12C00] =	vst v63  }
0x102: {  	_ =	swait.ge [sflag:s25], $0x3200  }
0x103: {  	[sflag:s25] =	ssyncset.done $0x0  }
0x104: {  	s19 =	simm.s32 $0x0;
	[sflag:s25] =	ssyncadd.s32 $0xFFFFCE00  }
0x105: {  	v1 =	vld [tilespmem:s19+$0xC800]  }
0x106: {  	v2 =	vld [tilespmem:s19+$0xC810]  }
0x107: {  	v3 =	vld [tilespmem:s19+$0xC840]  }
0x108: {  	v11 =	vld [tilespmem:s19+$0xC820]  }
0x109: {  	v7 =	vld [tilespmem:s19+$0xC850]  }
0x10a: {  	v13 =	vld [tilespmem:s19+$0xC830]  }
0x10b: {  	v16 =	vimm.f32 $0.0e+00;
	v0 =	vld [tilespmem:s19+$0xC860];
	v4 =	vmul.f32 v1, v1;
	v8 =	vmul.f32 v2, v2  }
0x10c: {  	s16 =	simm.s32 $0x80;
	v6 =	vld [tilespmem:s19+$0xC870];
	v9 =	vadd.f32 v1, v16;
	v12 =	vmul.f32 v3, v3;
	v2 =	vadd.f32 v2, v16  }
0x10d: {  	v5 =	vld [tilespmem:s16+$0xC800];
	v17 =	vmul.f32 v11, v11;
	v11 =	vadd.f32 v11, v16;
	v4 =	vadd.f32 v4, v16  }
0x10e: {  	v15 =	vmul.f32 v7, v7;
	v1 =	vld [tilespmem:s16+$0xC810];
	v14 =	vadd.f32 v8, v16;
	v10 =	vadd.f32 v3, v9  }
0x10f: {  	v18 =	vmul.f32 v13, v13;
	v8 =	vadd.f32 v7, v2;
	v9 =	vadd.f32 v12, v4;
	v4 =	vld [tilespmem:s16+$0xC840]  }
0x110: {  	v2 =	vld [tilespmem:s16+$0xC850];
	v7 =	vadd.f32 v15, v14;
	v12 =	vadd.f32 v17, v16;
	v14 =	vmul.f32 v0, v0  }
0x111: {  	s17 =	simm.s32 $0x400;
	v3 =	vld [tilespmem:s16+$0xC820];
	v15 =	vadd.f32 v13, v16;
	v13 =	vadd.f32 v18, v16;
	v16 =	vmul.f32 v6, v6  }
.LBB2_11:
0x112: {  	p1 =	sne.s32 s17, $0xC600;
	v17 =	vmul.f32 v5, v5;
	v18 =	vld [tilespmem:s16+$0xC830];
	v11 =	vadd.f32 v0, v11;
	v12 =	vadd.f32 v14, v12  }
0x113: {  	v14 =	vmul.f32 v1, v1;
	v0 =	vld [tilespmem:s16+$0xC860];
	v15 =	vadd.f32 v6, v15;
	v13 =	vadd.f32 v16, v13  }
0x114: {  	v10 =	vadd.f32 v5, v10;
	v9 =	vadd.f32 v17, v9;
	v16 =	vmul.f32 v4, v4;
	v6 =	vld [tilespmem:s16+$0xC870];
	s16 =	sshra.s32 s17, $0x2  }
.Ltmp4:
0x115: {  	v8 =	vadd.f32 v1, v8;
	v5 =	vld [tilespmem:s16+$0xC800];
	v7 =	vadd.f32 v14, v7;
	v14 =	vmul.f32 v2, v2;
	(pc) =	sbr.rel @p1 .LBB2_11-.Ltmp4, $4  }
0x116: {  	v10 =	vadd.f32 v4, v10;
	v1 =	vld [tilespmem:s16+$0xC810];
	v17 =	vmul.f32 v3, v3;
	v9 =	vadd.f32 v16, v9  }
0x117: {  	v8 =	vadd.f32 v2, v8;
	v4 =	vld [tilespmem:s16+$0xC840];
	v16 =	vmul.f32 v18, v18;
	v7 =	vadd.f32 v14, v7  }
0x118: {  	v11 =	vadd.f32 v3, v11;
	v2 =	vld [tilespmem:s16+$0xC850];
	v12 =	vadd.f32 v17, v12;
	v14 =	vmul.f32 v0, v0  }
0x119: {  	s17 =	sadd.s32 $0x200, s17;
	v15 =	vadd.f32 v18, v15;
	v3 =	vld [tilespmem:s16+$0xC820];
	v13 =	vadd.f32 v16, v13;
	v16 =	vmul.f32 v6, v6  }
0x11a: {  	v0 =	vadd.f32 v0, v11;
	v11 =	vadd.f32 v14, v12  }
0x11b: {  	v17 =	vmul.f32 v5, v5;
	v12 =	vld [tilespmem:s16+$0xC830];
	v5 =	vadd.f32 v5, v10;
	v6 =	vadd.f32 v6, v15  }
0x11c: {  	v10 =	vmul.f32 v1, v1;
	v13 =	vadd.f32 v16, v13;
	v1 =	vadd.f32 v1, v8  }
0x11d: {  	v14 =	vld [tilespmem:s16+$0xC860];
	v9 =	vadd.f32 v17, v9;
	v15 =	vmul.f32 v4, v4;
	v4 =	vadd.f32 v4, v5  }
0x11e: {  	v5 =	vld [tilespmem:s16+$0xC870];
	v7 =	vadd.f32 v10, v7;
	v8 =	vmul.f32 v2, v2;
	v1 =	vadd.f32 v2, v1  }
0x11f: {  	v10 =	vmul.f32 v3, v3;
	v9 =	vadd.f32 v15, v9;
	v2 =	vmul.f32 $4.999999890e-03, v4  }
0x120: {  	v0 =	vadd.f32 v3, v0;
	v15 =	vmul.f32 v12, v12;
	v7 =	vadd.f32 v8, v7  }
0x121: {  	v3 =	vadd.f32 v12, v6;
	v6 =	vmul.f32 $4.999999890e-03, v1;
	v4 =	vmul.f32 v2, v4  }
0x122: {  	v8 =	vadd.f32 v10, v11;
	v10 =	vmul.f32 v14, v14;
	v0 =	vadd.f32 v14, v0  }
0x123: {  	v3 =	vadd.f32 v5, v3;
	v1 =	vmul.f32 v6, v1;
	v4 =	vsub.f32 v9, v4  }
0x124: {  	v5 =	vmul.f32 v5, v5;
	v9 =	vadd.f32 v15, v13;
	v11 =	vmul.f32 $4.999999890e-03, v0  }
0x125: {  	v1 =	vsub.f32 v7, v1;
	v7 =	vmul.f32 $4.999999890e-03, v3;
	v4 =	vmul.f32 $5.025125570e-03, v4  }
0x126: {  	v8 =	vadd.f32 v10, v8;
	v5 =	vadd.f32 v5, v9;
	v0 =	vmul.f32 v11, v0  }
0x127: {  	v1 =	vmul.f32 $5.025125570e-03, v1;
	v3 =	vmul.f32 v7, v3;
	v4 =	vmax.f32 v4, $0.0e+00  }
0x128: {  	v0 =	vsub.f32 v8, v0;
	v9 =	vshrl.u32 v4, $0x1  }
0x129: {  	v8 =	vmul.f32 $5.000000000e-01, v4;
	v1 =	vmax.f32 v1, $0.0e+00;
	v3 =	vsub.f32 v5, v3  }
0x12a: {  	v5 =	vshrl.u32 v1, $0x1;
	v10 =	vmul.f32 $5.000000000e-01, v1;
	v0 =	vmul.f32 $5.025125570e-03, v0  }
0x12b: {  	v9 =	vsub.s32 $0x5F3759DF, v9;
	v5 =	vsub.s32 $0x5F3759DF, v5;
	v3 =	vmul.f32 $5.025125570e-03, v3  }
0x12c: {  	v12 =	vmul.f32 v9, v8;
	v13 =	vmul.f32 v5, v10;
	v0 =	vmax.f32 v0, $0.0e+00  }
0x12d: {  	v14 =	vshrl.u32 v0, $0x1;
	v15 =	vmul.f32 $5.000000000e-01, v0;
	v3 =	vmax.f32 v3, $0.0e+00  }
0x12e: {  	v14 =	vsub.s32 $0x5F3759DF, v14;
	v57 =	vshrl.u32 v3, $0x1;
	v58 =	vmul.f32 $5.000000000e-01, v3  }
0x12f: {  	v12 =	vmul.f32 v9, v12;
	v18 =	vmul.f32 v14, v15;
	v16 =	vsub.s32 $0x5F3759DF, v57  }
0x130: {  	v13 =	vmul.f32 v5, v13;
	v19 =	vmul.f32 v16, v58  }
0x131: {  	v12 =	vsub.f32 $1.500000000e+00, v12;
	v18 =	vmul.f32 v14, v18  }
0x132: {  	v13 =	vsub.f32 $1.500000000e+00, v13;
	v19 =	vmul.f32 v16, v19  }
0x133: {  	v9 =	vmul.f32 v9, v12;
	v12 =	vsub.f32 $1.500000000e+00, v18  }
0x134: {  	v5 =	vmul.f32 v5, v13;
	v13 =	vsub.f32 $1.500000000e+00, v19  }
0x135: {  	v59 =	vmul.f32 v9, v8;
	v12 =	vmul.f32 v14, v12  }
0x136: {  	v14 =	vmul.f32 v5, v10;
	v13 =	vmul.f32 v16, v13  }
0x137: {  	v60 =	vmul.f32 v59, v9;
	v61 =	vmul.f32 v12, v15  }
0x138: {  	v14 =	vmul.f32 v14, v5;
	v62 =	vmul.f32 v13, v58  }
0x139: {  	v16 =	vsub.f32 $1.500000000e+00, v60;
	v18 =	vmul.f32 v61, v12  }
0x13a: {  	v14 =	vsub.f32 $1.500000000e+00, v14;
	v19 =	vmul.f32 v62, v13  }
0x13b: {  	v9 =	vmul.f32 v16, v9;
	v63 =	vsub.f32 $1.500000000e+00, v18  }
0x13c: {  	v5 =	vmul.f32 v14, v5;
	v14 =	vsub.f32 $1.500000000e+00, v19  }
0x13d: {  	v8 =	vmul.f32 v9, v8;
	v12 =	vmul.f32 v63, v12  }
0x13e: {  	v10 =	vmul.f32 v5, v10;
	v13 =	vmul.f32 v14, v13  }
0x13f: {  	v8 =	vmul.f32 v8, v9;
	v14 =	vmul.f32 v12, v15  }
0x140: {  	v10 =	vmul.f32 v10, v5;
	v15 =	vmul.f32 v13, v58  }
0x141: {  	v8 =	vsub.f32 $1.500000000e+00, v8;
	v14 =	vmul.f32 v14, v12  }
0x142: {  	v10 =	vsub.f32 $1.500000000e+00, v10;
	v15 =	vmul.f32 v15, v13  }
0x143: {  	v8 =	vmul.f32 v8, v9;
	v9 =	vsub.f32 $1.500000000e+00, v14  }
0x144: {  	v5 =	vmul.f32 v10, v5;
	v10 =	vsub.f32 $1.500000000e+00, v15  }
0x145: {  	v4 =	vmul.f32 v8, v4;
	v8 =	vmul.f32 v9, v12  }
0x146: {  	v1 =	vmul.f32 v5, v1;
	v5 =	vmul.f32 v10, v13  }
0x147: {  	v4 =	vadd.f32 $9.999999930e-09, v4;
	v0 =	vmul.f32 v8, v0  }
0x148: {  	v1 =	vadd.f32 $9.999999930e-09, v1;
	v3 =	vmul.f32 v5, v3  }
0x149: {  	(erf) = vrcp.f32 v4;
	v0 =	vadd.f32 $9.999999930e-09, v0  }
0x14a: {  	(erf) = vrcp.f32 v1;
	v1 =	vadd.f32 $9.999999930e-09, v3  }
0x14b: {  	(erf) = vrcp.f32 v0  }
0x14c: {  	(erf) = vrcp.f32 v1;
	_ =	sdelay $0x2  }
0x14d: {  	s16 =	simm.s32 $0x0  }
0x14e: {  	v9 =	vld [tilespmem:s16+$0xC800];
	_ =	sdelay $0x1  }
0x14f: {  	v13 =	vld [tilespmem:s16+$0xC810];
	v1 =	vpop (erf)  }
0x150: {  	v8 =	vld [tilespmem:s16+$0xC820];
	v3 =	vsub.f32 $0.0e+00, v2;
	v0 =	vpop (erf)  }
0x151: {  	v12 =	vsub.f32 $0.0e+00, v7;
	v10 =	vld [tilespmem:s16+$0xC830];
	v4 =	vsub.f32 $0.0e+00, v6;
	v2 =	vpop (erf)  }
0x152: {  	v5 =	vsub.f32 $0.0e+00, v11;
	v11 =	vld [tilespmem:s16+$0xC840];
	v7 =	vmul.f32 v1, v3;
	v14 =	vmul.f32 v9, v1;
	v6 =	vpop (erf)  }
0x153: {  	v4 =	vmul.f32 v0, v4;
	v3 =	vmul.f32 v6, v12;
	v12 =	vld [tilespmem:s16+$0xC850]  }
0x154: {  	s17 =	simm.s32 $0x200;
	v9 =	vld [tilespmem:s16+$0xC860];
	v13 =	vmul.f32 v13, v0;
	v5 =	vmul.f32 v2, v5  }
.LBB2_13:
0x155: {  	p1 =	sne.s32 s17, $0xC600;
	v14 =	vadd.f32 v14, v7;
	v8 =	vmul.f32 v8, v2;
	v15 =	vld [tilespmem:s16+$0xC870]  }
0x156: {  	v13 =	vadd.f32 v13, v4;
	v10 =	vmul.f32 v10, v6  }
0x157: {  	s19 =	sshra.s32 s17, $0x2;
	[tilespmem:s16+$0xC800] =	vst v14;
	v8 =	vadd.f32 v8, v5;
	v11 =	vmul.f32 v11, v1  }
0x158: {  	v14 =	vld [tilespmem:s19+$0xC800];
	[tilespmem:s16+$0xC810] =	vst v13;
	v10 =	vadd.f32 v10, v3;
	v12 =	vmul.f32 v12, v0  }
0x159: {  	v13 =	vld [tilespmem:s19+$0xC810];
	[tilespmem:s16+$0xC820] =	vst v8;
	v11 =	vadd.f32 v11, v7;
	v9 =	vmul.f32 v9, v2  }
.Ltmp5:
0x15a: {  	v8 =	vld [tilespmem:s19+$0xC820];
	[tilespmem:s16+$0xC830] =	vst v10;
	v12 =	vadd.f32 v12, v4;
	v15 =	vmul.f32 v15, v6;
	(pc) =	sbr.rel @p1 .LBB2_13-.Ltmp5, $4  }
0x15b: {  	v10 =	vld [tilespmem:s19+$0xC830];
	[tilespmem:s16+$0xC840] =	vst v11;
	v9 =	vadd.f32 v9, v5  }
0x15c: {  	v11 =	vld [tilespmem:s19+$0xC840];
	[tilespmem:s16+$0xC850] =	vst v12;
	v15 =	vadd.f32 v15, v3  }
0x15d: {  	v14 =	vmul.f32 v14, v1;
	v12 =	vld [tilespmem:s19+$0xC850];
	[tilespmem:s16+$0xC860] =	vst v9  }
0x15e: {  	s17 =	sadd.s32 $0x200, s17;
	v13 =	vmul.f32 v13, v0;
	v9 =	vld [tilespmem:s19+$0xC860];
	[tilespmem:s16+$0xC870] =	vst v15;
	s16 =	smov.u32 s19  }
0x15f: {  	v14 =	vadd.f32 v14, v7;
	v8 =	vmul.f32 v8, v2;
	v15 =	vld [tilespmem:s16+$0xC870]  }
0x160: {  	v13 =	vadd.f32 v13, v4;
	v10 =	vmul.f32 v10, v6  }
0x161: {  	[tilespmem:s16+$0xC800] =	vst v14;
	v8 =	vadd.f32 v8, v5;
	v1 =	vmul.f32 v11, v1  }
0x162: {  	[tilespmem:s16+$0xC810] =	vst v13;
	v10 =	vadd.f32 v10, v3;
	v0 =	vmul.f32 v12, v0  }
0x163: {  	[tilespmem:s16+$0xC820] =	vst v8;
	v1 =	vadd.f32 v1, v7;
	v2 =	vmul.f32 v9, v2  }
0x164: {  	[tilespmem:s16+$0xC830] =	vst v10;
	v0 =	vadd.f32 v0, v4;
	v4 =	vmul.f32 v15, v6  }
0x165: {  	[tilespmem:s16+$0xC840] =	vst v1;
	v1 =	vadd.f32 v2, v5  }
0x166: {  	[tilespmem:s16+$0xC850] =	vst v0;
	v0 =	vadd.f32 v4, v3  }
0x167: {  	[tilespmem:s16+$0xC860] =	vst v1  }
0x168: {  	s15 =	sadd.s32 $0xC80, s15;
	[tilespmem:s16+$0xC870] =	vst v0  }
0x169: {  	[hbm4b:s15+s3] =	stream.linear.scatter [tilespmem:s18], [sflag:$0x7], $0x3200, $0x38;
	[tilespmem:$0x12C00] =	vst v63  }
0x16a: {  	s15 =	simm.s32 @!p0 $0x7  }
0x16b: {  	_ =	swait.ge @!p0 [sflag:s15], $0x3200  }
0x16c: {  	s17 =	simm.s32 @!p0 $0xC800;
	[sflag:s15] =	ssyncset.done @!p0 $0x0  }
0x16d: {  	s16 =	simm.s32 @!p0 $0x80;
	[sflag:s15] =	ssyncadd.s32 @!p0 $0xFFFFCE00;
	s15 =	sadd.s32 @!p0 $0x4B0, s13  }
0x16e: {  	[tilespmem:s17], [sflag:$0x3] =	stream.indirect.gather @!p0 [hbm4b:s4+s16], $0x40, s15, s16, $0xb8;
	[tilespmem:$0x12C00] =	vst v63  }
0x16f: {  	s13 =	sadd.s32 @!p0 $0x530, s13;
	s15 =	simm.s32 @!p0 $0x48;
	s16 =	simm.s32 @!p0 $0xE800  }
0x170: {  	[tilespmem:s16], [sflag:$0x3] =	stream.indirect.gather @!p0 [hbm4b:s4+s15], $0x40, s13, s15, $0xb8;
	[tilespmem:$0x12C00] =	vst v63  }
0x171: {  	_ =	swait.ge [sflag:s26], $0x3200  }
0x172: {  	[sflag:s26] =	ssyncset.done $0x0  }
0x173: {  	s19 =	simm.s32 $0x0;
	[sflag:s26] =	ssyncadd.s32 $0xFFFFCE00  }
0x174: {  	v1 =	vld [tilespmem:s19+$0xFA00]  }
0x175: {  	v2 =	vld [tilespmem:s19+$0xFA10]  }
0x176: {  	v3 =	vld [tilespmem:s19+$0xFA40]  }
0x177: {  	v11 =	vld [tilespmem:s19+$0xFA20]  }
0x178: {  	v7 =	vld [tilespmem:s19+$0xFA50]  }
0x179: {  	v13 =	vld [tilespmem:s19+$0xFA30]  }
0x17a: {  	v16 =	vimm.f32 $0.0e+00;
	v0 =	vld [tilespmem:s19+$0xFA60];
	v4 =	vmul.f32 v1, v1;
	v8 =	vmul.f32 v2, v2  }
0x17b: {  	s13 =	simm.s32 $0x80;
	v6 =	vld [tilespmem:s19+$0xFA70];
	v9 =	vadd.f32 v1, v16;
	v12 =	vmul.f32 v3, v3;
	v2 =	vadd.f32 v2, v16  }
0x17c: {  	v5 =	vld [tilespmem:s13+$0xFA00];
	v17 =	vmul.f32 v11, v11;
	v11 =	vadd.f32 v11, v16;
	v4 =	vadd.f32 v4, v16  }
0x17d: {  	v15 =	vmul.f32 v7, v7;
	v1 =	vld [tilespmem:s13+$0xFA10];
	v14 =	vadd.f32 v8, v16;
	v10 =	vadd.f32 v3, v9  }
0x17e: {  	v18 =	vmul.f32 v13, v13;
	v8 =	vadd.f32 v7, v2;
	v9 =	vadd.f32 v12, v4;
	v4 =	vld [tilespmem:s13+$0xFA40]  }
0x17f: {  	v2 =	vld [tilespmem:s13+$0xFA50];
	v7 =	vadd.f32 v15, v14;
	v12 =	vadd.f32 v17, v16;
	v14 =	vmul.f32 v0, v0  }
0x180: {  	s15 =	simm.s32 $0x400;
	v3 =	vld [tilespmem:s13+$0xFA20];
	v15 =	vadd.f32 v13, v16;
	v13 =	vadd.f32 v18, v16;
	v16 =	vmul.f32 v6, v6  }
.LBB2_15:
0x181: {  	p0 =	sne.s32 s15, $0xC600;
	v17 =	vmul.f32 v5, v5;
	v18 =	vld [tilespmem:s13+$0xFA30];
	v11 =	vadd.f32 v0, v11;
	v12 =	vadd.f32 v14, v12  }
0x182: {  	v14 =	vmul.f32 v1, v1;
	v0 =	vld [tilespmem:s13+$0xFA60];
	v15 =	vadd.f32 v6, v15;
	v13 =	vadd.f32 v16, v13  }
0x183: {  	v10 =	vadd.f32 v5, v10;
	v9 =	vadd.f32 v17, v9;
	v16 =	vmul.f32 v4, v4;
	v6 =	vld [tilespmem:s13+$0xFA70];
	s13 =	sshra.s32 s15, $0x2  }
.Ltmp6:
0x184: {  	v8 =	vadd.f32 v1, v8;
	v5 =	vld [tilespmem:s13+$0xFA00];
	v7 =	vadd.f32 v14, v7;
	v14 =	vmul.f32 v2, v2;
	(pc) =	sbr.rel @p0 .LBB2_15-.Ltmp6, $4  }
0x185: {  	v10 =	vadd.f32 v4, v10;
	v1 =	vld [tilespmem:s13+$0xFA10];
	v17 =	vmul.f32 v3, v3;
	v9 =	vadd.f32 v16, v9  }
0x186: {  	v8 =	vadd.f32 v2, v8;
	v4 =	vld [tilespmem:s13+$0xFA40];
	v16 =	vmul.f32 v18, v18;
	v7 =	vadd.f32 v14, v7  }
0x187: {  	v11 =	vadd.f32 v3, v11;
	v2 =	vld [tilespmem:s13+$0xFA50];
	v12 =	vadd.f32 v17, v12;
	v14 =	vmul.f32 v0, v0  }
0x188: {  	s15 =	sadd.s32 $0x200, s15;
	v15 =	vadd.f32 v18, v15;
	v3 =	vld [tilespmem:s13+$0xFA20];
	v13 =	vadd.f32 v16, v13;
	v16 =	vmul.f32 v6, v6  }
0x189: {  	v0 =	vadd.f32 v0, v11;
	v11 =	vadd.f32 v14, v12  }
0x18a: {  	v17 =	vmul.f32 v5, v5;
	v12 =	vld [tilespmem:s13+$0xFA30];
	v5 =	vadd.f32 v5, v10;
	v6 =	vadd.f32 v6, v15  }
0x18b: {  	v10 =	vmul.f32 v1, v1;
	v13 =	vadd.f32 v16, v13;
	v1 =	vadd.f32 v1, v8  }
0x18c: {  	v14 =	vld [tilespmem:s13+$0xFA60];
	v9 =	vadd.f32 v17, v9;
	v15 =	vmul.f32 v4, v4;
	v4 =	vadd.f32 v4, v5  }
0x18d: {  	v5 =	vld [tilespmem:s13+$0xFA70];
	v7 =	vadd.f32 v10, v7;
	v8 =	vmul.f32 v2, v2;
	v1 =	vadd.f32 v2, v1  }
0x18e: {  	v10 =	vmul.f32 v3, v3;
	v9 =	vadd.f32 v15, v9;
	v2 =	vmul.f32 $4.999999890e-03, v4  }
0x18f: {  	v0 =	vadd.f32 v3, v0;
	v15 =	vmul.f32 v12, v12;
	v7 =	vadd.f32 v8, v7  }
0x190: {  	v3 =	vadd.f32 v12, v6;
	v6 =	vmul.f32 $4.999999890e-03, v1;
	v4 =	vmul.f32 v2, v4  }
0x191: {  	v8 =	vadd.f32 v10, v11;
	v10 =	vmul.f32 v14, v14;
	v0 =	vadd.f32 v14, v0  }
0x192: {  	v3 =	vadd.f32 v5, v3;
	v1 =	vmul.f32 v6, v1;
	v4 =	vsub.f32 v9, v4  }
0x193: {  	v5 =	vmul.f32 v5, v5;
	v9 =	vadd.f32 v15, v13;
	v11 =	vmul.f32 $4.999999890e-03, v0  }
0x194: {  	v1 =	vsub.f32 v7, v1;
	v7 =	vmul.f32 $4.999999890e-03, v3;
	v4 =	vmul.f32 $5.025125570e-03, v4  }
0x195: {  	v8 =	vadd.f32 v10, v8;
	v5 =	vadd.f32 v5, v9;
	v0 =	vmul.f32 v11, v0  }
0x196: {  	v1 =	vmul.f32 $5.025125570e-03, v1;
	v3 =	vmul.f32 v7, v3;
	v4 =	vmax.f32 v4, $0.0e+00  }
0x197: {  	v0 =	vsub.f32 v8, v0;
	v9 =	vshrl.u32 v4, $0x1  }
0x198: {  	v8 =	vmul.f32 $5.000000000e-01, v4;
	v1 =	vmax.f32 v1, $0.0e+00;
	v3 =	vsub.f32 v5, v3  }
0x199: {  	v5 =	vshrl.u32 v1, $0x1;
	v10 =	vmul.f32 $5.000000000e-01, v1;
	v0 =	vmul.f32 $5.025125570e-03, v0  }
0x19a: {  	v9 =	vsub.s32 $0x5F3759DF, v9;
	v5 =	vsub.s32 $0x5F3759DF, v5;
	v3 =	vmul.f32 $5.025125570e-03, v3  }
0x19b: {  	v12 =	vmul.f32 v9, v8;
	v13 =	vmul.f32 v5, v10;
	v0 =	vmax.f32 v0, $0.0e+00  }
0x19c: {  	v14 =	vshrl.u32 v0, $0x1;
	v15 =	vmul.f32 $5.000000000e-01, v0;
	v3 =	vmax.f32 v3, $0.0e+00  }
0x19d: {  	v14 =	vsub.s32 $0x5F3759DF, v14;
	v57 =	vshrl.u32 v3, $0x1;
	v58 =	vmul.f32 $5.000000000e-01, v3  }
0x19e: {  	v12 =	vmul.f32 v9, v12;
	v18 =	vmul.f32 v14, v15;
	v16 =	vsub.s32 $0x5F3759DF, v57  }
0x19f: {  	v13 =	vmul.f32 v5, v13;
	v19 =	vmul.f32 v16, v58  }
0x1a0: {  	v12 =	vsub.f32 $1.500000000e+00, v12;
	v18 =	vmul.f32 v14, v18  }
0x1a1: {  	v13 =	vsub.f32 $1.500000000e+00, v13;
	v19 =	vmul.f32 v16, v19  }
0x1a2: {  	v9 =	vmul.f32 v9, v12;
	v12 =	vsub.f32 $1.500000000e+00, v18  }
0x1a3: {  	v5 =	vmul.f32 v5, v13;
	v13 =	vsub.f32 $1.500000000e+00, v19  }
0x1a4: {  	v59 =	vmul.f32 v9, v8;
	v12 =	vmul.f32 v14, v12  }
0x1a5: {  	v14 =	vmul.f32 v5, v10;
	v13 =	vmul.f32 v16, v13  }
0x1a6: {  	v60 =	vmul.f32 v59, v9;
	v61 =	vmul.f32 v12, v15  }
0x1a7: {  	v14 =	vmul.f32 v14, v5;
	v62 =	vmul.f32 v13, v58  }
0x1a8: {  	v16 =	vsub.f32 $1.500000000e+00, v60;
	v18 =	vmul.f32 v61, v12  }
0x1a9: {  	v14 =	vsub.f32 $1.500000000e+00, v14;
	v19 =	vmul.f32 v62, v13  }
0x1aa: {  	v9 =	vmul.f32 v16, v9;
	v63 =	vsub.f32 $1.500000000e+00, v18  }
0x1ab: {  	v5 =	vmul.f32 v14, v5;
	v14 =	vsub.f32 $1.500000000e+00, v19  }
0x1ac: {  	v8 =	vmul.f32 v9, v8;
	v12 =	vmul.f32 v63, v12  }
0x1ad: {  	v10 =	vmul.f32 v5, v10;
	v13 =	vmul.f32 v14, v13  }
0x1ae: {  	v8 =	vmul.f32 v8, v9;
	v14 =	vmul.f32 v12, v15  }
0x1af: {  	v10 =	vmul.f32 v10, v5;
	v15 =	vmul.f32 v13, v58  }
0x1b0: {  	v8 =	vsub.f32 $1.500000000e+00, v8;
	v14 =	vmul.f32 v14, v12  }
0x1b1: {  	v10 =	vsub.f32 $1.500000000e+00, v10;
	v15 =	vmul.f32 v15, v13  }
0x1b2: {  	v8 =	vmul.f32 v8, v9;
	v9 =	vsub.f32 $1.500000000e+00, v14  }
0x1b3: {  	v5 =	vmul.f32 v10, v5;
	v10 =	vsub.f32 $1.500000000e+00, v15  }
0x1b4: {  	v4 =	vmul.f32 v8, v4;
	v8 =	vmul.f32 v9, v12  }
0x1b5: {  	v1 =	vmul.f32 v5, v1;
	v5 =	vmul.f32 v10, v13  }
0x1b6: {  	v4 =	vadd.f32 $9.999999930e-09, v4;
	v0 =	vmul.f32 v8, v0  }
0x1b7: {  	v1 =	vadd.f32 $9.999999930e-09, v1;
	v3 =	vmul.f32 v5, v3  }
0x1b8: {  	(erf) = vrcp.f32 v4;
	v0 =	vadd.f32 $9.999999930e-09, v0  }
0x1b9: {  	(erf) = vrcp.f32 v1;
	v1 =	vadd.f32 $9.999999930e-09, v3  }
0x1ba: {  	(erf) = vrcp.f32 v0  }
0x1bb: {  	(erf) = vrcp.f32 v1;
	_ =	sdelay $0x2  }
0x1bc: {  	s13 =	simm.s32 $0x0  }
0x1bd: {  	v9 =	vld [tilespmem:s13+$0xFA00];
	_ =	sdelay $0x1  }
0x1be: {  	v13 =	vld [tilespmem:s13+$0xFA10];
	v1 =	vpop (erf)  }
0x1bf: {  	v8 =	vld [tilespmem:s13+$0xFA20];
	v3 =	vsub.f32 $0.0e+00, v2;
	v0 =	vpop (erf)  }
0x1c0: {  	v12 =	vsub.f32 $0.0e+00, v7;
	v10 =	vld [tilespmem:s13+$0xFA30];
	v4 =	vsub.f32 $0.0e+00, v6;
	v2 =	vpop (erf)  }
0x1c1: {  	v5 =	vsub.f32 $0.0e+00, v11;
	v11 =	vld [tilespmem:s13+$0xFA40];
	v7 =	vmul.f32 v1, v3;
	v14 =	vmul.f32 v9, v1;
	v6 =	vpop (erf)  }
0x1c2: {  	v4 =	vmul.f32 v0, v4;
	v3 =	vmul.f32 v6, v12;
	v12 =	vld [tilespmem:s13+$0xFA50]  }
0x1c3: {  	s15 =	simm.s32 $0x200;
	v9 =	vld [tilespmem:s13+$0xFA60];
	v13 =	vmul.f32 v13, v0;
	v5 =	vmul.f32 v2, v5  }
.LBB2_17:
0x1c4: {  	p0 =	sne.s32 s15, $0xC600;
	v14 =	vadd.f32 v14, v7;
	v8 =	vmul.f32 v8, v2;
	v15 =	vld [tilespmem:s13+$0xFA70]  }
0x1c5: {  	v13 =	vadd.f32 v13, v4;
	v10 =	vmul.f32 v10, v6  }
0x1c6: {  	s16 =	sshra.s32 s15, $0x2;
	[tilespmem:s13+$0xFA00] =	vst v14;
	v8 =	vadd.f32 v8, v5;
	v11 =	vmul.f32 v11, v1  }
0x1c7: {  	v14 =	vld [tilespmem:s16+$0xFA00];
	[tilespmem:s13+$0xFA10] =	vst v13;
	v10 =	vadd.f32 v10, v3;
	v12 =	vmul.f32 v12, v0  }
0x1c8: {  	v13 =	vld [tilespmem:s16+$0xFA10];
	[tilespmem:s13+$0xFA20] =	vst v8;
	v11 =	vadd.f32 v11, v7;
	v9 =	vmul.f32 v9, v2  }
.Ltmp7:
0x1c9: {  	v8 =	vld [tilespmem:s16+$0xFA20];
	[tilespmem:s13+$0xFA30] =	vst v10;
	v12 =	vadd.f32 v12, v4;
	v15 =	vmul.f32 v15, v6;
	(pc) =	sbr.rel @p0 .LBB2_17-.Ltmp7, $4  }
0x1ca: {  	v10 =	vld [tilespmem:s16+$0xFA30];
	[tilespmem:s13+$0xFA40] =	vst v11;
	v9 =	vadd.f32 v9, v5  }
0x1cb: {  	v11 =	vld [tilespmem:s16+$0xFA40];
	[tilespmem:s13+$0xFA50] =	vst v12;
	v15 =	vadd.f32 v15, v3  }
0x1cc: {  	v14 =	vmul.f32 v14, v1;
	v12 =	vld [tilespmem:s16+$0xFA50];
	[tilespmem:s13+$0xFA60] =	vst v9  }
0x1cd: {  	s15 =	sadd.s32 $0x200, s15;
	v13 =	vmul.f32 v13, v0;
	v9 =	vld [tilespmem:s16+$0xFA60];
	[tilespmem:s13+$0xFA70] =	vst v15;
	s13 =	smov.u32 s16  }
0x1ce: {  	v14 =	vadd.f32 v14, v7;
	v8 =	vmul.f32 v8, v2;
	v15 =	vld [tilespmem:s13+$0xFA70]  }
0x1cf: {  	v13 =	vadd.f32 v13, v4;
	v10 =	vmul.f32 v10, v6  }
0x1d0: {  	[tilespmem:s13+$0xFA00] =	vst v14;
	v8 =	vadd.f32 v8, v5;
	v1 =	vmul.f32 v11, v1  }
0x1d1: {  	[tilespmem:s13+$0xFA10] =	vst v13;
	v10 =	vadd.f32 v10, v3;
	v0 =	vmul.f32 v12, v0  }
0x1d2: {  	s0 =	sadd.s32 $0x1, s0;
	[tilespmem:s13+$0xFA20] =	vst v8;
	v1 =	vadd.f32 v1, v7;
	v60 =	vmul.f32 v9, v2  }
0x1d3: {  	p0 =	sne.s32 s0, $0x20;
	[tilespmem:s13+$0xFA30] =	vst v10;
	v0 =	vadd.f32 v0, v4;
	v61 =	vmul.f32 v15, v6  }
.Ltmp8:
0x1d4: {  	s12 =	sadd.s32 s5, s12;
	[tilespmem:s13+$0xFA40] =	vst v1;
	v62 =	vadd.f32 v60, v5;
	(pc) =	sbr.rel @p0 .LBB2_2-.Ltmp8, $4  }
0x1d5: {  	s12 =	smul.u32 $0x640, s12;
	[tilespmem:s13+$0xFA50] =	vst v0;
	v63 =	vadd.f32 v61, v3  }
0x1d6: {  	[tilespmem:s13+$0xFA60] =	vst v62  }
0x1d7: {  	s12 =	sadd.s32 s2, s12;
	[tilespmem:s13+$0xFA70] =	vst v63  }
0x1d8: {  	[hbm4b:s12+s3] =	stream.linear.scatter [tilespmem:s21], [sflag:$0x8], $0x3200, $0x38;
	[tilespmem:$0x12C00] =	vst v63  }
0x1d9: {  	_ =	swait.ge [sflag:s28], $0x3200  }
0x1da: {  	[sflag:s28] =	ssyncset.done $0x0  }
0x1db: {  	[sflag:s28] =	ssyncadd.s32 $0xFFFFCE00  }
0x1dc: {  	_ =	swait.ge [sflag:s29], $0x3200  }
0x1dd: {  	[sflag:s29] =	ssyncset.done $0x0  }
0x1de: {  	s1 =	sadd.s32 $0x1, s1;
	[sflag:s29] =	ssyncadd.s32 $0xFFFFCE00  }
0x1df: {  	p0 =	sne.s32 s1, s7;
	_ =	swait.ge [sflag:s30], $0x3200  }
.Ltmp9:
0x1e0: {  	[sflag:s30] =	ssyncset.done $0x0;
	(pc) =	sbr.rel @p0 .LBB2_1-.Ltmp9, $4  }
0x1e1: {  	[sflag:s30] =	ssyncadd.s32 $0xFFFFCE00  }
0x1e2: {  	_ =	swait.ge [sflag:s31], $0x3200  }
0x1e3: {  	[sflag:s31] =	ssyncset.done $0x0  }
0x1e4: {  	[sflag:s31] =	ssyncadd.s32 $0xFFFFCE00  }
0x1e5: {  	_ =	sfence.sel $0x180000  }
0x1e6: {  	[bflag:$0x0] =	sbarrier.arrive $0xFFFF  }
0x1e7: {  	_ =	strace $0x90000047  }
0x1e8: {  	s0 =	stileid.u32;
	[bflag:$0x2] =	sbarrier.arrive $0xFFFF  }
0x1e9: {  	p0 =	sne.s32 s0, $0x0;
	s0 =	rddreg [dreg:$0x2]  }
0x1ea: {  	s0 =	sadd.s32 @!p0 $0x100000, s0  }
0x1eb: {  	[sflag:s0] =	ssyncadd.tile.s32 @!p0 $0x1;
	_ =	shalt  }
.Lfunc_end2:
_tile_overlayer_lowered:
.L_overlay_start_2:
0x1ec: {  	(tag) =	ssettag $0x2  }
0x1ed: {  	s0 =	rddreg [dreg:$0x0];
	s2 =	stileid.u32  }
0x1ee: {  	s1 =	rddreg [dreg:$0x1];
	p0 =	sne.s32 s2, $0x0  }
0x1ef: {  	s3 =	rddreg [dreg:$0x2];
	[bflag:$0x3] =	sbarrier.arrive $0xFFFF;
	s2 =	simm.s32 @!p0 $0x1C09  }
0x1f0: {  	[timem:s3], [sflag:s2] =	dma.local @!p0 [hbm:s0], s1  }
0x1f1: {  	s0 =	simm.s32 @!p0 $0x9  }
0x1f2: {  	_ =	swait.ge @!p0 [sflag:s0], s1  }
0x1f3: {  	s1 =	ssub.s32 @!p0 $0x0, s1;
	[sflag:s0] =	ssyncset.done @!p0 $0x0  }
0x1f4: {  	[sflag:s0] =	ssyncadd.s32 @!p0 s1  }
0x1f5: {  	[bflag:$0x3] =	sbarrier.arrive $0xFFFF  }
0x1f6: {  	_ =	shalt  }

// kernel: sparse-core-data-format-call.cloned.1.call-start
scs
called_computation_lowered:
.L_overlay_start_0:
0x0: {  	s2 =	sld [smem:$0x3FD9]  }
0x1: {  	s3 =	sld [smem:$0x3FFE];
	_ =	sdelay $0x1  }
0x2: {  	s1 =	srdreg.scid  }
0x3: {  	s0 =	sand.u32 $0x1, s1  }
0x4: {  	s18 =	sshll.u32 s0, $0xA;
	s2 =	sadd.s32 s3, s2  }
0x5: {  	s2 =	sadd.s32 s2, s18  }
0x6: {  	[smem:$0x3FC6] =	sst s2  }
0x7: {  	_ = 	snop  }
0x8: {  	s2 =	sld [smem:$0x3FD0];
	(tm) =	ssettm $0x1  }
0x9: {  	s19 =	sld [smem:$0x3FFB];
	_ =	sdelay $0x3  }
0xa: {  	_ =	strace s19  }
0xb: {  	s3 =	sld [smem:$0x3FFC];
	_ =	sdelay $0x3  }
0xc: {  	_ =	strace s3  }
0xd: {  	s3 =	sld [smem:$0x3FFD];
	_ =	sdelay $0x3  }
0xe: {  	_ =	strace s3  }
0xf: {  	_ =	strace $0x8FFFFFFF  }
0x10: {  	s20 =	sld [smem:$0x3FDB];
	_ =	sdelay $0x1  }
0x11: {  	s4 =	simm.s32 $_scs_section_size  }
0x12: {  	s5 =	simm.s32 $_size__tile_overlayer_lowered;
	s6 =	simm.s32 $_tile_overlayer_lowered  }
0x13: {  	s23 =	simm.s32 $0x1BFF;
	s22 =	sshll.u32 s6, $0x1;
	s3 =	sadd.s32 s4, s20  }
0x14: {  	s7 =	simm.s32 $0x0;
	s21 =	sshll.u32 s5, $0x1;
	s5 =	sadd.s32 s22, s3  }
0x15: {  	[timem:s7], [sflag:s23] =	dma.local [hbm:s5], s21  }
0x16: {  	_ =	swait.ge [sflag:s23], s21  }
0x17: {  	s4 =	ssub.s32 $0x0, s21;
	[sflag:s23] =	ssyncset.done $0x0  }
0x18: {  	[sflag:s23] =	ssyncadd.s32 s4;
	_ =	sdelay $0x1  }
0x19: {  	s24 =	simm.s32 $0x1B8B  }
0x1a: {  	_ =	swait.ge [sflag:s24], $0x1  }
0x1b: {  	[sflag:s24] =	ssyncset.done $0x0  }
0x1c: {  	s26 =	simm.s32 $0x1B8E;
	s25 =	sld [smem:$0x3FFE];
	[sflag:s24] =	ssyncadd.s32 $0xFFFFFFFF  }
0x1d: {  	s27 =	simm.s32 $execute0_lowered;
	[smem:$0x3FD2] =	sst s26  }
0x1e: {  	s5 =	sshll.u32 s27, $0x1;
	_ =	strace $0x80000049;
	[dreg:$0x1] =	wrdreg $0xFFFFFFFF  }
0x1f: {  	s28 =	simm.s32 $_size_execute0_lowered;
	s3 =	sadd.s32 s3, s5;
	[dreg:$0x0] =	wrdreg $0x0  }
0x20: {  	s5 =	sshll.u32 s28, $0x1;
	[dreg:$0x2] =	wrdreg s3  }
0x21: {  	[dreg:$0x3] =	wrdreg s5  }
0x22: {  	[dreg:$0x4] =	wrdreg $0xC0  }
0x23: {  	_ =	task [dreg:s7], $0x5FFFF  }
0x24: {  	[dreg:$0x1] =	wrdreg $0xFFFFFFFF  }
0x25: {  	[dreg:$0x0] =	wrdreg $0x60  }
0x26: {  	[dreg:$0x2] =	wrdreg s25  }
0x27: {  	[dreg:$0x3] =	wrdreg s2  }
0x28: {  	[dreg:$0x4] =	wrdreg $0x9  }
0x29: {  	_ =	task.clear_ibuf [dreg:s7], $0x5FFFF;
	_ =	strace $0x90000049  }
0x2a: {  	s29 =	simm.s32 $0x9;
	_ =	strace $0x8000004B  }
0x2b: {  	_ =	swait.ge [sflag:s29], $0x1  }
0x2c: {  	[sflag:s29] =	ssyncadd.s32 $0xFFFFFFFF  }
0x2d: {  	_ =	strace $0x9000004B  }
0x2e: {  	_ =	sfence  }
0x2f: {  	s30 =	sld [smem:$0x0];
	_ =	sdelay $0x2  }
0x30: {  	s31 =	sshll.u32 s1, $0xD;
	s1 =	sshrl.u32 s1, $0x2  }
0x31: {  	s3 =	sand.u32 $0x4000, s31;
	s1 =	sadd.s32 s1, s30  }
0x32: {  	s0 =	sor.u32 s3, s0;
	s1 =	sshll.u32 s1, $0x11  }
0x33: {  	s0 =	sor.u32 s1, s0  }
0x34: {  	s0 =	sadd.s32 $0x8F2B, s0  }
0x35: {  	[sflag:s0] =	ssyncadd.remote.s32 $0x1  }
0x36: {  	_ =	sfence.sel $0xFFFF  }
0x37: {  	[dreg:$0x0] =	wrdreg $0xFFFFFFFF;
	(pc) =	sbr.abs _section_cstart, $3  }
0x38: {  	[dreg:$0x1] =	wrdreg $0xFFFFFFFF  }
0x39: {  	_ =	task.clear_ibuf [dreg:s7], $0x2FFFF;
	_ =	strace $0x9FFFFFFF  }
0x3a: {  	(tm) =	ssettm $0x7FFFFFFF  }
0x3b: {  	_ =	shalt  }
tec
execute0_lowered:
.L_overlay_start_1:
0x0: {  	(tag) =	ssettag $0x1  }
0x1: {  	s0 =	srdreg.scid  }
0x2: {  	s1 =	sshll.u32 s0, $0x4  }
0x3: {  	s0 =	stileid.u32;
	s1 =	sand.u32 $0x10, s1  }
0x4: {  	s1 =	sor.u32 s0, s1  }
0x5: {  	s6 =	rddreg [dreg:$0x0];
	s4 =	simm.s32 $0x1;
	s2 =	sshll.u32 s1, $0x7  }
0x6: {  	s7 =	simm.s32 $0x2;
	s12 =	simm.s32 $0x0;
	s1 =	ssub.s32 $0x1000, s2  }
0x7: {  	s8 =	simm.s32 $0x8000;
	s13 =	simm.s32 $0x0;
	s3 =	sand.u32 $0xF80, s1  }
0x8: {  	s9 =	simm.s32 $0x0;
	s5 =	sshrl.u32 s1, $0xC;
	p0 =	sne.s32 s3, $0x0  }
.Ltmp0:
0x9: {  	s1 =	rddreg [dreg:$0x2];
	s4 =	simm.s32 @!p0 $0x0;
	(pc) =	sbr.rel .LBB1_1-.Ltmp0, $4  }
0xa: {  	s11 =	simm.s32 $0x0;
	s3 =	rddreg [dreg:$0x1];
	s5 =	sadd.s32 s4, s5  }
0xb: {  	_ =	strace $0x8000004A;
	s4 =	simm.s32 $0x1;
	s5 =	smul.u32 $0xC8, s5  }
0xc: {  	s6 =	sadd.s32 $0xA00, s6;
	s10 =	smov.u32 s2;
	[sflag:s4] =	ssyncpa.u1 $0x0  }
0xd: {  	p0 =	por $0x0, $0x0;
	[sflag:s7] =	ssyncpa.u1 $0x0;
	s7 =	sor.u32 $0x1, s5  }
.LBB1_4:
0xe: {  	s16 =	sshll.u32 s13, $0x3;
	s17 =	sand.u32 $0x78, s13  }
0xf: {  	s30 =	sand.u32 $0x7E00, s13;
	s12 =	sshll.u32 s12, $0xF;
	s16 =	sand.u32 $0xC00, s16  }
0x10: {  	[tilespmem:s15+$0x810 ss:$0x81] =	vst.msk $0xffff, v2;
	s31 =	sand.u32 $0x7, s13;
	s16 =	sor.u32 s17, s16;
	s17 =	sadd.s32 s3, s30  }
0x11: {  	[tilespmem:s15+$0x1020 ss:$0x81] =	vst.msk $0xffff, v0;
	s13 =	sshll.u32 s31, $0x12;
	s12 =	sadd.s32 s12, s17;
	s16 =	sshrl.u32 s16, $0x3  }
0x12: {  	[tilespmem:s15+$0x0 ss:$0x81] =	vst.msk $0xffff, v1;
	s13 =	sor.u32 $0x400, s13;
	s12 =	sadd.s32 s16, s12  }
0x13: {  	[hbm4b:s12+s13] =	stream.strided.scatter [tilespmem:s14], [sflag:$0x2], $0x2000, s8, s13, $0x20;
	[tilespmem:$0x8080] =	vst v63  }
.LBB1_5:
0x14: {  	s14 =	sadd.s32 $0x1, s9  }
0x15: {  	s12 =	sadd.s32 $0x1000, s10;
	s16 =	smov.u32 s10;
	p2 =	sgt.s32 s14, $0xC7  }
0x16: {  	s16 =	smov.u32 @p2 s12  }
0x17: {  	s14 =	simm.s32 @p2 $0x0;
	p2 =	sgt.s32 s16, $0xFFF  }
0x18: {  	s16 =	smov.u32 @p2 s2;
	p2 =	sne.s32 s11, s7  }
.Ltmp1:
0x19: {  	p1 =	slt.u32 s11, $0x2;
	(pc) =	sbr.rel @!p2 .LBB1_6-.Ltmp1, $4  }
0x1a: {  	s15 =	simm.s32 @!p1 $0x2  }
0x1b: {  	s13 =	smov.u32 s10;
	p0 =	por !p0, !p0;
	_ =	swait.ge @!p1 [sflag:s15], $0x2000  }
0x1c: {  	s12 =	smov.u32 s9;
	[sflag:s15] =	ssyncset.done @!p1 $0x0;
	s9 =	smov.u32 s14  }
0x1d: {  	s11 =	sadd.s32 $0x1, s11;
	[sflag:s15] =	ssyncadd.s32 @!p1 $0xFFFFE000;
	s10 =	smov.u32 s16  }
.LBB1_1:
0x1e: {  	p1 =	sge.u32 s11, s5  }
0x1f: {  	s14 =	sand.u32 @!p1 $0x1FFFFFF, s9  }
0x20: {  	s15 =	smulhi.u32 @!p1 $0x147AE15, s14;
	_ =	sdelay $0x1  }
0x21: {  	s15 =	smul.u32 @!p1 $0xC8, s15  }
0x22: {  	s16 =	sxor.u32 @!p1 $0xFFFFFFFF, s11;
	s17 =	smul.u32 @!p1 $0xC80, s10  }
0x23: {  	s31 =	sadd.s32 $0xFFFFFFFF, s11;
	s16 =	sshll.u32 @!p1 s16, $0xD;
	s14 =	ssub.s32 @!p1 s14, s15  }
0x24: {  	s15 =	sand.u32 @!p1 $0x2000, s16;
	s16 =	sadd.s32 @!p1 s6, s17;
	s14 =	sshll.u32 @!p1 s14, $0x4  }
0x25: {  	s17 =	simm.s32 @!p1 $0x6400;
	s14 =	sadd.s32 @!p1 s14, s16;
	s16 =	simm.s32 @!p1 $0x40  }
0x26: {  	[tilespmem:s15], [sflag:$0x1] =	stream.strided.gather @!p1 [hbm4b:s14+s16], $0x2000, s17, s16, $0x38;
	[tilespmem:$0x8080] =	vst v63  }
0x27: {  	p1 =	sge.u32 s31, s5  }
.Ltmp2:
0x28: {  	_ = 	snop;
	(pc) =	sbr.rel @p1 .LBB1_5-.Ltmp2, $1  }
0x29: {  	_ =	sdelay $0x3  }
0x2a: {  	s14 =	simm.s32 $0x1  }
0x2b: {  	_ =	swait.ge [sflag:s4], $0x2000;
	s14 =	simm.s32 @!p0 $0x0  }
0x2c: {  	[sflag:s4] =	ssyncset.done $0x0;
	s15 =	sshll.u32 s14, $0xD  }
0x2d: {  	[sflag:s4] =	ssyncadd.s32 $0xFFFFE000;
	s18 =	sor.u32 $0x20, s15  }
0x2e: {  	s14 =	smul.u32 $0x8100, s14;
	v3 =	vld [tilespmem:s18+$0x10]  }
0x2f: {  	s30 =	sand.u32 $0x1, s11;
	v2 =	vld [tilespmem:s18+$0xFFFFFFF0]  }
0x30: {  	s15 =	smul.u32 $0x8100, s30;
	s14 =	sshrl.u32 s14, $0x2;
	v0 =	vld [tilespmem:s18+$0x0]  }
0x31: {  	v1 =	vld [tilespmem:s18+$0xFFFFFFE0];
	s16 =	sor.u32 $0x4000, s14  }
0x32: {  	s31 =	sshrl.u32 s15, $0x2;
	s15 =	sadd.s32 $0x0, s16  }
0x33: {  	s17 =	simm.s32 $0x4;
	s18 =	sadd.s32 $0x40, s18;
	s14 =	sor.u32 $0x4000, s31;
	[tilespmem:s15+$0x1830 ss:$0x81] =	vst.msk $0xffff, v3  }
.LBB1_3:
0x34: {  	v3 =	vld [tilespmem:s18+$0x10];
	p1 =	sne.s32 s17, $0x1FC;
	[tilespmem:s15+$0x810 ss:$0x81] =	vst.msk $0xffff, v2;
	s19 =	smov.u32 s17;
	s17 =	sadd.s32 $0x4, s17  }
.Ltmp3:
0x35: {  	v2 =	vld [tilespmem:s18+$0xFFFFFFF0];
	[tilespmem:s15+$0x1020 ss:$0x81] =	vst.msk $0xffff, v0;
	(pc) =	sbr.rel @p1 .LBB1_3-.Ltmp3, $4  }
0x36: {  	v0 =	vld [tilespmem:s18+$0x0];
	[tilespmem:s15+$0x0 ss:$0x81] =	vst.msk $0xffff, v1  }
0x37: {  	s15 =	sshra.s32 s19, $0x2;
	v1 =	vld [tilespmem:s18+$0xFFFFFFE0]  }
0x38: {  	s15 =	sadd.s32 s15, s16  }
0x39: {  	s18 =	sadd.s32 $0x40, s18;
	[tilespmem:s15+$0x1830 ss:$0x81] =	vst.msk $0xffff, v3  }
.Ltmp4:
0x3a: {  	_ = 	snop;
	(pc) =	sbr.rel .LBB1_4-.Ltmp4, $1  }
0x3b: {  	_ =	sdelay $0x3  }
.LBB1_6:
0x3c: {  	_ =	sfence.sel $0x180000  }
0x3d: {  	s2 =	simm.s32 $0x1;
	[bflag:$0x0] =	sbarrier.arrive $0xFFFF  }
0x3e: {  	s31 =	simm.s32 $0x2;
	[sflag:s2] =	ssyncpa.u1 $0x1  }
0x3f: {  	[sflag:s31] =	ssyncpa.u1 $0x1  }
0x40: {  	p0 =	sne.s32 s0, $0x0;
	_ =	strace $0x9000004A  }
0x41: {  	s0 =	sadd.s32 @!p0 $0x100000, s1;
	[bflag:$0x2] =	sbarrier.arrive $0xFFFF  }
0x42: {  	[sflag:s0] =	ssyncadd.tile.s32 @!p0 $0x1;
	_ =	shalt  }
.Lfunc_end1:
_tile_overlayer_lowered:
.L_overlay_start_2:
0x43: {  	(tag) =	ssettag $0x2  }
0x44: {  	s0 =	rddreg [dreg:$0x0];
	s2 =	stileid.u32  }
0x45: {  	s1 =	rddreg [dreg:$0x1];
	p0 =	sne.s32 s2, $0x0  }
0x46: {  	s3 =	rddreg [dreg:$0x2];
	[bflag:$0x3] =	sbarrier.arrive $0xFFFF;
	s2 =	simm.s32 @!p0 $0x1C01  }
0x47: {  	[timem:s3], [sflag:s2] =	dma.local @!p0 [hbm:s0], s1  }
0x48: {  	s0 =	simm.s32 @!p0 $0x1  }
0x49: {  	_ =	swait.ge @!p0 [sflag:s0], s1  }
0x4a: {  	s1 =	ssub.s32 @!p0 $0x0, s1;
	[sflag:s0] =	ssyncset.done @!p0 $0x0  }
0x4b: {  	[sflag:s0] =	ssyncadd.s32 @!p0 s1  }
0x4c: {  	[bflag:$0x3] =	sbarrier.arrive $0xFFFF  }
0x4d: {  	_ =	shalt  }

</sc_bundles>
